<compile_context>
chip_gen: v7x
topology: tpu7x:2x2x1
jax: 0.10.2.dev20260603
libtpu: 0.0.44.dev20260713+nightly
codegen_flags: <defaults>
</compile_context>

<pallas_src>
import functools

import jax
import jax.numpy as jnp
from jax import lax
from jax.experimental import pallas as pl
from jax.experimental.pallas import tpu as pltpu
from jax.experimental.pallas import tpu_sc as plsc

ALPHA = 0.9
ONE_MINUS_ALPHA = 0.1
NSUB = 16
NCORE = 2
H = 8
DUM = 128
KE = 512
SUB = 512
NJ = KE // SUB
NSLOT = 2
DEPTH = NSLOT // 2
NSLAB = 16


def _vrsqrt(v):
    i = plsc.bitcast(v, jnp.int32)
    h = jnp.int32(0x5F3759DF) - (i >> 1)
    r = plsc.bitcast(h, jnp.float32)
    for _ in range(3):
        r = r * (jnp.float32(1.5) - jnp.float32(0.5) * v * r * r)
    return r


def _build(N, E):
    CHUNK = ((N + NSUB - 1) // NSUB + 63) // 64 * 64
    NP = NSUB * CHUNK
    NSP = NP + DUM
    SLAB = CHUNK // NSLAB
    EPAD = (E + NSUB * KE * NSLOT - 1) // (NSUB * KE * NSLOT) * (NSUB * KE * NSLOT)
    ET = EPAD // NSUB
    NCH = ET // KE
    ERB = ET // SUB
    A8 = NSP // NSUB

    mesh = plsc.VectorSubcoreMesh(core_axis_name="c", subcore_axis_name="s")

    @functools.partial(
        pl.kernel,
        out_type=jax.ShapeDtypeStruct((NCORE, NP, H), jnp.float32),
        mesh=mesh,
        scratch_types=dict(
            ys_sp=pltpu.VMEM_SHARED((NSP, H), jnp.float32),
            agg_sp=pltpu.VMEM_SHARED((NSP, H), jnp.float32),
            zer=pltpu.VMEM((SLAB, H), jnp.float32),
            dbuf=pltpu.VMEM((CHUNK + 16,), jnp.float32),
            abuf=pltpu.VMEM((SLAB, H), jnp.float32),
            lbuf=pltpu.VMEM((2, SLAB, H), jnp.float32),
            isrc=pltpu.VMEM((NSLOT, NJ, SUB), jnp.int32),
            idst=pltpu.VMEM((NSLOT, NJ, SUB), jnp.int32),
            rows8=pltpu.VMEM((NSLOT, NJ, SUB, H), jnp.float32),
            nlb=pltpu.VMEM((16,), jnp.int32),
            gsem=pltpu.SemaphoreType.DMA,
            lsem=pltpu.SemaphoreType.DMA,
            isem=pltpu.SemaphoreType.DMA,
            ssem=pltpu.SemaphoreType.DMA,
        ),
        compiler_params=pltpu.CompilerParams(needs_layout_passes=False,
                                             use_tc_tiling_on_sc=False),
    )
    def prop(lab2d, src2d, dst2d, nl16, out_f, ys_sp, agg_sp, zer, dbuf,
             abuf, lbuf, isrc, idst, rows8, nlb, gsem, lsem, isem, ssem):
        c = lax.axis_index("c")
        s = lax.axis_index("s")
        lane = lax.iota(jnp.int32, 16)
        hi_half = lane >> 3
        lane8 = jnp.bitwise_and(lane, 7)
        zero16 = jnp.zeros(16, jnp.int32)

        def fill_zer(k, _):
            plsc.store_scatter(zer, [2 * k + hi_half, lane8],
                               jnp.zeros(16, jnp.float32))
            return _

        lax.fori_loop(0, SLAB // 2, fill_zer, None)
        ones0 = rows8.at[0, 0]

        def fill_ones(k, _):
            plsc.store_scatter(ones0, [2 * k + hi_half, lane8],
                               jnp.full(16, 1.0, jnp.float32))
            return _

        lax.fori_loop(0, SUB // 2, fill_ones, None)
        pltpu.sync_copy(nl16, nlb)
        nl = jnp.max(nlb[...])

        def zero_agg(j, _):
            pltpu.sync_copy(zer, agg_sp.at[pl.ds(s * A8 + j * SLAB, SLAB)])
            return _

        nfull = A8 // SLAB
        lax.fori_loop(0, nfull, zero_agg, None)
        tail = A8 - nfull * SLAB
        if tail:
            pltpu.sync_copy(zer.at[pl.ds(0, tail)],
                            agg_sp.at[pl.ds(s * A8 + nfull * SLAB, tail)])

        @pl.when(s == 0)
        def _():
            pltpu.sync_copy(zer.at[pl.ds(0, DUM)], ys_sp.at[pl.ds(NP, DUM)])

        plsc.subcore_barrier()

        def edge_sweep(do_gather):
            def fire_idx(ch, b):
                rb = s * ERB + ch * NJ
                if do_gather:
                    pltpu.async_copy(src2d.at[pl.ds(rb, NJ)], isrc.at[b], isem)
                pltpu.async_copy(dst2d.at[pl.ds(rb, NJ)], idst.at[b], isem)

            def drain_scatters(b):
                for j in range(NJ):
                    src = rows8.at[b, j] if do_gather else ones0
                    pltpu.make_async_copy(src, agg_sp.at[idst.at[b, j]],
                                          ssem).wait()

            def do_chunk(ch, b):
                rb = s * ERB + ch * NJ
                if do_gather:
                    pltpu.make_async_copy(src2d.at[pl.ds(rb, NJ)], isrc.at[b],
                                          isem).wait()
                pltpu.make_async_copy(dst2d.at[pl.ds(rb, NJ)], idst.at[b],
                                      isem).wait()
                gds = []
                if do_gather:
                    gds = [
                        pltpu.async_copy(ys_sp.at[isrc.at[b, j]],
                                         rows8.at[b, j], gsem)
                        for j in range(NJ)
                    ]

                @pl.when(ch >= DEPTH)
                def _():
                    drain_scatters((b + DEPTH) % NSLOT)

                @pl.when(ch + DEPTH < NCH)
                def _():
                    fire_idx(ch + DEPTH, (b + DEPTH) % NSLOT)

                for j in range(NJ):
                    if do_gather:
                        gds[j].wait()
                        pltpu.async_copy(rows8.at[b, j],
                                         agg_sp.at[idst.at[b, j]], ssem,
                                         add=True)
                    else:
                        pltpu.async_copy(ones0, agg_sp.at[idst.at[b, j]],
                                         ssem, add=True)

            for ch0 in range(DEPTH):
                fire_idx(ch0, ch0)

            def quad(q, _):
                for p in range(NSLOT):
                    do_chunk(q * NSLOT + p, p)
                return _

            lax.fori_loop(0, NCH // NSLOT, quad, None)
            for ch0 in range(NCH - DEPTH, NCH):
                drain_scatters(ch0 % NSLOT)

        edge_sweep(do_gather=False)
        plsc.subcore_barrier()

        def setup_slab(j, _):
            roff = s * CHUNK + j * SLAB
            pltpu.sync_copy(agg_sp.at[pl.ds(roff, SLAB)], abuf)
            pltpu.sync_copy(zer.at[pl.ds(0, SLAB)],
                            agg_sp.at[pl.ds(roff, SLAB)])
            pltpu.sync_copy(lab2d.at[c, pl.ds(roff, SLAB)], lbuf.at[0])

            def dbody(k, _):
                d = plsc.load_gather(abuf, [k * 16 + lane, zero16])
                d = jnp.maximum(d, jnp.float32(1.0))
                dbuf[pl.ds(j * SLAB + k * 16, 16)] = _vrsqrt(d)
                return _

            lax.fori_loop(0, (SLAB + 15) // 16, dbody, None)

            def ybody(k, _):
                idxr = 2 * k + hi_half
                ne = plsc.load_gather(dbuf, [j * SLAB + idxr])
                l = plsc.load_gather(lbuf.at[0], [idxr, lane8])
                plsc.store_scatter(lbuf.at[0], [idxr, lane8], l * ne)
                return _

            lax.fori_loop(0, SLAB // 2, ybody, None)
            pltpu.sync_copy(lbuf.at[0], ys_sp.at[pl.ds(roff, SLAB)])
            return _

        lax.fori_loop(0, NSLAB, setup_slab, None)
        plsc.subcore_barrier()

        def iteration(it, _):
            edge_sweep(do_gather=True)
            plsc.subcore_barrier()

            def lab_fire(j, q):
                pltpu.async_copy(
                    lab2d.at[c, pl.ds(s * CHUNK + j * SLAB, SLAB)],
                    lbuf.at[q], lsem)

            def node_slab(j, q):
                roff = s * CHUNK + j * SLAB

                @pl.when(j + 1 < NSLAB)
                def _():
                    lab_fire(j + 1, q ^ 1)

                pltpu.sync_copy(agg_sp.at[pl.ds(roff, SLAB)], abuf)
                pltpu.sync_copy(zer.at[pl.ds(0, SLAB)],
                                agg_sp.at[pl.ds(roff, SLAB)])
                pltpu.make_async_copy(
                    lab2d.at[c, pl.ds(roff, SLAB)], lbuf.at[q], lsem).wait()

                def body(k, _):
                    for u in range(2):
                        idxr = 4 * k + 2 * u + hi_half
                        ne = plsc.load_gather(dbuf, [j * SLAB + idxr])
                        a = plsc.load_gather(abuf, [idxr, lane8])
                        l = plsc.load_gather(lbuf.at[q], [idxr, lane8])
                        y = ONE_MINUS_ALPHA * l + ALPHA * ne * a
                        y = jnp.minimum(jnp.maximum(y, jnp.float32(0.0)),
                                        jnp.float32(1.0))
                        plsc.store_scatter(abuf, [idxr, lane8], y)
                        plsc.store_scatter(lbuf.at[q], [idxr, lane8], y * ne)
                    return _

                lax.fori_loop(0, SLAB // 4, body, None)
                pltpu.sync_copy(lbuf.at[q], ys_sp.at[pl.ds(roff, SLAB)])

                @pl.when(it == nl - 1)
                def _():
                    pltpu.sync_copy(abuf, out_f.at[c, pl.ds(roff, SLAB)])

                return None

            lab_fire(0, 0)

            def node_pair(d, _):
                node_slab(2 * d, 0)
                node_slab(2 * d + 1, 1)
                return _

            lax.fori_loop(0, NSLAB // 2, node_pair, None)
            plsc.subcore_barrier()
            return _

        lax.fori_loop(0, nl, iteration, None)

    return prop, NP, EPAD


def kernel(labels, edge_index, num_layers):
    N, C = labels.shape
    E = edge_index.shape[1]
    prop, NP, EPAD = _build(N, E)
    src = edge_index[0].astype(jnp.int32)
    dst = edge_index[1].astype(jnp.int32)
    pad = NP + jnp.arange(EPAD - E, dtype=jnp.int32) % DUM
    src2d = jnp.concatenate([src, pad]).reshape(EPAD // SUB, SUB)
    dst2d = jnp.concatenate([dst, pad]).reshape(EPAD // SUB, SUB)
    labp = jnp.pad(labels, ((0, NP - N), (0, 0)))
    lab2d = jnp.stack([labp[:, :H], labp[:, H:]])
    nl16 = jnp.full((16,), num_layers, jnp.int32)
    out = prop(lab2d, src2d, dst2d, nl16)
    return jnp.concatenate([out[0, :N], out[1, :N]], axis=1)

# --- scband reference (transcript-rebuilt; emitter-appended) ---
"""Pipeline reference for scband-label-propagation-51307679318059 (READ-ONLY COPY).

The authoritative reference and input builder live on the scoring server;
editing this copy changes nothing except your own understanding.
"""

import jax, jax.numpy as jnp
import numpy as np

ALPHA = 0.9
EI = 1.0
CONFIDENCE = 1.0
N_NODES = 100000
N_EDGES = 1600000
N_CLASSES = 16

def setup_inputs(seed: int = 0) -> dict:
    key = jax.random.key(seed)
    k1, k2 = jax.random.split(key)
    labels = jax.random.uniform(k1, (N_NODES, N_CLASSES), dtype=jnp.float32)
    edge_index = jax.random.randint(k2, (2, N_EDGES), 0, N_NODES, dtype=jnp.int64)
    return {"labels": labels, "edge_index": edge_index, "num_layers": 10}

def reference(labels, edge_index, num_layers):
    # labels already float -> skip one_hot branch (faithful to torch: only long dtype gets one-hot)
    N = labels.shape[0]
    src = edge_index[0]
    dst = edge_index[1]
    y = labels
    # mask is None -> y = labels
    last = (1.0 - ALPHA) * y * CONFIDENCE
    # in_degrees: count of incoming edges per node (dst side)
    degs = jax.ops.segment_sum(jnp.ones((src.shape[0],), dtype=jnp.float32), dst, num_segments=N)
    degs = jnp.maximum(degs, 1.0)
    norm = jnp.power(degs, -0.5)[:, None]  # adj == 'DAD'
    def body(i, y):
        y = norm * y          # left D^-1/2 (DAD/AD branch)
        h = y * EI            # g.ndata['h'] = y * EI
        # update_all(copy_u, sum): aggregate source messages at destination
        agg = jax.ops.segment_sum(h[src], dst, num_segments=N)
        y = ALPHA * agg
        y = y * norm          # right D^-1/2 (DAD/DA branch)
        y = jnp.clip(last + y, 0.0, 1.0)  # post_step clamp
        return y
    y = jax.lax.fori_loop(0, num_layers, body, y)
    return y

if __name__ == "__main__":
    import jax
    _d = setup_inputs()
    print(jax.jit(kernel)(*tuple(_d.values())))

</pallas_src>

<mosaic_0001>
#map = affine_map<(d0, d1) -> (0, 0, 0)>
#map1 = affine_map<(d0, d1) -> (0, 0)>
#map2 = affine_map<(d0, d1) -> (0)>
module attributes {stable_mosaic.version = 14 : i64} {
  func.func @prop(%arg0: i32, %arg1: i32, %arg2: memref<2x100352x8xf32, #tpu.memory_space<hbm>>, %arg3: memref<3136x512xi32, #tpu.memory_space<hbm>>, %arg4: memref<3136x512xi32, #tpu.memory_space<hbm>>, %arg5: memref<16xi32, #tpu.memory_space<hbm>>, %arg6: memref<2x100352x8xf32, #tpu.memory_space<hbm>>, %arg7: memref<392x8xf32, #tpu.memory_space<vmem>>, %arg8: memref<100480x8xf32, #tpu.memory_space<vmem_shared>>, %arg9: memref<6288xf32, #tpu.memory_space<vmem>>, %arg10: memref<!tpu.dma_semaphore, #tpu.memory_space<semaphore_mem>>, %arg11: memref<2x1x512xi32, #tpu.memory_space<vmem>>, %arg12: memref<!tpu.dma_semaphore, #tpu.memory_space<semaphore_mem>>, %arg13: memref<2x1x512xi32, #tpu.memory_space<vmem>>, %arg14: memref<2x392x8xf32, #tpu.memory_space<vmem>>, %arg15: memref<!tpu.dma_semaphore, #tpu.memory_space<semaphore_mem>>, %arg16: memref<16xi32, #tpu.memory_space<vmem>>, %arg17: memref<2x1x512x8xf32, #tpu.memory_space<vmem>>, %arg18: memref<!tpu.dma_semaphore, #tpu.memory_space<semaphore_mem>>, %arg19: memref<100480x8xf32, #tpu.memory_space<vmem_shared>>, %arg20: memref<392x8xf32, #tpu.memory_space<vmem>>) attributes {dimension_semantics = [#tpu.dimension_semantics<core_parallel>, #tpu.dimension_semantics<subcore_parallel>], iteration_bounds = array<i64: 2, 16>, scalar_prefetch = 0 : i64, scratch_operands = 14 : i64, tpu.core_type = #tpu.core_type<sc_vector_subcore>, window_params = [{transform_indices = #map}, {transform_indices = #map1}, {transform_indices = #map1}, {transform_indices = #map2}, {transform_indices = #map}]} {
    %iota3A = tpu.iota {dimensions = array<i32: 0>} : vector<16xi32>
    %shift_right_arithmetic3A = arith.constant 3 : i32
    %shift_right_arithmetic3A_0 = vector.broadcast %shift_right_arithmetic3A : i32 to vector<16xi32>
    %shift_right_arithmetic3A_1 = arith.shrsi %iota3A, %shift_right_arithmetic3A_0 : vector<16xi32>
    %and3A = arith.constant 7 : i32
    %and3A_2 = vector.broadcast %and3A : i32 to vector<16xi32>
    %and3A_3 = arith.andi %iota3A, %and3A_2 : vector<16xi32>
    %broadcast_in_dim3A = arith.constant 0 : i32
    %broadcast_in_dim3A_4 = vector.broadcast %broadcast_in_dim3A : i32 to vector<16xi32>
    %scan3A = arith.constant 0 : i32
    %scan3A_5 = arith.constant 196 : i32
    %scan3A_6 = arith.addi %scan3A, %scan3A_5 : i32
    %scan3A_7 = arith.constant 1 : i32
    scf.for %scan3A_84 = %scan3A to %scan3A_6 step %scan3A_7  : i32 {
      %mul3A_85 = arith.constant 2 : i32
      %mul3A_86 = arith.muli %mul3A_85, %scan3A_84 : i32
      %add3A_87 = vector.broadcast %mul3A_86 : i32 to vector<16xi32>
      %add3A_88 = arith.addi %add3A_87, %shift_right_arithmetic3A_1 : vector<16xi32>
      %broadcast_in_dim3A_89 = arith.constant 0.000000e+00 : f32
      %broadcast_in_dim3A_90 = vector.broadcast %broadcast_in_dim3A_89 : f32 to vector<16xf32>
      tpu.vector_store_idx %arg20[%add3A_88, %and3A_3], %broadcast_in_dim3A_90 : memref<392x8xf32, #tpu.memory_space<vmem>>[vector<16xi32>, vector<16xi32>], vector<16xf32>,
    }
    %scan3A_8 = arith.constant 196 : i32
    %scan3A_9 = arith.constant 0 : i32
    %scan3A_10 = arith.constant 0 : i32
    %scan3A_11 = arith.constant 0 : i32
    %scan3A_12 = arith.constant 256 : i32
    %scan3A_13 = arith.addi %scan3A_11, %scan3A_12 : i32
    %scan3A_14 = arith.constant 1 : i32
    scf.for %scan3A_84 = %scan3A_11 to %scan3A_13 step %scan3A_14  : i32 {
      %mul3A_85 = arith.constant 2 : i32
      %mul3A_86 = arith.muli %mul3A_85, %scan3A_84 : i32
      %add3A_87 = vector.broadcast %mul3A_86 : i32 to vector<16xi32>
      %add3A_88 = arith.addi %add3A_87, %shift_right_arithmetic3A_1 : vector<16xi32>
      %broadcast_in_dim3A_89 = arith.constant 1.000000e+00 : f32
      %broadcast_in_dim3A_90 = vector.broadcast %broadcast_in_dim3A_89 : f32 to vector<16xf32>
      %scatter3A = arith.constant 0 : i32
      %scatter3A_91 = arith.constant 0 : i32
      %scatter3A_92 = tpu.memref_slice %arg17[%scan3A_9, %scan3A_10, %scatter3A, %scatter3A_91] : memref<2x1x512x8xf32, #tpu.memory_space<vmem>> -> memref<1x1x512x8xf32, #tpu.memory_space<vmem>>
      %scatter3A_93 = tpu.memref_squeeze %scatter3A_92 : memref<1x1x512x8xf32, #tpu.memory_space<vmem>> -> memref<512x8xf32, #tpu.memory_space<vmem>>
      tpu.vector_store_idx %scatter3A_93[%add3A_88, %and3A_3], %broadcast_in_dim3A_90 : memref<512x8xf32, #tpu.memory_space<vmem>>[vector<16xi32>, vector<16xi32>], vector<16xf32>,
    }
    %scan3A_15 = arith.constant 256 : i32
    "tpu.region"() ({
      %run_scoped3A = tpu.sem_alloc : memref<!tpu.dma_semaphore, #tpu.memory_space<semaphore_mem>>
      tpu.enqueue_dma source(%arg5 : memref<16xi32, #tpu.memory_space<hbm>>) target(%arg16 : memref<16xi32, #tpu.memory_space<vmem>>) target_semaphore(%run_scoped3A : memref<!tpu.dma_semaphore, #tpu.memory_space<semaphore_mem>>)
      tpu.wait_dma2 semaphore(%run_scoped3A : memref<!tpu.dma_semaphore, #tpu.memory_space<semaphore_mem>>) src(%arg5 : memref<16xi32, #tpu.memory_space<hbm>>) dst(%arg16 : memref<16xi32, #tpu.memory_space<vmem>>)
      tpu.yield
    }) : () -> ()
    %get3A = arith.constant 0 : index
    %get3A_16 = tpu.vector_load %arg16[%get3A] {strides = array<i32>} : memref<16xi32, #tpu.memory_space<vmem>>, vector<16xi32>,
    %reduce_max3A = arith.constant true
    %reduce_max3A_17 = vector.broadcast %reduce_max3A : i1 to vector<16xi1>
    %reduce_max3A_18 = arith.constant -2147483648 : i32
    %reduce_max3A_19 = vector.broadcast %reduce_max3A_18 : i32 to vector<16xi32>
    %reduce_max3A_20 = arith.xori %get3A_16, %reduce_max3A_19 : vector<16xi32>
    %reduce_max3A_21 = tpu.scan <max>, %reduce_max3A_20 masked %reduce_max3A_17 : vector<16xi32>, vector<16xi1> -> vector<16xi32>
    %reduce_max3A_22 = arith.xori %reduce_max3A_21, %reduce_max3A_19 : vector<16xi32>
    %reduce_max3A_23 = vector.extract %reduce_max3A_22[15] : i32 from vector<16xi32>
    %scan3A_24 = arith.constant 0 : i32
    %scan3A_25 = arith.constant 16 : i32
    %scan3A_26 = arith.addi %scan3A_24, %scan3A_25 : i32
    %scan3A_27 = arith.constant 1 : i32
    scf.for %scan3A_84 = %scan3A_24 to %scan3A_26 step %scan3A_27  : i32 {
      %mul3A_85 = arith.constant 6280 : i32
      %mul3A_86 = arith.muli %arg1, %mul3A_85 : i32
      %mul3A_87 = arith.constant 392 : i32
      %mul3A_88 = arith.muli %scan3A_84, %mul3A_87 : i32
      %add3A_89 = arith.addi %mul3A_86, %mul3A_88 : i32
      "tpu.region"() ({
        %run_scoped3A = tpu.sem_alloc : memref<!tpu.dma_semaphore, #tpu.memory_space<semaphore_mem>>
        %dma_start3A_90 = arith.constant 0 : i32
        %dma_start3A_91 = tpu.memref_slice %arg8[%add3A_89, %dma_start3A_90] : memref<100480x8xf32, #tpu.memory_space<vmem_shared>> -> memref<392x8xf32, #tpu.memory_space<vmem_shared>>
        %dma_start3A_92 = arith.constant 0 : i32
        %dma_start3A_93 = tpu.memref_slice %arg8[%add3A_89, %dma_start3A_92] : memref<100480x8xf32, #tpu.memory_space<vmem_shared>> -> memref<392x8xf32, #tpu.memory_space<vmem_shared>>
        tpu.enqueue_dma source(%arg20 : memref<392x8xf32, #tpu.memory_space<vmem>>) target(%dma_start3A_93 : memref<392x8xf32, #tpu.memory_space<vmem_shared>>) target_semaphore(%run_scoped3A : memref<!tpu.dma_semaphore, #tpu.memory_space<semaphore_mem>>)
        %dma_wait3A_94 = arith.constant 0 : i32
        %dma_wait3A_95 = tpu.memref_slice %arg8[%add3A_89, %dma_wait3A_94] : memref<100480x8xf32, #tpu.memory_space<vmem_shared>> -> memref<392x8xf32, #tpu.memory_space<vmem_shared>>
        %dma_wait3A_96 = arith.constant 0 : i32
        %dma_wait3A_97 = tpu.memref_slice %arg8[%add3A_89, %dma_wait3A_96] : memref<100480x8xf32, #tpu.memory_space<vmem_shared>> -> memref<392x8xf32, #tpu.memory_space<vmem_shared>>
        tpu.wait_dma2 semaphore(%run_scoped3A : memref<!tpu.dma_semaphore, #tpu.memory_space<semaphore_mem>>) src(%arg20 : memref<392x8xf32, #tpu.memory_space<vmem>>) dst(%dma_wait3A_97 : memref<392x8xf32, #tpu.memory_space<vmem_shared>>)
        tpu.yield
      }) : () -> ()
    }
    %scan3A_28 = arith.constant 16 : i32
    %mul3A = arith.constant 6280 : i32
    %mul3A_29 = arith.muli %arg1, %mul3A : i32
    %add3A = arith.constant 6272 : i32
    %add3A_30 = arith.addi %mul3A_29, %add3A : i32
    "tpu.region"() ({
      %run_scoped3A = tpu.sem_alloc : memref<!tpu.dma_semaphore, #tpu.memory_space<semaphore_mem>>
      %dma_start3A_84 = arith.constant 0 : i32
      %dma_start3A_85 = arith.constant 0 : i32
      %dma_start3A_86 = tpu.memref_slice %arg20[%dma_start3A_84, %dma_start3A_85] : memref<392x8xf32, #tpu.memory_space<vmem>> -> memref<8x8xf32, #tpu.memory_space<vmem>>
      %dma_start3A_87 = arith.constant 0 : i32
      %dma_start3A_88 = tpu.memref_slice %arg8[%add3A_30, %dma_start3A_87] : memref<100480x8xf32, #tpu.memory_space<vmem_shared>> -> memref<8x8xf32, #tpu.memory_space<vmem_shared>>
      %dma_start3A_89 = arith.constant 0 : i32
      %dma_start3A_90 = tpu.memref_slice %arg8[%add3A_30, %dma_start3A_89] : memref<100480x8xf32, #tpu.memory_space<vmem_shared>> -> memref<8x8xf32, #tpu.memory_space<vmem_shared>>
      %dma_start3A_91 = arith.constant 0 : i32
      %dma_start3A_92 = arith.constant 0 : i32
      %dma_start3A_93 = tpu.memref_slice %arg20[%dma_start3A_91, %dma_start3A_92] : memref<392x8xf32, #tpu.memory_space<vmem>> -> memref<8x8xf32, #tpu.memory_space<vmem>>
      tpu.enqueue_dma source(%dma_start3A_93 : memref<8x8xf32, #tpu.memory_space<vmem>>) target(%dma_start3A_90 : memref<8x8xf32, #tpu.memory_space<vmem_shared>>) target_semaphore(%run_scoped3A : memref<!tpu.dma_semaphore, #tpu.memory_space<semaphore_mem>>)
      %dma_wait3A_94 = arith.constant 0 : i32
      %dma_wait3A_95 = arith.constant 0 : i32
      %dma_wait3A_96 = tpu.memref_slice %arg20[%dma_wait3A_94, %dma_wait3A_95] : memref<392x8xf32, #tpu.memory_space<vmem>> -> memref<8x8xf32, #tpu.memory_space<vmem>>
      %dma_wait3A_97 = arith.constant 0 : i32
      %dma_wait3A_98 = tpu.memref_slice %arg8[%add3A_30, %dma_wait3A_97] : memref<100480x8xf32, #tpu.memory_space<vmem_shared>> -> memref<8x8xf32, #tpu.memory_space<vmem_shared>>
      %dma_wait3A_99 = arith.constant 0 : i32
      %dma_wait3A_100 = tpu.memref_slice %arg8[%add3A_30, %dma_wait3A_99] : memref<100480x8xf32, #tpu.memory_space<vmem_shared>> -> memref<8x8xf32, #tpu.memory_space<vmem_shared>>
      %dma_wait3A_101 = arith.constant 0 : i32
      %dma_wait3A_102 = arith.constant 0 : i32
      %dma_wait3A_103 = tpu.memref_slice %arg20[%dma_wait3A_101, %dma_wait3A_102] : memref<392x8xf32, #tpu.memory_space<vmem>> -> memref<8x8xf32, #tpu.memory_space<vmem>>
      tpu.wait_dma2 semaphore(%run_scoped3A : memref<!tpu.dma_semaphore, #tpu.memory_space<semaphore_mem>>) src(%dma_wait3A_103 : memref<8x8xf32, #tpu.memory_space<vmem>>) dst(%dma_wait3A_100 : memref<8x8xf32, #tpu.memory_space<vmem_shared>>)
      tpu.yield
    }) : () -> ()
    %eq3A = arith.constant 0 : i32
    %eq3A_31 = arith.cmpi eq, %arg1, %eq3A : i32
    %convert_element_type3A = arith.extui %eq3A_31 : i1 to i32
    %cond3A = arith.constant 0 : i32
    %cond3A_32 = arith.cmpi ne, %convert_element_type3A, %cond3A : i32
    scf.if %cond3A_32 {
      "tpu.region"() ({
        %run_scoped3A = tpu.sem_alloc : memref<!tpu.dma_semaphore, #tpu.memory_space<semaphore_mem>>
        %dma_start3A_84 = arith.constant 0 : i32
        %dma_start3A_85 = arith.constant 0 : i32
        %dma_start3A_86 = tpu.memref_slice %arg20[%dma_start3A_84, %dma_start3A_85] : memref<392x8xf32, #tpu.memory_space<vmem>> -> memref<128x8xf32, #tpu.memory_space<vmem>>
        %dma_start3A_87 = arith.constant 100352 : i32
        %dma_start3A_88 = arith.constant 0 : i32
        %dma_start3A_89 = tpu.memref_slice %arg19[%dma_start3A_87, %dma_start3A_88] : memref<100480x8xf32, #tpu.memory_space<vmem_shared>> -> memref<128x8xf32, #tpu.memory_space<vmem_shared>>
        %dma_start3A_90 = arith.constant 100352 : i32
        %dma_start3A_91 = arith.constant 0 : i32
        %dma_start3A_92 = tpu.memref_slice %arg19[%dma_start3A_90, %dma_start3A_91] : memref<100480x8xf32, #tpu.memory_space<vmem_shared>> -> memref<128x8xf32, #tpu.memory_space<vmem_shared>>
        %dma_start3A_93 = arith.constant 0 : i32
        %dma_start3A_94 = arith.constant 0 : i32
        %dma_start3A_95 = tpu.memref_slice %arg20[%dma_start3A_93, %dma_start3A_94] : memref<392x8xf32, #tpu.memory_space<vmem>> -> memref<128x8xf32, #tpu.memory_space<vmem>>
        tpu.enqueue_dma source(%dma_start3A_95 : memref<128x8xf32, #tpu.memory_space<vmem>>) target(%dma_start3A_92 : memref<128x8xf32, #tpu.memory_space<vmem_shared>>) target_semaphore(%run_scoped3A : memref<!tpu.dma_semaphore, #tpu.memory_space<semaphore_mem>>)
        %dma_wait3A_96 = arith.constant 0 : i32
        %dma_wait3A_97 = arith.constant 0 : i32
        %dma_wait3A_98 = tpu.memref_slice %arg20[%dma_wait3A_96, %dma_wait3A_97] : memref<392x8xf32, #tpu.memory_space<vmem>> -> memref<128x8xf32, #tpu.memory_space<vmem>>
        %dma_wait3A_99 = arith.constant 100352 : i32
        %dma_wait3A_100 = arith.constant 0 : i32
        %dma_wait3A_101 = tpu.memref_slice %arg19[%dma_wait3A_99, %dma_wait3A_100] : memref<100480x8xf32, #tpu.memory_space<vmem_shared>> -> memref<128x8xf32, #tpu.memory_space<vmem_shared>>
        %dma_wait3A_102 = arith.constant 100352 : i32
        %dma_wait3A_103 = arith.constant 0 : i32
        %dma_wait3A_104 = tpu.memref_slice %arg19[%dma_wait3A_102, %dma_wait3A_103] : memref<100480x8xf32, #tpu.memory_space<vmem_shared>> -> memref<128x8xf32, #tpu.memory_space<vmem_shared>>
        %dma_wait3A_105 = arith.constant 0 : i32
        %dma_wait3A_106 = arith.constant 0 : i32
        %dma_wait3A_107 = tpu.memref_slice %arg20[%dma_wait3A_105, %dma_wait3A_106] : memref<392x8xf32, #tpu.memory_space<vmem>> -> memref<128x8xf32, #tpu.memory_space<vmem>>
        tpu.wait_dma2 semaphore(%run_scoped3A : memref<!tpu.dma_semaphore, #tpu.memory_space<semaphore_mem>>) src(%dma_wait3A_107 : memref<128x8xf32, #tpu.memory_space<vmem>>) dst(%dma_wait3A_104 : memref<128x8xf32, #tpu.memory_space<vmem_shared>>)
        tpu.yield
      }) : () -> ()
    } else {
    }
    %barrier3A = arith.constant 0 : index
    tpu.barrier barrier_id(%barrier3A)
    %mul3A_33 = arith.constant 196 : i32
    %mul3A_34 = arith.muli %arg1, %mul3A_33 : i32
    %add3A_35 = arith.constant 0 : i32
    %add3A_36 = arith.addi %mul3A_34, %add3A_35 : i32
    %dma_start3A = arith.constant 0 : i32
    %dma_start3A_37 = arith.constant 0 : i32
    %dma_start3A_38 = arith.constant 0 : i32
    %dma_start3A_39 = tpu.memref_slice %arg11[%dma_start3A, %dma_start3A_37, %dma_start3A_38] : memref<2x1x512xi32, #tpu.memory_space<vmem>> -> memref<1x1x512xi32, #tpu.memory_space<vmem>>
    %dma_start3A_40 = tpu.memref_squeeze %dma_start3A_39 : memref<1x1x512xi32, #tpu.memory_space<vmem>> -> memref<1x512xi32, #tpu.memory_space<vmem>>
    %dma_start3A_41 = arith.constant 0 : i32
    %dma_start3A_42 = tpu.memref_slice %arg4[%add3A_36, %dma_start3A_41] : memref<3136x512xi32, #tpu.memory_space<hbm>> -> memref<1x512xi32, #tpu.memory_space<hbm>>
    %dma_start3A_43 = arith.constant 0 : i32
    %dma_start3A_44 = arith.constant 0 : i32
    %dma_start3A_45 = tpu.memref_slice %arg11[%dma_start3A, %dma_start3A_43, %dma_start3A_44] : memref<2x1x512xi32, #tpu.memory_space<vmem>> -> memref<1x1x512xi32, #tpu.memory_space<vmem>>
    %dma_start3A_46 = tpu.memref_squeeze %dma_start3A_45 : memref<1x1x512xi32, #tpu.memory_space<vmem>> -> memref<1x512xi32, #tpu.memory_space<vmem>>
    %dma_start3A_47 = arith.constant 0 : i32
    %dma_start3A_48 = tpu.memref_slice %arg4[%add3A_36, %dma_start3A_47] : memref<3136x512xi32, #tpu.memory_space<hbm>> -> memref<1x512xi32, #tpu.memory_space<hbm>>
    tpu.enqueue_dma source(%dma_start3A_48 : memref<1x512xi32, #tpu.memory_space<hbm>>) target(%dma_start3A_46 : memref<1x512xi32, #tpu.memory_space<vmem>>) target_semaphore(%arg12 : memref<!tpu.dma_semaphore, #tpu.memory_space<semaphore_mem>>)
    %scan3A_49 = arith.constant 0 : i32
    %scan3A_50 = arith.constant 0 : i32
    %scan3A_51 = arith.constant 0 : i32
    %scan3A_52 = arith.constant 98 : i32
    %scan3A_53 = arith.addi %scan3A_51, %scan3A_52 : i32
    %scan3A_54 = arith.constant 1 : i32
    scf.for %scan3A_84 = %scan3A_51 to %scan3A_53 step %scan3A_54  : i32 {
      %mul3A_85 = arith.constant 2 : i32
      %mul3A_86 = arith.muli %scan3A_84, %mul3A_85 : i32
      %add3A_87 = arith.constant 0 : i32
      %add3A_88 = arith.addi %mul3A_86, %add3A_87 : i32
      %mul3A_89 = arith.constant 196 : i32
      %mul3A_90 = arith.muli %arg1, %mul3A_89 : i32
      %mul3A_91 = arith.constant 1 : i32
      %mul3A_92 = arith.muli %add3A_88, %mul3A_91 : i32
      %add3A_93 = arith.addi %mul3A_90, %mul3A_92 : i32
      %dma_wait3A_94 = arith.constant 0 : i32
      %dma_wait3A_95 = arith.constant 0 : i32
      %dma_wait3A_96 = arith.constant 0 : i32
      %dma_wait3A_97 = tpu.memref_slice %arg11[%dma_wait3A_94, %dma_wait3A_95, %dma_wait3A_96] : memref<2x1x512xi32, #tpu.memory_space<vmem>> -> memref<1x1x512xi32, #tpu.memory_space<vmem>>
      %dma_wait3A_98 = tpu.memref_squeeze %dma_wait3A_97 : memref<1x1x512xi32, #tpu.memory_space<vmem>> -> memref<1x512xi32, #tpu.memory_space<vmem>>
      %dma_wait3A_99 = arith.constant 0 : i32
      %dma_wait3A_100 = tpu.memref_slice %arg4[%add3A_93, %dma_wait3A_99] : memref<3136x512xi32, #tpu.memory_space<hbm>> -> memref<1x512xi32, #tpu.memory_space<hbm>>
      %dma_wait3A_101 = arith.constant 0 : i32
      %dma_wait3A_102 = arith.constant 0 : i32
      %dma_wait3A_103 = tpu.memref_slice %arg11[%dma_wait3A_94, %dma_wait3A_101, %dma_wait3A_102] : memref<2x1x512xi32, #tpu.memory_space<vmem>> -> memref<1x1x512xi32, #tpu.memory_space<vmem>>
      %dma_wait3A_104 = tpu.memref_squeeze %dma_wait3A_103 : memref<1x1x512xi32, #tpu.memory_space<vmem>> -> memref<1x512xi32, #tpu.memory_space<vmem>>
      %dma_wait3A_105 = arith.constant 0 : i32
      %dma_wait3A_106 = tpu.memref_slice %arg4[%add3A_93, %dma_wait3A_105] : memref<3136x512xi32, #tpu.memory_space<hbm>> -> memref<1x512xi32, #tpu.memory_space<hbm>>
      tpu.wait_dma2 semaphore(%arg12 : memref<!tpu.dma_semaphore, #tpu.memory_space<semaphore_mem>>) src(%dma_wait3A_106 : memref<1x512xi32, #tpu.memory_space<hbm>>) dst(%dma_wait3A_104 : memref<1x512xi32, #tpu.memory_space<vmem>>)
      %ge3A = arith.constant 1 : i32
      %ge3A_107 = arith.cmpi sge, %add3A_88, %ge3A : i32
      %convert_element_type3A_108 = arith.extui %ge3A_107 : i1 to i32
      %cond3A_109 = arith.constant 0 : i32
      %cond3A_110 = arith.cmpi ne, %convert_element_type3A_108, %cond3A_109 : i32
      scf.if %cond3A_110 {
        %dma_wait3A_175 = arith.constant 1 : i32
        %dma_wait3A_176 = arith.constant 0 : i32
        %dma_wait3A_177 = arith.constant 0 : i32
        %dma_wait3A_178 = arith.constant 0 : i32
        %dma_wait3A_179 = tpu.memref_slice %arg17[%scan3A_49, %scan3A_50, %dma_wait3A_177, %dma_wait3A_178] : memref<2x1x512x8xf32, #tpu.memory_space<vmem>> -> memref<1x1x512x8xf32, #tpu.memory_space<vmem>>
        %dma_wait3A_180 = tpu.memref_squeeze %dma_wait3A_179 : memref<1x1x512x8xf32, #tpu.memory_space<vmem>> -> memref<512x8xf32, #tpu.memory_space<vmem>>
        %dma_wait3A_181 = arith.constant 0 : i32
        %dma_wait3A_182 = tpu.memref_slice %arg11[%dma_wait3A_175, %dma_wait3A_176, %dma_wait3A_181] : memref<2x1x512xi32, #tpu.memory_space<vmem>> -> memref<1x1x512xi32, #tpu.memory_space<vmem>>
        %dma_wait3A_183 = tpu.memref_squeeze %dma_wait3A_182 : memref<1x1x512xi32, #tpu.memory_space<vmem>> -> memref<512xi32, #tpu.memory_space<vmem>>
        %dma_wait3A_184 = arith.constant 0 : i32
        %dma_wait3A_185 = arith.constant 0 : i32
        %dma_wait3A_186 = tpu.memref_slice %arg8[%dma_wait3A_184, %dma_wait3A_185] : memref<100480x8xf32, #tpu.memory_space<vmem_shared>> -> memref<100480x8xf32, #tpu.memory_space<vmem_shared>>
        tpu.wait_indirect_dma semaphore(%arg18 : memref<!tpu.dma_semaphore, #tpu.memory_space<semaphore_mem>>) src(%dma_wait3A_180 : memref<512x8xf32, #tpu.memory_space<vmem>>) dst(%dma_wait3A_186 : memref<100480x8xf32, #tpu.memory_space<vmem_shared>>)
      } else {
      }
      %add3A_111 = arith.constant 1 : i32
      %add3A_112 = arith.addi %add3A_88, %add3A_111 : i32
      %lt3A = arith.constant 196 : i32
      %lt3A_113 = arith.cmpi slt, %add3A_112, %lt3A : i32
      %convert_element_type3A_114 = arith.extui %lt3A_113 : i1 to i32
      %cond3A_115 = arith.constant 0 : i32
      %cond3A_116 = arith.cmpi ne, %convert_element_type3A_114, %cond3A_115 : i32
      scf.if %cond3A_116 {
        %add3A_175 = arith.constant 1 : i32
        %add3A_176 = arith.addi %add3A_88, %add3A_175 : i32
        %mul3A_177 = arith.constant 196 : i32
        %mul3A_178 = arith.muli %arg1, %mul3A_177 : i32
        %mul3A_179 = arith.constant 1 : i32
        %mul3A_180 = arith.muli %add3A_176, %mul3A_179 : i32
        %add3A_181 = arith.addi %mul3A_178, %mul3A_180 : i32
        %dma_start3A_182 = arith.constant 1 : i32
        %dma_start3A_183 = arith.constant 0 : i32
        %dma_start3A_184 = arith.constant 0 : i32
        %dma_start3A_185 = tpu.memref_slice %arg11[%dma_start3A_182, %dma_start3A_183, %dma_start3A_184] : memref<2x1x512xi32, #tpu.memory_space<vmem>> -> memref<1x1x512xi32, #tpu.memory_space<vmem>>
        %dma_start3A_186 = tpu.memref_squeeze %dma_start3A_185 : memref<1x1x512xi32, #tpu.memory_space<vmem>> -> memref<1x512xi32, #tpu.memory_space<vmem>>
        %dma_start3A_187 = arith.constant 0 : i32
        %dma_start3A_188 = tpu.memref_slice %arg4[%add3A_181, %dma_start3A_187] : memref<3136x512xi32, #tpu.memory_space<hbm>> -> memref<1x512xi32, #tpu.memory_space<hbm>>
        %dma_start3A_189 = arith.constant 0 : i32
        %dma_start3A_190 = arith.constant 0 : i32
        %dma_start3A_191 = tpu.memref_slice %arg11[%dma_start3A_182, %dma_start3A_189, %dma_start3A_190] : memref<2x1x512xi32, #tpu.memory_space<vmem>> -> memref<1x1x512xi32, #tpu.memory_space<vmem>>
        %dma_start3A_192 = tpu.memref_squeeze %dma_start3A_191 : memref<1x1x512xi32, #tpu.memory_space<vmem>> -> memref<1x512xi32, #tpu.memory_space<vmem>>
        %dma_start3A_193 = arith.constant 0 : i32
        %dma_start3A_194 = tpu.memref_slice %arg4[%add3A_181, %dma_start3A_193] : memref<3136x512xi32, #tpu.memory_space<hbm>> -> memref<1x512xi32, #tpu.memory_space<hbm>>
        tpu.enqueue_dma source(%dma_start3A_194 : memref<1x512xi32, #tpu.memory_space<hbm>>) target(%dma_start3A_192 : memref<1x512xi32, #tpu.memory_space<vmem>>) target_semaphore(%arg12 : memref<!tpu.dma_semaphore, #tpu.memory_space<semaphore_mem>>)
      } else {
      }
      %dma_start3A_117 = arith.constant 0 : i32
      %dma_start3A_118 = arith.constant 0 : i32
      %dma_start3A_119 = arith.constant 0 : i32
      %dma_start3A_120 = arith.constant 0 : i32
      %dma_start3A_121 = tpu.memref_slice %arg17[%scan3A_49, %scan3A_50, %dma_start3A_119, %dma_start3A_120] : memref<2x1x512x8xf32, #tpu.memory_space<vmem>> -> memref<1x1x512x8xf32, #tpu.memory_space<vmem>>
      %dma_start3A_122 = tpu.memref_squeeze %dma_start3A_121 : memref<1x1x512x8xf32, #tpu.memory_space<vmem>> -> memref<512x8xf32, #tpu.memory_space<vmem>>
      %dma_start3A_123 = arith.constant 0 : i32
      %dma_start3A_124 = tpu.memref_slice %arg11[%dma_start3A_117, %dma_start3A_118, %dma_start3A_123] : memref<2x1x512xi32, #tpu.memory_space<vmem>> -> memref<1x1x512xi32, #tpu.memory_space<vmem>>
      %dma_start3A_125 = tpu.memref_squeeze %dma_start3A_124 : memref<1x1x512xi32, #tpu.memory_space<vmem>> -> memref<512xi32, #tpu.memory_space<vmem>>
      %dma_start3A_126 = arith.constant 0 : i32
      %dma_start3A_127 = arith.constant 0 : i32
      %dma_start3A_128 = tpu.memref_slice %arg8[%dma_start3A_126, %dma_start3A_127] : memref<100480x8xf32, #tpu.memory_space<vmem_shared>> -> memref<100480x8xf32, #tpu.memory_space<vmem_shared>>
      tpu.enqueue_indirect_dma source(%dma_start3A_122 : memref<512x8xf32, #tpu.memory_space<vmem>>) target(%dma_start3A_128 : memref<100480x8xf32, #tpu.memory_space<vmem_shared>>) offsets(%dma_start3A_125 : memref<512xi32, #tpu.memory_space<vmem>>) semaphore(%arg18 : memref<!tpu.dma_semaphore, #tpu.memory_space<semaphore_mem>>) {add = true}
      %mul3A_129 = arith.constant 2 : i32
      %mul3A_130 = arith.muli %scan3A_84, %mul3A_129 : i32
      %add3A_131 = arith.constant 1 : i32
      %add3A_132 = arith.addi %mul3A_130, %add3A_131 : i32
      %mul3A_133 = arith.constant 196 : i32
      %mul3A_134 = arith.muli %arg1, %mul3A_133 : i32
      %mul3A_135 = arith.constant 1 : i32
      %mul3A_136 = arith.muli %add3A_132, %mul3A_135 : i32
      %add3A_137 = arith.addi %mul3A_134, %mul3A_136 : i32
      %dma_wait3A_138 = arith.constant 1 : i32
      %dma_wait3A_139 = arith.constant 0 : i32
      %dma_wait3A_140 = arith.constant 0 : i32
      %dma_wait3A_141 = tpu.memref_slice %arg11[%dma_wait3A_138, %dma_wait3A_139, %dma_wait3A_140] : memref<2x1x512xi32, #tpu.memory_space<vmem>> -> memref<1x1x512xi32, #tpu.memory_space<vmem>>
      %dma_wait3A_142 = tpu.memref_squeeze %dma_wait3A_141 : memref<1x1x512xi32, #tpu.memory_space<vmem>> -> memref<1x512xi32, #tpu.memory_space<vmem>>
      %dma_wait3A_143 = arith.constant 0 : i32
      %dma_wait3A_144 = tpu.memref_slice %arg4[%add3A_137, %dma_wait3A_143] : memref<3136x512xi32, #tpu.memory_space<hbm>> -> memref<1x512xi32, #tpu.memory_space<hbm>>
      %dma_wait3A_145 = arith.constant 0 : i32
      %dma_wait3A_146 = arith.constant 0 : i32
      %dma_wait3A_147 = tpu.memref_slice %arg11[%dma_wait3A_138, %dma_wait3A_145, %dma_wait3A_146] : memref<2x1x512xi32, #tpu.memory_space<vmem>> -> memref<1x1x512xi32, #tpu.memory_space<vmem>>
      %dma_wait3A_148 = tpu.memref_squeeze %dma_wait3A_147 : memref<1x1x512xi32, #tpu.memory_space<vmem>> -> memref<1x512xi32, #tpu.memory_space<vmem>>
      %dma_wait3A_149 = arith.constant 0 : i32
      %dma_wait3A_150 = tpu.memref_slice %arg4[%add3A_137, %dma_wait3A_149] : memref<3136x512xi32, #tpu.memory_space<hbm>> -> memref<1x512xi32, #tpu.memory_space<hbm>>
      tpu.wait_dma2 semaphore(%arg12 : memref<!tpu.dma_semaphore, #tpu.memory_space<semaphore_mem>>) src(%dma_wait3A_150 : memref<1x512xi32, #tpu.memory_space<hbm>>) dst(%dma_wait3A_148 : memref<1x512xi32, #tpu.memory_space<vmem>>)
      %ge3A_151 = arith.constant 1 : i32
      %ge3A_152 = arith.cmpi sge, %add3A_132, %ge3A_151 : i32
      %convert_element_type3A_153 = arith.extui %ge3A_152 : i1 to i32
      %cond3A_154 = arith.constant 0 : i32
      %cond3A_155 = arith.cmpi ne, %convert_element_type3A_153, %cond3A_154 : i32
      scf.if %cond3A_155 {
        %dma_wait3A_175 = arith.constant 0 : i32
        %dma_wait3A_176 = arith.constant 0 : i32
        %dma_wait3A_177 = arith.constant 0 : i32
        %dma_wait3A_178 = arith.constant 0 : i32
        %dma_wait3A_179 = tpu.memref_slice %arg17[%scan3A_49, %scan3A_50, %dma_wait3A_177, %dma_wait3A_178] : memref<2x1x512x8xf32, #tpu.memory_space<vmem>> -> memref<1x1x512x8xf32, #tpu.memory_space<vmem>>
        %dma_wait3A_180 = tpu.memref_squeeze %dma_wait3A_179 : memref<1x1x512x8xf32, #tpu.memory_space<vmem>> -> memref<512x8xf32, #tpu.memory_space<vmem>>
        %dma_wait3A_181 = arith.constant 0 : i32
        %dma_wait3A_182 = tpu.memref_slice %arg11[%dma_wait3A_175, %dma_wait3A_176, %dma_wait3A_181] : memref<2x1x512xi32, #tpu.memory_space<vmem>> -> memref<1x1x512xi32, #tpu.memory_space<vmem>>
        %dma_wait3A_183 = tpu.memref_squeeze %dma_wait3A_182 : memref<1x1x512xi32, #tpu.memory_space<vmem>> -> memref<512xi32, #tpu.memory_space<vmem>>
        %dma_wait3A_184 = arith.constant 0 : i32
        %dma_wait3A_185 = arith.constant 0 : i32
        %dma_wait3A_186 = tpu.memref_slice %arg8[%dma_wait3A_184, %dma_wait3A_185] : memref<100480x8xf32, #tpu.memory_space<vmem_shared>> -> memref<100480x8xf32, #tpu.memory_space<vmem_shared>>
        tpu.wait_indirect_dma semaphore(%arg18 : memref<!tpu.dma_semaphore, #tpu.memory_space<semaphore_mem>>) src(%dma_wait3A_180 : memref<512x8xf32, #tpu.memory_space<vmem>>) dst(%dma_wait3A_186 : memref<100480x8xf32, #tpu.memory_space<vmem_shared>>)
      } else {
      }
      %add3A_156 = arith.constant 1 : i32
      %add3A_157 = arith.addi %add3A_132, %add3A_156 : i32
      %lt3A_158 = arith.constant 196 : i32
      %lt3A_159 = arith.cmpi slt, %add3A_157, %lt3A_158 : i32
      %convert_element_type3A_160 = arith.extui %lt3A_159 : i1 to i32
      %cond3A_161 = arith.constant 0 : i32
      %cond3A_162 = arith.cmpi ne, %convert_element_type3A_160, %cond3A_161 : i32
      scf.if %cond3A_162 {
        %add3A_175 = arith.constant 1 : i32
        %add3A_176 = arith.addi %add3A_132, %add3A_175 : i32
        %mul3A_177 = arith.constant 196 : i32
        %mul3A_178 = arith.muli %arg1, %mul3A_177 : i32
        %mul3A_179 = arith.constant 1 : i32
        %mul3A_180 = arith.muli %add3A_176, %mul3A_179 : i32
        %add3A_181 = arith.addi %mul3A_178, %mul3A_180 : i32
        %dma_start3A_182 = arith.constant 0 : i32
        %dma_start3A_183 = arith.constant 0 : i32
        %dma_start3A_184 = arith.constant 0 : i32
        %dma_start3A_185 = tpu.memref_slice %arg11[%dma_start3A_182, %dma_start3A_183, %dma_start3A_184] : memref<2x1x512xi32, #tpu.memory_space<vmem>> -> memref<1x1x512xi32, #tpu.memory_space<vmem>>
        %dma_start3A_186 = tpu.memref_squeeze %dma_start3A_185 : memref<1x1x512xi32, #tpu.memory_space<vmem>> -> memref<1x512xi32, #tpu.memory_space<vmem>>
        %dma_start3A_187 = arith.constant 0 : i32
        %dma_start3A_188 = tpu.memref_slice %arg4[%add3A_181, %dma_start3A_187] : memref<3136x512xi32, #tpu.memory_space<hbm>> -> memref<1x512xi32, #tpu.memory_space<hbm>>
        %dma_start3A_189 = arith.constant 0 : i32
        %dma_start3A_190 = arith.constant 0 : i32
        %dma_start3A_191 = tpu.memref_slice %arg11[%dma_start3A_182, %dma_start3A_189, %dma_start3A_190] : memref<2x1x512xi32, #tpu.memory_space<vmem>> -> memref<1x1x512xi32, #tpu.memory_space<vmem>>
        %dma_start3A_192 = tpu.memref_squeeze %dma_start3A_191 : memref<1x1x512xi32, #tpu.memory_space<vmem>> -> memref<1x512xi32, #tpu.memory_space<vmem>>
        %dma_start3A_193 = arith.constant 0 : i32
        %dma_start3A_194 = tpu.memref_slice %arg4[%add3A_181, %dma_start3A_193] : memref<3136x512xi32, #tpu.memory_space<hbm>> -> memref<1x512xi32, #tpu.memory_space<hbm>>
        tpu.enqueue_dma source(%dma_start3A_194 : memref<1x512xi32, #tpu.memory_space<hbm>>) target(%dma_start3A_192 : memref<1x512xi32, #tpu.memory_space<vmem>>) target_semaphore(%arg12 : memref<!tpu.dma_semaphore, #tpu.memory_space<semaphore_mem>>)
      } else {
      }
      %dma_start3A_163 = arith.constant 1 : i32
      %dma_start3A_164 = arith.constant 0 : i32
      %dma_start3A_165 = arith.constant 0 : i32
      %dma_start3A_166 = arith.constant 0 : i32
      %dma_start3A_167 = tpu.memref_slice %arg17[%scan3A_49, %scan3A_50, %dma_start3A_165, %dma_start3A_166] : memref<2x1x512x8xf32, #tpu.memory_space<vmem>> -> memref<1x1x512x8xf32, #tpu.memory_space<vmem>>
      %dma_start3A_168 = tpu.memref_squeeze %dma_start3A_167 : memref<1x1x512x8xf32, #tpu.memory_space<vmem>> -> memref<512x8xf32, #tpu.memory_space<vmem>>
      %dma_start3A_169 = arith.constant 0 : i32
      %dma_start3A_170 = tpu.memref_slice %arg11[%dma_start3A_163, %dma_start3A_164, %dma_start3A_169] : memref<2x1x512xi32, #tpu.memory_space<vmem>> -> memref<1x1x512xi32, #tpu.memory_space<vmem>>
      %dma_start3A_171 = tpu.memref_squeeze %dma_start3A_170 : memref<1x1x512xi32, #tpu.memory_space<vmem>> -> memref<512xi32, #tpu.memory_space<vmem>>
      %dma_start3A_172 = arith.constant 0 : i32
      %dma_start3A_173 = arith.constant 0 : i32
      %dma_start3A_174 = tpu.memref_slice %arg8[%dma_start3A_172, %dma_start3A_173] : memref<100480x8xf32, #tpu.memory_space<vmem_shared>> -> memref<100480x8xf32, #tpu.memory_space<vmem_shared>>
      tpu.enqueue_indirect_dma source(%dma_start3A_168 : memref<512x8xf32, #tpu.memory_space<vmem>>) target(%dma_start3A_174 : memref<100480x8xf32, #tpu.memory_space<vmem_shared>>) offsets(%dma_start3A_171 : memref<512xi32, #tpu.memory_space<vmem>>) semaphore(%arg18 : memref<!tpu.dma_semaphore, #tpu.memory_space<semaphore_mem>>) {add = true}
    }
    %scan3A_55 = arith.constant 98 : i32
    %dma_wait3A = arith.constant 0 : i32
    %dma_wait3A_56 = arith.constant 0 : i32
    %dma_wait3A_57 = arith.constant 1 : i32
    %dma_wait3A_58 = arith.constant 0 : i32
    %dma_wait3A_59 = arith.constant 0 : i32
    %dma_wait3A_60 = arith.constant 0 : i32
    %dma_wait3A_61 = tpu.memref_slice %arg17[%dma_wait3A, %dma_wait3A_56, %dma_wait3A_59, %dma_wait3A_60] : memref<2x1x512x8xf32, #tpu.memory_space<vmem>> -> memref<1x1x512x8xf32, #tpu.memory_space<vmem>>
    %dma_wait3A_62 = tpu.memref_squeeze %dma_wait3A_61 : memref<1x1x512x8xf32, #tpu.memory_space<vmem>> -> memref<512x8xf32, #tpu.memory_space<vmem>>
    %dma_wait3A_63 = arith.constant 0 : i32
    %dma_wait3A_64 = tpu.memref_slice %arg11[%dma_wait3A_57, %dma_wait3A_58, %dma_wait3A_63] : memref<2x1x512xi32, #tpu.memory_space<vmem>> -> memref<1x1x512xi32, #tpu.memory_space<vmem>>
    %dma_wait3A_65 = tpu.memref_squeeze %dma_wait3A_64 : memref<1x1x512xi32, #tpu.memory_space<vmem>> -> memref<512xi32, #tpu.memory_space<vmem>>
    %dma_wait3A_66 = arith.constant 0 : i32
    %dma_wait3A_67 = arith.constant 0 : i32
    %dma_wait3A_68 = tpu.memref_slice %arg8[%dma_wait3A_66, %dma_wait3A_67] : memref<100480x8xf32, #tpu.memory_space<vmem_shared>> -> memref<100480x8xf32, #tpu.memory_space<vmem_shared>>
    tpu.wait_indirect_dma semaphore(%arg18 : memref<!tpu.dma_semaphore, #tpu.memory_space<semaphore_mem>>) src(%dma_wait3A_62 : memref<512x8xf32, #tpu.memory_space<vmem>>) dst(%dma_wait3A_68 : memref<100480x8xf32, #tpu.memory_space<vmem_shared>>)
    %barrier3A_69 = arith.constant 0 : index
    tpu.barrier barrier_id(%barrier3A_69)
    %scan3A_70 = arith.constant 0 : i32
    %scan3A_71 = arith.constant 16 : i32
    %scan3A_72 = arith.addi %scan3A_70, %scan3A_71 : i32
    %scan3A_73 = arith.constant 1 : i32
    scf.for %scan3A_84 = %scan3A_70 to %scan3A_72 step %scan3A_73  : i32 {
      %mul3A_85 = arith.constant 6272 : i32
      %mul3A_86 = arith.muli %arg1, %mul3A_85 : i32
      %mul3A_87 = arith.constant 392 : i32
      %mul3A_88 = arith.muli %scan3A_84, %mul3A_87 : i32
      %add3A_89 = arith.addi %mul3A_86, %mul3A_88 : i32
      "tpu.region"() ({
        %run_scoped3A_101 = tpu.sem_alloc : memref<!tpu.dma_semaphore, #tpu.memory_space<semaphore_mem>>
        %dma_start3A_102 = arith.constant 0 : i32
        %dma_start3A_103 = tpu.memref_slice %arg8[%add3A_89, %dma_start3A_102] : memref<100480x8xf32, #tpu.memory_space<vmem_shared>> -> memref<392x8xf32, #tpu.memory_space<vmem_shared>>
        %dma_start3A_104 = arith.constant 0 : i32
        %dma_start3A_105 = tpu.memref_slice %arg8[%add3A_89, %dma_start3A_104] : memref<100480x8xf32, #tpu.memory_space<vmem_shared>> -> memref<392x8xf32, #tpu.memory_space<vmem_shared>>
        tpu.enqueue_dma source(%dma_start3A_105 : memref<392x8xf32, #tpu.memory_space<vmem_shared>>) target(%arg7 : memref<392x8xf32, #tpu.memory_space<vmem>>) target_semaphore(%run_scoped3A_101 : memref<!tpu.dma_semaphore, #tpu.memory_space<semaphore_mem>>)
        %dma_wait3A_106 = arith.constant 0 : i32
        %dma_wait3A_107 = tpu.memref_slice %arg8[%add3A_89, %dma_wait3A_106] : memref<100480x8xf32, #tpu.memory_space<vmem_shared>> -> memref<392x8xf32, #tpu.memory_space<vmem_shared>>
        %dma_wait3A_108 = arith.constant 0 : i32
        %dma_wait3A_109 = tpu.memref_slice %arg8[%add3A_89, %dma_wait3A_108] : memref<100480x8xf32, #tpu.memory_space<vmem_shared>> -> memref<392x8xf32, #tpu.memory_space<vmem_shared>>
        tpu.wait_dma2 semaphore(%run_scoped3A_101 : memref<!tpu.dma_semaphore, #tpu.memory_space<semaphore_mem>>) src(%dma_wait3A_109 : memref<392x8xf32, #tpu.memory_space<vmem_shared>>) dst(%arg7 : memref<392x8xf32, #tpu.memory_space<vmem>>)
        tpu.yield
      }) : () -> ()
      "tpu.region"() ({
        %run_scoped3A_101 = tpu.sem_alloc : memref<!tpu.dma_semaphore, #tpu.memory_space<semaphore_mem>>
        %dma_start3A_102 = arith.constant 0 : i32
        %dma_start3A_103 = arith.constant 0 : i32
        %dma_start3A_104 = tpu.memref_slice %arg20[%dma_start3A_102, %dma_start3A_103] : memref<392x8xf32, #tpu.memory_space<vmem>> -> memref<392x8xf32, #tpu.memory_space<vmem>>
        %dma_start3A_105 = arith.constant 0 : i32
        %dma_start3A_106 = tpu.memref_slice %arg8[%add3A_89, %dma_start3A_105] : memref<100480x8xf32, #tpu.memory_space<vmem_shared>> -> memref<392x8xf32, #tpu.memory_space<vmem_shared>>
        %dma_start3A_107 = arith.constant 0 : i32
        %dma_start3A_108 = tpu.memref_slice %arg8[%add3A_89, %dma_start3A_107] : memref<100480x8xf32, #tpu.memory_space<vmem_shared>> -> memref<392x8xf32, #tpu.memory_space<vmem_shared>>
        %dma_start3A_109 = arith.constant 0 : i32
        %dma_start3A_110 = arith.constant 0 : i32
        %dma_start3A_111 = tpu.memref_slice %arg20[%dma_start3A_109, %dma_start3A_110] : memref<392x8xf32, #tpu.memory_space<vmem>> -> memref<392x8xf32, #tpu.memory_space<vmem>>
        tpu.enqueue_dma source(%dma_start3A_111 : memref<392x8xf32, #tpu.memory_space<vmem>>) target(%dma_start3A_108 : memref<392x8xf32, #tpu.memory_space<vmem_shared>>) target_semaphore(%run_scoped3A_101 : memref<!tpu.dma_semaphore, #tpu.memory_space<semaphore_mem>>)
        %dma_wait3A_112 = arith.constant 0 : i32
        %dma_wait3A_113 = arith.constant 0 : i32
        %dma_wait3A_114 = tpu.memref_slice %arg20[%dma_wait3A_112, %dma_wait3A_113] : memref<392x8xf32, #tpu.memory_space<vmem>> -> memref<392x8xf32, #tpu.memory_space<vmem>>
        %dma_wait3A_115 = arith.constant 0 : i32
        %dma_wait3A_116 = tpu.memref_slice %arg8[%add3A_89, %dma_wait3A_115] : memref<100480x8xf32, #tpu.memory_space<vmem_shared>> -> memref<392x8xf32, #tpu.memory_space<vmem_shared>>
        %dma_wait3A_117 = arith.constant 0 : i32
        %dma_wait3A_118 = tpu.memref_slice %arg8[%add3A_89, %dma_wait3A_117] : memref<100480x8xf32, #tpu.memory_space<vmem_shared>> -> memref<392x8xf32, #tpu.memory_space<vmem_shared>>
        %dma_wait3A_119 = arith.constant 0 : i32
        %dma_wait3A_120 = arith.constant 0 : i32
        %dma_wait3A_121 = tpu.memref_slice %arg20[%dma_wait3A_119, %dma_wait3A_120] : memref<392x8xf32, #tpu.memory_space<vmem>> -> memref<392x8xf32, #tpu.memory_space<vmem>>
        tpu.wait_dma2 semaphore(%run_scoped3A_101 : memref<!tpu.dma_semaphore, #tpu.memory_space<semaphore_mem>>) src(%dma_wait3A_121 : memref<392x8xf32, #tpu.memory_space<vmem>>) dst(%dma_wait3A_118 : memref<392x8xf32, #tpu.memory_space<vmem_shared>>)
        tpu.yield
      }) : () -> ()
      %run_scoped3A = arith.constant 0 : i32
      "tpu.region"() ({
        %run_scoped3A_101 = tpu.sem_alloc : memref<!tpu.dma_semaphore, #tpu.memory_space<semaphore_mem>>
        %dma_start3A_102 = arith.constant 0 : i32
        %dma_start3A_103 = arith.constant 0 : i32
        %dma_start3A_104 = tpu.memref_slice %arg14[%run_scoped3A, %dma_start3A_102, %dma_start3A_103] : memref<2x392x8xf32, #tpu.memory_space<vmem>> -> memref<1x392x8xf32, #tpu.memory_space<vmem>>
        %dma_start3A_105 = tpu.memref_squeeze %dma_start3A_104 : memref<1x392x8xf32, #tpu.memory_space<vmem>> -> memref<392x8xf32, #tpu.memory_space<vmem>>
        %dma_start3A_106 = arith.constant 0 : i32
        %dma_start3A_107 = tpu.memref_slice %arg2[%arg0, %add3A_89, %dma_start3A_106] : memref<2x100352x8xf32, #tpu.memory_space<hbm>> -> memref<1x392x8xf32, #tpu.memory_space<hbm>>
        %dma_start3A_108 = tpu.memref_squeeze %dma_start3A_107 : memref<1x392x8xf32, #tpu.memory_space<hbm>> -> memref<392x8xf32, #tpu.memory_space<hbm>>
        %dma_start3A_109 = arith.constant 0 : i32
        %dma_start3A_110 = arith.constant 0 : i32
        %dma_start3A_111 = tpu.memref_slice %arg14[%run_scoped3A, %dma_start3A_109, %dma_start3A_110] : memref<2x392x8xf32, #tpu.memory_space<vmem>> -> memref<1x392x8xf32, #tpu.memory_space<vmem>>
        %dma_start3A_112 = tpu.memref_squeeze %dma_start3A_111 : memref<1x392x8xf32, #tpu.memory_space<vmem>> -> memref<392x8xf32, #tpu.memory_space<vmem>>
        %dma_start3A_113 = arith.constant 0 : i32
        %dma_start3A_114 = tpu.memref_slice %arg2[%arg0, %add3A_89, %dma_start3A_113] : memref<2x100352x8xf32, #tpu.memory_space<hbm>> -> memref<1x392x8xf32, #tpu.memory_space<hbm>>
        %dma_start3A_115 = tpu.memref_squeeze %dma_start3A_114 : memref<1x392x8xf32, #tpu.memory_space<hbm>> -> memref<392x8xf32, #tpu.memory_space<hbm>>
        tpu.enqueue_dma source(%dma_start3A_115 : memref<392x8xf32, #tpu.memory_space<hbm>>) target(%dma_start3A_112 : memref<392x8xf32, #tpu.memory_space<vmem>>) target_semaphore(%run_scoped3A_101 : memref<!tpu.dma_semaphore, #tpu.memory_space<semaphore_mem>>)
        %dma_wait3A_116 = arith.constant 0 : i32
        %dma_wait3A_117 = arith.constant 0 : i32
        %dma_wait3A_118 = tpu.memref_slice %arg14[%run_scoped3A, %dma_wait3A_116, %dma_wait3A_117] : memref<2x392x8xf32, #tpu.memory_space<vmem>> -> memref<1x392x8xf32, #tpu.memory_space<vmem>>
        %dma_wait3A_119 = tpu.memref_squeeze %dma_wait3A_118 : memref<1x392x8xf32, #tpu.memory_space<vmem>> -> memref<392x8xf32, #tpu.memory_space<vmem>>
        %dma_wait3A_120 = arith.constant 0 : i32
        %dma_wait3A_121 = tpu.memref_slice %arg2[%arg0, %add3A_89, %dma_wait3A_120] : memref<2x100352x8xf32, #tpu.memory_space<hbm>> -> memref<1x392x8xf32, #tpu.memory_space<hbm>>
        %dma_wait3A_122 = tpu.memref_squeeze %dma_wait3A_121 : memref<1x392x8xf32, #tpu.memory_space<hbm>> -> memref<392x8xf32, #tpu.memory_space<hbm>>
        %dma_wait3A_123 = arith.constant 0 : i32
        %dma_wait3A_124 = arith.constant 0 : i32
        %dma_wait3A_125 = tpu.memref_slice %arg14[%run_scoped3A, %dma_wait3A_123, %dma_wait3A_124] : memref<2x392x8xf32, #tpu.memory_space<vmem>> -> memref<1x392x8xf32, #tpu.memory_space<vmem>>
        %dma_wait3A_126 = tpu.memref_squeeze %dma_wait3A_125 : memref<1x392x8xf32, #tpu.memory_space<vmem>> -> memref<392x8xf32, #tpu.memory_space<vmem>>
        %dma_wait3A_127 = arith.constant 0 : i32
        %dma_wait3A_128 = tpu.memref_slice %arg2[%arg0, %add3A_89, %dma_wait3A_127] : memref<2x100352x8xf32, #tpu.memory_space<hbm>> -> memref<1x392x8xf32, #tpu.memory_space<hbm>>
        %dma_wait3A_129 = tpu.memref_squeeze %dma_wait3A_128 : memref<1x392x8xf32, #tpu.memory_space<hbm>> -> memref<392x8xf32, #tpu.memory_space<hbm>>
        tpu.wait_dma2 semaphore(%run_scoped3A_101 : memref<!tpu.dma_semaphore, #tpu.memory_space<semaphore_mem>>) src(%dma_wait3A_129 : memref<392x8xf32, #tpu.memory_space<hbm>>) dst(%dma_wait3A_126 : memref<392x8xf32, #tpu.memory_space<vmem>>)
        tpu.yield
      }) : () -> ()
      %scan3A_90 = arith.constant 0 : i32
      %scan3A_91 = arith.constant 25 : i32
      %scan3A_92 = arith.addi %scan3A_90, %scan3A_91 : i32
      %scan3A_93 = arith.constant 1 : i32
      scf.for %scan3A_101 = %scan3A_90 to %scan3A_92 step %scan3A_93  : i32 {
        %mul3A_102 = arith.constant 16 : i32
        %mul3A_103 = arith.muli %scan3A_101, %mul3A_102 : i32
        %add3A_104 = vector.broadcast %mul3A_103 : i32 to vector<16xi32>
        %add3A_105 = arith.addi %add3A_104, %iota3A : vector<16xi32>
        %gather3A = tpu.vector_load_idx %arg7[%add3A_105, %broadcast_in_dim3A_4] : memref<392x8xf32, #tpu.memory_space<vmem>>[vector<16xi32>, vector<16xi32>], vector<16xf32>,
        %max3A = arith.constant 1.000000e+00 : f32
        %max3A_106 = vector.broadcast %max3A : f32 to vector<16xf32>
        %max3A_107 = arith.maximumf %gather3A, %max3A_106 : vector<16xf32>
        %bitcast3A = vector.bitcast %max3A_107 : vector<16xf32> to vector<16xi32>
        %shift_right_arithmetic3A_108 = arith.constant 1 : i32
        %shift_right_arithmetic3A_109 = vector.broadcast %shift_right_arithmetic3A_108 : i32 to vector<16xi32>
        %shift_right_arithmetic3A_110 = arith.shrsi %bitcast3A, %shift_right_arithmetic3A_109 : vector<16xi32>
        %sub3A = arith.constant 1597463007 : i32
        %sub3A_111 = vector.broadcast %sub3A : i32 to vector<16xi32>
        %sub3A_112 = arith.subi %sub3A_111, %shift_right_arithmetic3A_110 : vector<16xi32>
        %bitcast3A_113 = vector.bitcast %sub3A_112 : vector<16xi32> to vector<16xf32>
        %mul3A_114 = arith.constant 5.000000e-01 : f32
        %mul3A_115 = vector.broadcast %mul3A_114 : f32 to vector<16xf32>
        %mul3A_116 = arith.mulf %mul3A_115, %max3A_107 : vector<16xf32>
        %mul3A_117 = arith.mulf %mul3A_116, %bitcast3A_113 : vector<16xf32>
        %mul3A_118 = arith.mulf %mul3A_117, %bitcast3A_113 : vector<16xf32>
        %sub3A_119 = arith.constant 1.500000e+00 : f32
        %sub3A_120 = vector.broadcast %sub3A_119 : f32 to vector<16xf32>
        %sub3A_121 = arith.subf %sub3A_120, %mul3A_118 : vector<16xf32>
        %mul3A_122 = arith.mulf %bitcast3A_113, %sub3A_121 : vector<16xf32>
        %mul3A_123 = arith.constant 5.000000e-01 : f32
        %mul3A_124 = vector.broadcast %mul3A_123 : f32 to vector<16xf32>
        %mul3A_125 = arith.mulf %mul3A_124, %max3A_107 : vector<16xf32>
        %mul3A_126 = arith.mulf %mul3A_125, %mul3A_122 : vector<16xf32>
        %mul3A_127 = arith.mulf %mul3A_126, %mul3A_122 : vector<16xf32>
        %sub3A_128 = arith.constant 1.500000e+00 : f32
        %sub3A_129 = vector.broadcast %sub3A_128 : f32 to vector<16xf32>
        %sub3A_130 = arith.subf %sub3A_129, %mul3A_127 : vector<16xf32>
        %mul3A_131 = arith.mulf %mul3A_122, %sub3A_130 : vector<16xf32>
        %mul3A_132 = arith.constant 5.000000e-01 : f32
        %mul3A_133 = vector.broadcast %mul3A_132 : f32 to vector<16xf32>
        %mul3A_134 = arith.mulf %mul3A_133, %max3A_107 : vector<16xf32>
        %mul3A_135 = arith.mulf %mul3A_134, %mul3A_131 : vector<16xf32>
        %mul3A_136 = arith.mulf %mul3A_135, %mul3A_131 : vector<16xf32>
        %sub3A_137 = arith.constant 1.500000e+00 : f32
        %sub3A_138 = vector.broadcast %sub3A_137 : f32 to vector<16xf32>
        %sub3A_139 = arith.subf %sub3A_138, %mul3A_136 : vector<16xf32>
        %mul3A_140 = arith.mulf %mul3A_131, %sub3A_139 : vector<16xf32>
        %mul3A_141 = arith.constant 392 : i32
        %mul3A_142 = arith.muli %scan3A_84, %mul3A_141 : i32
        %mul3A_143 = arith.constant 16 : i32
        %mul3A_144 = arith.muli %scan3A_101, %mul3A_143 : i32
        %add3A_145 = arith.addi %mul3A_142, %mul3A_144 : i32
        %swap3A = arith.index_cast %add3A_145 : i32 to index
        %swap3A_146 = tpu.vector_load %arg9[%swap3A] {strides = array<i32>} : memref<6288xf32, #tpu.memory_space<vmem>>, vector<16xf32>,
        tpu.vector_store %arg9[%swap3A], %mul3A_140 {strides = array<i32>} : memref<6288xf32, #tpu.memory_space<vmem>>, vector<16xf32>,
      }
      %scan3A_94 = arith.constant 25 : i32
      %scan3A_95 = arith.constant 0 : i32
      %scan3A_96 = arith.constant 196 : i32
      %scan3A_97 = arith.addi %scan3A_95, %scan3A_96 : i32
      %scan3A_98 = arith.constant 1 : i32
      scf.for %scan3A_101 = %scan3A_95 to %scan3A_97 step %scan3A_98  : i32 {
        %mul3A_102 = arith.constant 2 : i32
        %mul3A_103 = arith.muli %mul3A_102, %scan3A_101 : i32
        %add3A_104 = vector.broadcast %mul3A_103 : i32 to vector<16xi32>
        %add3A_105 = arith.addi %add3A_104, %shift_right_arithmetic3A_1 : vector<16xi32>
        %mul3A_106 = arith.constant 392 : i32
        %mul3A_107 = arith.muli %scan3A_84, %mul3A_106 : i32
        %add3A_108 = vector.broadcast %mul3A_107 : i32 to vector<16xi32>
        %add3A_109 = arith.addi %add3A_108, %add3A_105 : vector<16xi32>
        %gather3A = tpu.vector_load_idx %arg9[%add3A_109] : memref<6288xf32, #tpu.memory_space<vmem>>[vector<16xi32>], vector<16xf32>,
        %gather3A_110 = arith.constant 0 : i32
        %gather3A_111 = arith.constant 0 : i32
        %gather3A_112 = arith.constant 0 : i32
        %gather3A_113 = tpu.memref_slice %arg14[%gather3A_110, %gather3A_111, %gather3A_112] : memref<2x392x8xf32, #tpu.memory_space<vmem>> -> memref<1x392x8xf32, #tpu.memory_space<vmem>>
        %gather3A_114 = tpu.memref_squeeze %gather3A_113 : memref<1x392x8xf32, #tpu.memory_space<vmem>> -> memref<392x8xf32, #tpu.memory_space<vmem>>
        %gather3A_115 = tpu.vector_load_idx %gather3A_114[%add3A_105, %and3A_3] : memref<392x8xf32, #tpu.memory_space<vmem>>[vector<16xi32>, vector<16xi32>], vector<16xf32>,
        %mul3A_116 = arith.mulf %gather3A_115, %gather3A : vector<16xf32>
        %scatter3A = arith.constant 0 : i32
        %scatter3A_117 = arith.constant 0 : i32
        %scatter3A_118 = arith.constant 0 : i32
        %scatter3A_119 = tpu.memref_slice %arg14[%scatter3A, %scatter3A_117, %scatter3A_118] : memref<2x392x8xf32, #tpu.memory_space<vmem>> -> memref<1x392x8xf32, #tpu.memory_space<vmem>>
        %scatter3A_120 = tpu.memref_squeeze %scatter3A_119 : memref<1x392x8xf32, #tpu.memory_space<vmem>> -> memref<392x8xf32, #tpu.memory_space<vmem>>
        tpu.vector_store_idx %scatter3A_120[%add3A_105, %and3A_3], %mul3A_116 : memref<392x8xf32, #tpu.memory_space<vmem>>[vector<16xi32>, vector<16xi32>], vector<16xf32>,
      }
      %scan3A_99 = arith.constant 196 : i32
      %run_scoped3A_100 = arith.constant 0 : i32
      "tpu.region"() ({
        %run_scoped3A_101 = tpu.sem_alloc : memref<!tpu.dma_semaphore, #tpu.memory_space<semaphore_mem>>
        %dma_start3A_102 = arith.constant 0 : i32
        %dma_start3A_103 = arith.constant 0 : i32
        %dma_start3A_104 = tpu.memref_slice %arg14[%run_scoped3A_100, %dma_start3A_102, %dma_start3A_103] : memref<2x392x8xf32, #tpu.memory_space<vmem>> -> memref<1x392x8xf32, #tpu.memory_space<vmem>>
        %dma_start3A_105 = tpu.memref_squeeze %dma_start3A_104 : memref<1x392x8xf32, #tpu.memory_space<vmem>> -> memref<392x8xf32, #tpu.memory_space<vmem>>
        %dma_start3A_106 = arith.constant 0 : i32
        %dma_start3A_107 = tpu.memref_slice %arg19[%add3A_89, %dma_start3A_106] : memref<100480x8xf32, #tpu.memory_space<vmem_shared>> -> memref<392x8xf32, #tpu.memory_space<vmem_shared>>
        %dma_start3A_108 = arith.constant 0 : i32
        %dma_start3A_109 = tpu.memref_slice %arg19[%add3A_89, %dma_start3A_108] : memref<100480x8xf32, #tpu.memory_space<vmem_shared>> -> memref<392x8xf32, #tpu.memory_space<vmem_shared>>
        %dma_start3A_110 = arith.constant 0 : i32
        %dma_start3A_111 = arith.constant 0 : i32
        %dma_start3A_112 = tpu.memref_slice %arg14[%run_scoped3A_100, %dma_start3A_110, %dma_start3A_111] : memref<2x392x8xf32, #tpu.memory_space<vmem>> -> memref<1x392x8xf32, #tpu.memory_space<vmem>>
        %dma_start3A_113 = tpu.memref_squeeze %dma_start3A_112 : memref<1x392x8xf32, #tpu.memory_space<vmem>> -> memref<392x8xf32, #tpu.memory_space<vmem>>
        tpu.enqueue_dma source(%dma_start3A_113 : memref<392x8xf32, #tpu.memory_space<vmem>>) target(%dma_start3A_109 : memref<392x8xf32, #tpu.memory_space<vmem_shared>>) target_semaphore(%run_scoped3A_101 : memref<!tpu.dma_semaphore, #tpu.memory_space<semaphore_mem>>)
        %dma_wait3A_114 = arith.constant 0 : i32
        %dma_wait3A_115 = arith.constant 0 : i32
        %dma_wait3A_116 = tpu.memref_slice %arg14[%run_scoped3A_100, %dma_wait3A_114, %dma_wait3A_115] : memref<2x392x8xf32, #tpu.memory_space<vmem>> -> memref<1x392x8xf32, #tpu.memory_space<vmem>>
        %dma_wait3A_117 = tpu.memref_squeeze %dma_wait3A_116 : memref<1x392x8xf32, #tpu.memory_space<vmem>> -> memref<392x8xf32, #tpu.memory_space<vmem>>
        %dma_wait3A_118 = arith.constant 0 : i32
        %dma_wait3A_119 = tpu.memref_slice %arg19[%add3A_89, %dma_wait3A_118] : memref<100480x8xf32, #tpu.memory_space<vmem_shared>> -> memref<392x8xf32, #tpu.memory_space<vmem_shared>>
        %dma_wait3A_120 = arith.constant 0 : i32
        %dma_wait3A_121 = tpu.memref_slice %arg19[%add3A_89, %dma_wait3A_120] : memref<100480x8xf32, #tpu.memory_space<vmem_shared>> -> memref<392x8xf32, #tpu.memory_space<vmem_shared>>
        %dma_wait3A_122 = arith.constant 0 : i32
        %dma_wait3A_123 = arith.constant 0 : i32
        %dma_wait3A_124 = tpu.memref_slice %arg14[%run_scoped3A_100, %dma_wait3A_122, %dma_wait3A_123] : memref<2x392x8xf32, #tpu.memory_space<vmem>> -> memref<1x392x8xf32, #tpu.memory_space<vmem>>
        %dma_wait3A_125 = tpu.memref_squeeze %dma_wait3A_124 : memref<1x392x8xf32, #tpu.memory_space<vmem>> -> memref<392x8xf32, #tpu.memory_space<vmem>>
        tpu.wait_dma2 semaphore(%run_scoped3A_101 : memref<!tpu.dma_semaphore, #tpu.memory_space<semaphore_mem>>) src(%dma_wait3A_125 : memref<392x8xf32, #tpu.memory_space<vmem>>) dst(%dma_wait3A_121 : memref<392x8xf32, #tpu.memory_space<vmem_shared>>)
        tpu.yield
      }) : () -> ()
    }
    %scan3A_74 = arith.constant 16 : i32
    %barrier3A_75 = arith.constant 0 : index
    tpu.barrier barrier_id(%barrier3A_75)
    %while3A = arith.constant 0 : i32
    %while3A_76 = arith.subi %reduce_max3A_23, %while3A : i32
    %while3A_77 = arith.addi %while3A, %while3A_76 : i32
    %while3A_78 = arith.constant 1 : i32
    %while3A_79 = arith.divsi %while3A_76, %while3A_78 : i32
    %while3A_80 = arith.muli %while3A_79, %while3A_78 : i32
    %while3A_81 = arith.addi %while3A, %while3A_80 : i32
    %while3A_82 = arith.constant 1 : i32
    scf.for %while3A_84 = %while3A to %while3A_81 step %while3A_82  : i32 {
      %mul3A_85 = arith.constant 196 : i32
      %mul3A_86 = arith.muli %arg1, %mul3A_85 : i32
      %add3A_87 = arith.constant 0 : i32
      %add3A_88 = arith.addi %mul3A_86, %add3A_87 : i32
      %dma_start3A_89 = arith.constant 0 : i32
      %dma_start3A_90 = arith.constant 0 : i32
      %dma_start3A_91 = arith.constant 0 : i32
      %dma_start3A_92 = tpu.memref_slice %arg13[%dma_start3A_89, %dma_start3A_90, %dma_start3A_91] : memref<2x1x512xi32, #tpu.memory_space<vmem>> -> memref<1x1x512xi32, #tpu.memory_space<vmem>>
      %dma_start3A_93 = tpu.memref_squeeze %dma_start3A_92 : memref<1x1x512xi32, #tpu.memory_space<vmem>> -> memref<1x512xi32, #tpu.memory_space<vmem>>
      %dma_start3A_94 = arith.constant 0 : i32
      %dma_start3A_95 = tpu.memref_slice %arg3[%add3A_88, %dma_start3A_94] : memref<3136x512xi32, #tpu.memory_space<hbm>> -> memref<1x512xi32, #tpu.memory_space<hbm>>
      %dma_start3A_96 = arith.constant 0 : i32
      %dma_start3A_97 = arith.constant 0 : i32
      %dma_start3A_98 = tpu.memref_slice %arg13[%dma_start3A_89, %dma_start3A_96, %dma_start3A_97] : memref<2x1x512xi32, #tpu.memory_space<vmem>> -> memref<1x1x512xi32, #tpu.memory_space<vmem>>
      %dma_start3A_99 = tpu.memref_squeeze %dma_start3A_98 : memref<1x1x512xi32, #tpu.memory_space<vmem>> -> memref<1x512xi32, #tpu.memory_space<vmem>>
      %dma_start3A_100 = arith.constant 0 : i32
      %dma_start3A_101 = tpu.memref_slice %arg3[%add3A_88, %dma_start3A_100] : memref<3136x512xi32, #tpu.memory_space<hbm>> -> memref<1x512xi32, #tpu.memory_space<hbm>>
      tpu.enqueue_dma source(%dma_start3A_101 : memref<1x512xi32, #tpu.memory_space<hbm>>) target(%dma_start3A_99 : memref<1x512xi32, #tpu.memory_space<vmem>>) target_semaphore(%arg12 : memref<!tpu.dma_semaphore, #tpu.memory_space<semaphore_mem>>)
      %dma_start3A_102 = arith.constant 0 : i32
      %dma_start3A_103 = arith.constant 0 : i32
      %dma_start3A_104 = arith.constant 0 : i32
      %dma_start3A_105 = tpu.memref_slice %arg11[%dma_start3A_102, %dma_start3A_103, %dma_start3A_104] : memref<2x1x512xi32, #tpu.memory_space<vmem>> -> memref<1x1x512xi32, #tpu.memory_space<vmem>>
      %dma_start3A_106 = tpu.memref_squeeze %dma_start3A_105 : memref<1x1x512xi32, #tpu.memory_space<vmem>> -> memref<1x512xi32, #tpu.memory_space<vmem>>
      %dma_start3A_107 = arith.constant 0 : i32
      %dma_start3A_108 = tpu.memref_slice %arg4[%add3A_88, %dma_start3A_107] : memref<3136x512xi32, #tpu.memory_space<hbm>> -> memref<1x512xi32, #tpu.memory_space<hbm>>
      %dma_start3A_109 = arith.constant 0 : i32
      %dma_start3A_110 = arith.constant 0 : i32
      %dma_start3A_111 = tpu.memref_slice %arg11[%dma_start3A_102, %dma_start3A_109, %dma_start3A_110] : memref<2x1x512xi32, #tpu.memory_space<vmem>> -> memref<1x1x512xi32, #tpu.memory_space<vmem>>
      %dma_start3A_112 = tpu.memref_squeeze %dma_start3A_111 : memref<1x1x512xi32, #tpu.memory_space<vmem>> -> memref<1x512xi32, #tpu.memory_space<vmem>>
      %dma_start3A_113 = arith.constant 0 : i32
      %dma_start3A_114 = tpu.memref_slice %arg4[%add3A_88, %dma_start3A_113] : memref<3136x512xi32, #tpu.memory_space<hbm>> -> memref<1x512xi32, #tpu.memory_space<hbm>>
      tpu.enqueue_dma source(%dma_start3A_114 : memref<1x512xi32, #tpu.memory_space<hbm>>) target(%dma_start3A_112 : memref<1x512xi32, #tpu.memory_space<vmem>>) target_semaphore(%arg12 : memref<!tpu.dma_semaphore, #tpu.memory_space<semaphore_mem>>)
      %scan3A_115 = arith.constant 0 : i32
      %scan3A_116 = arith.constant 98 : i32
      %scan3A_117 = arith.addi %scan3A_115, %scan3A_116 : i32
      %scan3A_118 = arith.constant 1 : i32
      scf.for %scan3A_160 = %scan3A_115 to %scan3A_117 step %scan3A_118  : i32 {
        %mul3A_161 = arith.constant 2 : i32
        %mul3A_162 = arith.muli %scan3A_160, %mul3A_161 : i32
        %add3A_163 = arith.constant 0 : i32
        %add3A_164 = arith.addi %mul3A_162, %add3A_163 : i32
        %mul3A_165 = arith.constant 196 : i32
        %mul3A_166 = arith.muli %arg1, %mul3A_165 : i32
        %mul3A_167 = arith.constant 1 : i32
        %mul3A_168 = arith.muli %add3A_164, %mul3A_167 : i32
        %add3A_169 = arith.addi %mul3A_166, %mul3A_168 : i32
        %dma_wait3A_170 = arith.constant 0 : i32
        %dma_wait3A_171 = arith.constant 0 : i32
        %dma_wait3A_172 = arith.constant 0 : i32
        %dma_wait3A_173 = tpu.memref_slice %arg13[%dma_wait3A_170, %dma_wait3A_171, %dma_wait3A_172] : memref<2x1x512xi32, #tpu.memory_space<vmem>> -> memref<1x1x512xi32, #tpu.memory_space<vmem>>
        %dma_wait3A_174 = tpu.memref_squeeze %dma_wait3A_173 : memref<1x1x512xi32, #tpu.memory_space<vmem>> -> memref<1x512xi32, #tpu.memory_space<vmem>>
        %dma_wait3A_175 = arith.constant 0 : i32
        %dma_wait3A_176 = tpu.memref_slice %arg3[%add3A_169, %dma_wait3A_175] : memref<3136x512xi32, #tpu.memory_space<hbm>> -> memref<1x512xi32, #tpu.memory_space<hbm>>
        %dma_wait3A_177 = arith.constant 0 : i32
        %dma_wait3A_178 = arith.constant 0 : i32
        %dma_wait3A_179 = tpu.memref_slice %arg13[%dma_wait3A_170, %dma_wait3A_177, %dma_wait3A_178] : memref<2x1x512xi32, #tpu.memory_space<vmem>> -> memref<1x1x512xi32, #tpu.memory_space<vmem>>
        %dma_wait3A_180 = tpu.memref_squeeze %dma_wait3A_179 : memref<1x1x512xi32, #tpu.memory_space<vmem>> -> memref<1x512xi32, #tpu.memory_space<vmem>>
        %dma_wait3A_181 = arith.constant 0 : i32
        %dma_wait3A_182 = tpu.memref_slice %arg3[%add3A_169, %dma_wait3A_181] : memref<3136x512xi32, #tpu.memory_space<hbm>> -> memref<1x512xi32, #tpu.memory_space<hbm>>
        tpu.wait_dma2 semaphore(%arg12 : memref<!tpu.dma_semaphore, #tpu.memory_space<semaphore_mem>>) src(%dma_wait3A_182 : memref<1x512xi32, #tpu.memory_space<hbm>>) dst(%dma_wait3A_180 : memref<1x512xi32, #tpu.memory_space<vmem>>)
        %dma_wait3A_183 = arith.constant 0 : i32
        %dma_wait3A_184 = arith.constant 0 : i32
        %dma_wait3A_185 = arith.constant 0 : i32
        %dma_wait3A_186 = tpu.memref_slice %arg11[%dma_wait3A_183, %dma_wait3A_184, %dma_wait3A_185] : memref<2x1x512xi32, #tpu.memory_space<vmem>> -> memref<1x1x512xi32, #tpu.memory_space<vmem>>
        %dma_wait3A_187 = tpu.memref_squeeze %dma_wait3A_186 : memref<1x1x512xi32, #tpu.memory_space<vmem>> -> memref<1x512xi32, #tpu.memory_space<vmem>>
        %dma_wait3A_188 = arith.constant 0 : i32
        %dma_wait3A_189 = tpu.memref_slice %arg4[%add3A_169, %dma_wait3A_188] : memref<3136x512xi32, #tpu.memory_space<hbm>> -> memref<1x512xi32, #tpu.memory_space<hbm>>
        %dma_wait3A_190 = arith.constant 0 : i32
        %dma_wait3A_191 = arith.constant 0 : i32
        %dma_wait3A_192 = tpu.memref_slice %arg11[%dma_wait3A_183, %dma_wait3A_190, %dma_wait3A_191] : memref<2x1x512xi32, #tpu.memory_space<vmem>> -> memref<1x1x512xi32, #tpu.memory_space<vmem>>
        %dma_wait3A_193 = tpu.memref_squeeze %dma_wait3A_192 : memref<1x1x512xi32, #tpu.memory_space<vmem>> -> memref<1x512xi32, #tpu.memory_space<vmem>>
        %dma_wait3A_194 = arith.constant 0 : i32
        %dma_wait3A_195 = tpu.memref_slice %arg4[%add3A_169, %dma_wait3A_194] : memref<3136x512xi32, #tpu.memory_space<hbm>> -> memref<1x512xi32, #tpu.memory_space<hbm>>
        tpu.wait_dma2 semaphore(%arg12 : memref<!tpu.dma_semaphore, #tpu.memory_space<semaphore_mem>>) src(%dma_wait3A_195 : memref<1x512xi32, #tpu.memory_space<hbm>>) dst(%dma_wait3A_193 : memref<1x512xi32, #tpu.memory_space<vmem>>)
        %dma_start3A_196 = arith.constant 0 : i32
        %dma_start3A_197 = arith.constant 0 : i32
        %dma_start3A_198 = arith.constant 0 : i32
        %dma_start3A_199 = arith.constant 0 : i32
        %dma_start3A_200 = arith.constant 0 : i32
        %dma_start3A_201 = arith.constant 0 : i32
        %dma_start3A_202 = tpu.memref_slice %arg17[%dma_start3A_198, %dma_start3A_199, %dma_start3A_200, %dma_start3A_201] : memref<2x1x512x8xf32, #tpu.memory_space<vmem>> -> memref<1x1x512x8xf32, #tpu.memory_space<vmem>>
        %dma_start3A_203 = tpu.memref_squeeze %dma_start3A_202 : memref<1x1x512x8xf32, #tpu.memory_space<vmem>> -> memref<512x8xf32, #tpu.memory_space<vmem>>
        %dma_start3A_204 = arith.constant 0 : i32
        %dma_start3A_205 = tpu.memref_slice %arg13[%dma_start3A_196, %dma_start3A_197, %dma_start3A_204] : memref<2x1x512xi32, #tpu.memory_space<vmem>> -> memref<1x1x512xi32, #tpu.memory_space<vmem>>
        %dma_start3A_206 = tpu.memref_squeeze %dma_start3A_205 : memref<1x1x512xi32, #tpu.memory_space<vmem>> -> memref<512xi32, #tpu.memory_space<vmem>>
        %dma_start3A_207 = arith.constant 0 : i32
        %dma_start3A_208 = arith.constant 0 : i32
        %dma_start3A_209 = tpu.memref_slice %arg19[%dma_start3A_207, %dma_start3A_208] : memref<100480x8xf32, #tpu.memory_space<vmem_shared>> -> memref<100480x8xf32, #tpu.memory_space<vmem_shared>>
        tpu.enqueue_indirect_dma source(%dma_start3A_209 : memref<100480x8xf32, #tpu.memory_space<vmem_shared>>) target(%dma_start3A_203 : memref<512x8xf32, #tpu.memory_space<vmem>>) offsets(%dma_start3A_206 : memref<512xi32, #tpu.memory_space<vmem>>) semaphore(%arg10 : memref<!tpu.dma_semaphore, #tpu.memory_space<semaphore_mem>>)
        %ge3A = arith.constant 1 : i32
        %ge3A_210 = arith.cmpi sge, %add3A_164, %ge3A : i32
        %convert_element_type3A_211 = arith.extui %ge3A_210 : i1 to i32
        %cond3A_212 = arith.constant 0 : i32
        %cond3A_213 = arith.cmpi ne, %convert_element_type3A_211, %cond3A_212 : i32
        scf.if %cond3A_213 {
          %dma_wait3A_337 = arith.constant 1 : i32
          %dma_wait3A_338 = arith.constant 0 : i32
          %dma_wait3A_339 = arith.constant 1 : i32
          %dma_wait3A_340 = arith.constant 0 : i32
          %dma_wait3A_341 = arith.constant 0 : i32
          %dma_wait3A_342 = arith.constant 0 : i32
          %dma_wait3A_343 = tpu.memref_slice %arg17[%dma_wait3A_337, %dma_wait3A_338, %dma_wait3A_341, %dma_wait3A_342] : memref<2x1x512x8xf32, #tpu.memory_space<vmem>> -> memref<1x1x512x8xf32, #tpu.memory_space<vmem>>
          %dma_wait3A_344 = tpu.memref_squeeze %dma_wait3A_343 : memref<1x1x512x8xf32, #tpu.memory_space<vmem>> -> memref<512x8xf32, #tpu.memory_space<vmem>>
          %dma_wait3A_345 = arith.constant 0 : i32
          %dma_wait3A_346 = tpu.memref_slice %arg11[%dma_wait3A_339, %dma_wait3A_340, %dma_wait3A_345] : memref<2x1x512xi32, #tpu.memory_space<vmem>> -> memref<1x1x512xi32, #tpu.memory_space<vmem>>
          %dma_wait3A_347 = tpu.memref_squeeze %dma_wait3A_346 : memref<1x1x512xi32, #tpu.memory_space<vmem>> -> memref<512xi32, #tpu.memory_space<vmem>>
          %dma_wait3A_348 = arith.constant 0 : i32
          %dma_wait3A_349 = arith.constant 0 : i32
          %dma_wait3A_350 = tpu.memref_slice %arg8[%dma_wait3A_348, %dma_wait3A_349] : memref<100480x8xf32, #tpu.memory_space<vmem_shared>> -> memref<100480x8xf32, #tpu.memory_space<vmem_shared>>
          tpu.wait_indirect_dma semaphore(%arg18 : memref<!tpu.dma_semaphore, #tpu.memory_space<semaphore_mem>>) src(%dma_wait3A_344 : memref<512x8xf32, #tpu.memory_space<vmem>>) dst(%dma_wait3A_350 : memref<100480x8xf32, #tpu.memory_space<vmem_shared>>)
        } else {
        }
        %add3A_214 = arith.constant 1 : i32
        %add3A_215 = arith.addi %add3A_164, %add3A_214 : i32
        %lt3A = arith.constant 196 : i32
        %lt3A_216 = arith.cmpi slt, %add3A_215, %lt3A : i32
        %convert_element_type3A_217 = arith.extui %lt3A_216 : i1 to i32
        %cond3A_218 = arith.constant 0 : i32
        %cond3A_219 = arith.cmpi ne, %convert_element_type3A_217, %cond3A_218 : i32
        scf.if %cond3A_219 {
          %add3A_337 = arith.constant 1 : i32
          %add3A_338 = arith.addi %add3A_164, %add3A_337 : i32
          %mul3A_339 = arith.constant 196 : i32
          %mul3A_340 = arith.muli %arg1, %mul3A_339 : i32
          %mul3A_341 = arith.constant 1 : i32
          %mul3A_342 = arith.muli %add3A_338, %mul3A_341 : i32
          %add3A_343 = arith.addi %mul3A_340, %mul3A_342 : i32
          %dma_start3A_344 = arith.constant 1 : i32
          %dma_start3A_345 = arith.constant 0 : i32
          %dma_start3A_346 = arith.constant 0 : i32
          %dma_start3A_347 = tpu.memref_slice %arg13[%dma_start3A_344, %dma_start3A_345, %dma_start3A_346] : memref<2x1x512xi32, #tpu.memory_space<vmem>> -> memref<1x1x512xi32, #tpu.memory_space<vmem>>
          %dma_start3A_348 = tpu.memref_squeeze %dma_start3A_347 : memref<1x1x512xi32, #tpu.memory_space<vmem>> -> memref<1x512xi32, #tpu.memory_space<vmem>>
          %dma_start3A_349 = arith.constant 0 : i32
          %dma_start3A_350 = tpu.memref_slice %arg3[%add3A_343, %dma_start3A_349] : memref<3136x512xi32, #tpu.memory_space<hbm>> -> memref<1x512xi32, #tpu.memory_space<hbm>>
          %dma_start3A_351 = arith.constant 0 : i32
          %dma_start3A_352 = arith.constant 0 : i32
          %dma_start3A_353 = tpu.memref_slice %arg13[%dma_start3A_344, %dma_start3A_351, %dma_start3A_352] : memref<2x1x512xi32, #tpu.memory_space<vmem>> -> memref<1x1x512xi32, #tpu.memory_space<vmem>>
          %dma_start3A_354 = tpu.memref_squeeze %dma_start3A_353 : memref<1x1x512xi32, #tpu.memory_space<vmem>> -> memref<1x512xi32, #tpu.memory_space<vmem>>
          %dma_start3A_355 = arith.constant 0 : i32
          %dma_start3A_356 = tpu.memref_slice %arg3[%add3A_343, %dma_start3A_355] : memref<3136x512xi32, #tpu.memory_space<hbm>> -> memref<1x512xi32, #tpu.memory_space<hbm>>
          tpu.enqueue_dma source(%dma_start3A_356 : memref<1x512xi32, #tpu.memory_space<hbm>>) target(%dma_start3A_354 : memref<1x512xi32, #tpu.memory_space<vmem>>) target_semaphore(%arg12 : memref<!tpu.dma_semaphore, #tpu.memory_space<semaphore_mem>>)
          %dma_start3A_357 = arith.constant 1 : i32
          %dma_start3A_358 = arith.constant 0 : i32
          %dma_start3A_359 = arith.constant 0 : i32
          %dma_start3A_360 = tpu.memref_slice %arg11[%dma_start3A_357, %dma_start3A_358, %dma_start3A_359] : memref<2x1x512xi32, #tpu.memory_space<vmem>> -> memref<1x1x512xi32, #tpu.memory_space<vmem>>
          %dma_start3A_361 = tpu.memref_squeeze %dma_start3A_360 : memref<1x1x512xi32, #tpu.memory_space<vmem>> -> memref<1x512xi32, #tpu.memory_space<vmem>>
          %dma_start3A_362 = arith.constant 0 : i32
          %dma_start3A_363 = tpu.memref_slice %arg4[%add3A_343, %dma_start3A_362] : memref<3136x512xi32, #tpu.memory_space<hbm>> -> memref<1x512xi32, #tpu.memory_space<hbm>>
          %dma_start3A_364 = arith.constant 0 : i32
          %dma_start3A_365 = arith.constant 0 : i32
          %dma_start3A_366 = tpu.memref_slice %arg11[%dma_start3A_357, %dma_start3A_364, %dma_start3A_365] : memref<2x1x512xi32, #tpu.memory_space<vmem>> -> memref<1x1x512xi32, #tpu.memory_space<vmem>>
          %dma_start3A_367 = tpu.memref_squeeze %dma_start3A_366 : memref<1x1x512xi32, #tpu.memory_space<vmem>> -> memref<1x512xi32, #tpu.memory_space<vmem>>
          %dma_start3A_368 = arith.constant 0 : i32
          %dma_start3A_369 = tpu.memref_slice %arg4[%add3A_343, %dma_start3A_368] : memref<3136x512xi32, #tpu.memory_space<hbm>> -> memref<1x512xi32, #tpu.memory_space<hbm>>
          tpu.enqueue_dma source(%dma_start3A_369 : memref<1x512xi32, #tpu.memory_space<hbm>>) target(%dma_start3A_367 : memref<1x512xi32, #tpu.memory_space<vmem>>) target_semaphore(%arg12 : memref<!tpu.dma_semaphore, #tpu.memory_space<semaphore_mem>>)
        } else {
        }
        %dma_wait3A_220 = arith.constant 0 : i32
        %dma_wait3A_221 = arith.constant 0 : i32
        %dma_wait3A_222 = arith.constant 0 : i32
        %dma_wait3A_223 = arith.constant 0 : i32
        %dma_wait3A_224 = arith.constant 0 : i32
        %dma_wait3A_225 = arith.constant 0 : i32
        %dma_wait3A_226 = tpu.memref_slice %arg17[%dma_wait3A_222, %dma_wait3A_223, %dma_wait3A_224, %dma_wait3A_225] : memref<2x1x512x8xf32, #tpu.memory_space<vmem>> -> memref<1x1x512x8xf32, #tpu.memory_space<vmem>>
        %dma_wait3A_227 = tpu.memref_squeeze %dma_wait3A_226 : memref<1x1x512x8xf32, #tpu.memory_space<vmem>> -> memref<512x8xf32, #tpu.memory_space<vmem>>
        %dma_wait3A_228 = arith.constant 0 : i32
        %dma_wait3A_229 = tpu.memref_slice %arg13[%dma_wait3A_220, %dma_wait3A_221, %dma_wait3A_228] : memref<2x1x512xi32, #tpu.memory_space<vmem>> -> memref<1x1x512xi32, #tpu.memory_space<vmem>>
        %dma_wait3A_230 = tpu.memref_squeeze %dma_wait3A_229 : memref<1x1x512xi32, #tpu.memory_space<vmem>> -> memref<512xi32, #tpu.memory_space<vmem>>
        %dma_wait3A_231 = arith.constant 0 : i32
        %dma_wait3A_232 = arith.constant 0 : i32
        %dma_wait3A_233 = tpu.memref_slice %arg19[%dma_wait3A_231, %dma_wait3A_232] : memref<100480x8xf32, #tpu.memory_space<vmem_shared>> -> memref<100480x8xf32, #tpu.memory_space<vmem_shared>>
        tpu.wait_indirect_dma semaphore(%arg10 : memref<!tpu.dma_semaphore, #tpu.memory_space<semaphore_mem>>) src(%dma_wait3A_233 : memref<100480x8xf32, #tpu.memory_space<vmem_shared>>) dst(%dma_wait3A_227 : memref<512x8xf32, #tpu.memory_space<vmem>>)
        %dma_start3A_234 = arith.constant 0 : i32
        %dma_start3A_235 = arith.constant 0 : i32
        %dma_start3A_236 = arith.constant 0 : i32
        %dma_start3A_237 = arith.constant 0 : i32
        %dma_start3A_238 = arith.constant 0 : i32
        %dma_start3A_239 = arith.constant 0 : i32
        %dma_start3A_240 = tpu.memref_slice %arg17[%dma_start3A_234, %dma_start3A_235, %dma_start3A_238, %dma_start3A_239] : memref<2x1x512x8xf32, #tpu.memory_space<vmem>> -> memref<1x1x512x8xf32, #tpu.memory_space<vmem>>
        %dma_start3A_241 = tpu.memref_squeeze %dma_start3A_240 : memref<1x1x512x8xf32, #tpu.memory_space<vmem>> -> memref<512x8xf32, #tpu.memory_space<vmem>>
        %dma_start3A_242 = arith.constant 0 : i32
        %dma_start3A_243 = tpu.memref_slice %arg11[%dma_start3A_236, %dma_start3A_237, %dma_start3A_242] : memref<2x1x512xi32, #tpu.memory_space<vmem>> -> memref<1x1x512xi32, #tpu.memory_space<vmem>>
        %dma_start3A_244 = tpu.memref_squeeze %dma_start3A_243 : memref<1x1x512xi32, #tpu.memory_space<vmem>> -> memref<512xi32, #tpu.memory_space<vmem>>
        %dma_start3A_245 = arith.constant 0 : i32
        %dma_start3A_246 = arith.constant 0 : i32
        %dma_start3A_247 = tpu.memref_slice %arg8[%dma_start3A_245, %dma_start3A_246] : memref<100480x8xf32, #tpu.memory_space<vmem_shared>> -> memref<100480x8xf32, #tpu.memory_space<vmem_shared>>
        tpu.enqueue_indirect_dma source(%dma_start3A_241 : memref<512x8xf32, #tpu.memory_space<vmem>>) target(%dma_start3A_247 : memref<100480x8xf32, #tpu.memory_space<vmem_shared>>) offsets(%dma_start3A_244 : memref<512xi32, #tpu.memory_space<vmem>>) semaphore(%arg18 : memref<!tpu.dma_semaphore, #tpu.memory_space<semaphore_mem>>) {add = true}
        %mul3A_248 = arith.constant 2 : i32
        %mul3A_249 = arith.muli %scan3A_160, %mul3A_248 : i32
        %add3A_250 = arith.constant 1 : i32
        %add3A_251 = arith.addi %mul3A_249, %add3A_250 : i32
        %mul3A_252 = arith.constant 196 : i32
        %mul3A_253 = arith.muli %arg1, %mul3A_252 : i32
        %mul3A_254 = arith.constant 1 : i32
        %mul3A_255 = arith.muli %add3A_251, %mul3A_254 : i32
        %add3A_256 = arith.addi %mul3A_253, %mul3A_255 : i32
        %dma_wait3A_257 = arith.constant 1 : i32
        %dma_wait3A_258 = arith.constant 0 : i32
        %dma_wait3A_259 = arith.constant 0 : i32
        %dma_wait3A_260 = tpu.memref_slice %arg13[%dma_wait3A_257, %dma_wait3A_258, %dma_wait3A_259] : memref<2x1x512xi32, #tpu.memory_space<vmem>> -> memref<1x1x512xi32, #tpu.memory_space<vmem>>
        %dma_wait3A_261 = tpu.memref_squeeze %dma_wait3A_260 : memref<1x1x512xi32, #tpu.memory_space<vmem>> -> memref<1x512xi32, #tpu.memory_space<vmem>>
        %dma_wait3A_262 = arith.constant 0 : i32
        %dma_wait3A_263 = tpu.memref_slice %arg3[%add3A_256, %dma_wait3A_262] : memref<3136x512xi32, #tpu.memory_space<hbm>> -> memref<1x512xi32, #tpu.memory_space<hbm>>
        %dma_wait3A_264 = arith.constant 0 : i32
        %dma_wait3A_265 = arith.constant 0 : i32
        %dma_wait3A_266 = tpu.memref_slice %arg13[%dma_wait3A_257, %dma_wait3A_264, %dma_wait3A_265] : memref<2x1x512xi32, #tpu.memory_space<vmem>> -> memref<1x1x512xi32, #tpu.memory_space<vmem>>
        %dma_wait3A_267 = tpu.memref_squeeze %dma_wait3A_266 : memref<1x1x512xi32, #tpu.memory_space<vmem>> -> memref<1x512xi32, #tpu.memory_space<vmem>>
        %dma_wait3A_268 = arith.constant 0 : i32
        %dma_wait3A_269 = tpu.memref_slice %arg3[%add3A_256, %dma_wait3A_268] : memref<3136x512xi32, #tpu.memory_space<hbm>> -> memref<1x512xi32, #tpu.memory_space<hbm>>
        tpu.wait_dma2 semaphore(%arg12 : memref<!tpu.dma_semaphore, #tpu.memory_space<semaphore_mem>>) src(%dma_wait3A_269 : memref<1x512xi32, #tpu.memory_space<hbm>>) dst(%dma_wait3A_267 : memref<1x512xi32, #tpu.memory_space<vmem>>)
        %dma_wait3A_270 = arith.constant 1 : i32
        %dma_wait3A_271 = arith.constant 0 : i32
        %dma_wait3A_272 = arith.constant 0 : i32
        %dma_wait3A_273 = tpu.memref_slice %arg11[%dma_wait3A_270, %dma_wait3A_271, %dma_wait3A_272] : memref<2x1x512xi32, #tpu.memory_space<vmem>> -> memref<1x1x512xi32, #tpu.memory_space<vmem>>
        %dma_wait3A_274 = tpu.memref_squeeze %dma_wait3A_273 : memref<1x1x512xi32, #tpu.memory_space<vmem>> -> memref<1x512xi32, #tpu.memory_space<vmem>>
        %dma_wait3A_275 = arith.constant 0 : i32
        %dma_wait3A_276 = tpu.memref_slice %arg4[%add3A_256, %dma_wait3A_275] : memref<3136x512xi32, #tpu.memory_space<hbm>> -> memref<1x512xi32, #tpu.memory_space<hbm>>
        %dma_wait3A_277 = arith.constant 0 : i32
        %dma_wait3A_278 = arith.constant 0 : i32
        %dma_wait3A_279 = tpu.memref_slice %arg11[%dma_wait3A_270, %dma_wait3A_277, %dma_wait3A_278] : memref<2x1x512xi32, #tpu.memory_space<vmem>> -> memref<1x1x512xi32, #tpu.memory_space<vmem>>
        %dma_wait3A_280 = tpu.memref_squeeze %dma_wait3A_279 : memref<1x1x512xi32, #tpu.memory_space<vmem>> -> memref<1x512xi32, #tpu.memory_space<vmem>>
        %dma_wait3A_281 = arith.constant 0 : i32
        %dma_wait3A_282 = tpu.memref_slice %arg4[%add3A_256, %dma_wait3A_281] : memref<3136x512xi32, #tpu.memory_space<hbm>> -> memref<1x512xi32, #tpu.memory_space<hbm>>
        tpu.wait_dma2 semaphore(%arg12 : memref<!tpu.dma_semaphore, #tpu.memory_space<semaphore_mem>>) src(%dma_wait3A_282 : memref<1x512xi32, #tpu.memory_space<hbm>>) dst(%dma_wait3A_280 : memref<1x512xi32, #tpu.memory_space<vmem>>)
        %dma_start3A_283 = arith.constant 1 : i32
        %dma_start3A_284 = arith.constant 0 : i32
        %dma_start3A_285 = arith.constant 1 : i32
        %dma_start3A_286 = arith.constant 0 : i32
        %dma_start3A_287 = arith.constant 0 : i32
        %dma_start3A_288 = arith.constant 0 : i32
        %dma_start3A_289 = tpu.memref_slice %arg17[%dma_start3A_285, %dma_start3A_286, %dma_start3A_287, %dma_start3A_288] : memref<2x1x512x8xf32, #tpu.memory_space<vmem>> -> memref<1x1x512x8xf32, #tpu.memory_space<vmem>>
        %dma_start3A_290 = tpu.memref_squeeze %dma_start3A_289 : memref<1x1x512x8xf32, #tpu.memory_space<vmem>> -> memref<512x8xf32, #tpu.memory_space<vmem>>
        %dma_start3A_291 = arith.constant 0 : i32
        %dma_start3A_292 = tpu.memref_slice %arg13[%dma_start3A_283, %dma_start3A_284, %dma_start3A_291] : memref<2x1x512xi32, #tpu.memory_space<vmem>> -> memref<1x1x512xi32, #tpu.memory_space<vmem>>
        %dma_start3A_293 = tpu.memref_squeeze %dma_start3A_292 : memref<1x1x512xi32, #tpu.memory_space<vmem>> -> memref<512xi32, #tpu.memory_space<vmem>>
        %dma_start3A_294 = arith.constant 0 : i32
        %dma_start3A_295 = arith.constant 0 : i32
        %dma_start3A_296 = tpu.memref_slice %arg19[%dma_start3A_294, %dma_start3A_295] : memref<100480x8xf32, #tpu.memory_space<vmem_shared>> -> memref<100480x8xf32, #tpu.memory_space<vmem_shared>>
        tpu.enqueue_indirect_dma source(%dma_start3A_296 : memref<100480x8xf32, #tpu.memory_space<vmem_shared>>) target(%dma_start3A_290 : memref<512x8xf32, #tpu.memory_space<vmem>>) offsets(%dma_start3A_293 : memref<512xi32, #tpu.memory_space<vmem>>) semaphore(%arg10 : memref<!tpu.dma_semaphore, #tpu.memory_space<semaphore_mem>>)
        %ge3A_297 = arith.constant 1 : i32
        %ge3A_298 = arith.cmpi sge, %add3A_251, %ge3A_297 : i32
        %convert_element_type3A_299 = arith.extui %ge3A_298 : i1 to i32
        %cond3A_300 = arith.constant 0 : i32
        %cond3A_301 = arith.cmpi ne, %convert_element_type3A_299, %cond3A_300 : i32
        scf.if %cond3A_301 {
          %dma_wait3A_337 = arith.constant 0 : i32
          %dma_wait3A_338 = arith.constant 0 : i32
          %dma_wait3A_339 = arith.constant 0 : i32
          %dma_wait3A_340 = arith.constant 0 : i32
          %dma_wait3A_341 = arith.constant 0 : i32
          %dma_wait3A_342 = arith.constant 0 : i32
          %dma_wait3A_343 = tpu.memref_slice %arg17[%dma_wait3A_337, %dma_wait3A_338, %dma_wait3A_341, %dma_wait3A_342] : memref<2x1x512x8xf32, #tpu.memory_space<vmem>> -> memref<1x1x512x8xf32, #tpu.memory_space<vmem>>
          %dma_wait3A_344 = tpu.memref_squeeze %dma_wait3A_343 : memref<1x1x512x8xf32, #tpu.memory_space<vmem>> -> memref<512x8xf32, #tpu.memory_space<vmem>>
          %dma_wait3A_345 = arith.constant 0 : i32
          %dma_wait3A_346 = tpu.memref_slice %arg11[%dma_wait3A_339, %dma_wait3A_340, %dma_wait3A_345] : memref<2x1x512xi32, #tpu.memory_space<vmem>> -> memref<1x1x512xi32, #tpu.memory_space<vmem>>
          %dma_wait3A_347 = tpu.memref_squeeze %dma_wait3A_346 : memref<1x1x512xi32, #tpu.memory_space<vmem>> -> memref<512xi32, #tpu.memory_space<vmem>>
          %dma_wait3A_348 = arith.constant 0 : i32
          %dma_wait3A_349 = arith.constant 0 : i32
          %dma_wait3A_350 = tpu.memref_slice %arg8[%dma_wait3A_348, %dma_wait3A_349] : memref<100480x8xf32, #tpu.memory_space<vmem_shared>> -> memref<100480x8xf32, #tpu.memory_space<vmem_shared>>
          tpu.wait_indirect_dma semaphore(%arg18 : memref<!tpu.dma_semaphore, #tpu.memory_space<semaphore_mem>>) src(%dma_wait3A_344 : memref<512x8xf32, #tpu.memory_space<vmem>>) dst(%dma_wait3A_350 : memref<100480x8xf32, #tpu.memory_space<vmem_shared>>)
        } else {
        }
        %add3A_302 = arith.constant 1 : i32
        %add3A_303 = arith.addi %add3A_251, %add3A_302 : i32
        %lt3A_304 = arith.constant 196 : i32
        %lt3A_305 = arith.cmpi slt, %add3A_303, %lt3A_304 : i32
        %convert_element_type3A_306 = arith.extui %lt3A_305 : i1 to i32
        %cond3A_307 = arith.constant 0 : i32
        %cond3A_308 = arith.cmpi ne, %convert_element_type3A_306, %cond3A_307 : i32
        scf.if %cond3A_308 {
          %add3A_337 = arith.constant 1 : i32
          %add3A_338 = arith.addi %add3A_251, %add3A_337 : i32
          %mul3A_339 = arith.constant 196 : i32
          %mul3A_340 = arith.muli %arg1, %mul3A_339 : i32
          %mul3A_341 = arith.constant 1 : i32
          %mul3A_342 = arith.muli %add3A_338, %mul3A_341 : i32
          %add3A_343 = arith.addi %mul3A_340, %mul3A_342 : i32
          %dma_start3A_344 = arith.constant 0 : i32
          %dma_start3A_345 = arith.constant 0 : i32
          %dma_start3A_346 = arith.constant 0 : i32
          %dma_start3A_347 = tpu.memref_slice %arg13[%dma_start3A_344, %dma_start3A_345, %dma_start3A_346] : memref<2x1x512xi32, #tpu.memory_space<vmem>> -> memref<1x1x512xi32, #tpu.memory_space<vmem>>
          %dma_start3A_348 = tpu.memref_squeeze %dma_start3A_347 : memref<1x1x512xi32, #tpu.memory_space<vmem>> -> memref<1x512xi32, #tpu.memory_space<vmem>>
          %dma_start3A_349 = arith.constant 0 : i32
          %dma_start3A_350 = tpu.memref_slice %arg3[%add3A_343, %dma_start3A_349] : memref<3136x512xi32, #tpu.memory_space<hbm>> -> memref<1x512xi32, #tpu.memory_space<hbm>>
          %dma_start3A_351 = arith.constant 0 : i32
          %dma_start3A_352 = arith.constant 0 : i32
          %dma_start3A_353 = tpu.memref_slice %arg13[%dma_start3A_344, %dma_start3A_351, %dma_start3A_352] : memref<2x1x512xi32, #tpu.memory_space<vmem>> -> memref<1x1x512xi32, #tpu.memory_space<vmem>>
          %dma_start3A_354 = tpu.memref_squeeze %dma_start3A_353 : memref<1x1x512xi32, #tpu.memory_space<vmem>> -> memref<1x512xi32, #tpu.memory_space<vmem>>
          %dma_start3A_355 = arith.constant 0 : i32
          %dma_start3A_356 = tpu.memref_slice %arg3[%add3A_343, %dma_start3A_355] : memref<3136x512xi32, #tpu.memory_space<hbm>> -> memref<1x512xi32, #tpu.memory_space<hbm>>
          tpu.enqueue_dma source(%dma_start3A_356 : memref<1x512xi32, #tpu.memory_space<hbm>>) target(%dma_start3A_354 : memref<1x512xi32, #tpu.memory_space<vmem>>) target_semaphore(%arg12 : memref<!tpu.dma_semaphore, #tpu.memory_space<semaphore_mem>>)
          %dma_start3A_357 = arith.constant 0 : i32
          %dma_start3A_358 = arith.constant 0 : i32
          %dma_start3A_359 = arith.constant 0 : i32
          %dma_start3A_360 = tpu.memref_slice %arg11[%dma_start3A_357, %dma_start3A_358, %dma_start3A_359] : memref<2x1x512xi32, #tpu.memory_space<vmem>> -> memref<1x1x512xi32, #tpu.memory_space<vmem>>
          %dma_start3A_361 = tpu.memref_squeeze %dma_start3A_360 : memref<1x1x512xi32, #tpu.memory_space<vmem>> -> memref<1x512xi32, #tpu.memory_space<vmem>>
          %dma_start3A_362 = arith.constant 0 : i32
          %dma_start3A_363 = tpu.memref_slice %arg4[%add3A_343, %dma_start3A_362] : memref<3136x512xi32, #tpu.memory_space<hbm>> -> memref<1x512xi32, #tpu.memory_space<hbm>>
          %dma_start3A_364 = arith.constant 0 : i32
          %dma_start3A_365 = arith.constant 0 : i32
          %dma_start3A_366 = tpu.memref_slice %arg11[%dma_start3A_357, %dma_start3A_364, %dma_start3A_365] : memref<2x1x512xi32, #tpu.memory_space<vmem>> -> memref<1x1x512xi32, #tpu.memory_space<vmem>>
          %dma_start3A_367 = tpu.memref_squeeze %dma_start3A_366 : memref<1x1x512xi32, #tpu.memory_space<vmem>> -> memref<1x512xi32, #tpu.memory_space<vmem>>
          %dma_start3A_368 = arith.constant 0 : i32
          %dma_start3A_369 = tpu.memref_slice %arg4[%add3A_343, %dma_start3A_368] : memref<3136x512xi32, #tpu.memory_space<hbm>> -> memref<1x512xi32, #tpu.memory_space<hbm>>
          tpu.enqueue_dma source(%dma_start3A_369 : memref<1x512xi32, #tpu.memory_space<hbm>>) target(%dma_start3A_367 : memref<1x512xi32, #tpu.memory_space<vmem>>) target_semaphore(%arg12 : memref<!tpu.dma_semaphore, #tpu.memory_space<semaphore_mem>>)
        } else {
        }
        %dma_wait3A_309 = arith.constant 1 : i32
        %dma_wait3A_310 = arith.constant 0 : i32
        %dma_wait3A_311 = arith.constant 1 : i32
        %dma_wait3A_312 = arith.constant 0 : i32
        %dma_wait3A_313 = arith.constant 0 : i32
        %dma_wait3A_314 = arith.constant 0 : i32
        %dma_wait3A_315 = tpu.memref_slice %arg17[%dma_wait3A_311, %dma_wait3A_312, %dma_wait3A_313, %dma_wait3A_314] : memref<2x1x512x8xf32, #tpu.memory_space<vmem>> -> memref<1x1x512x8xf32, #tpu.memory_space<vmem>>
        %dma_wait3A_316 = tpu.memref_squeeze %dma_wait3A_315 : memref<1x1x512x8xf32, #tpu.memory_space<vmem>> -> memref<512x8xf32, #tpu.memory_space<vmem>>
        %dma_wait3A_317 = arith.constant 0 : i32
        %dma_wait3A_318 = tpu.memref_slice %arg13[%dma_wait3A_309, %dma_wait3A_310, %dma_wait3A_317] : memref<2x1x512xi32, #tpu.memory_space<vmem>> -> memref<1x1x512xi32, #tpu.memory_space<vmem>>
        %dma_wait3A_319 = tpu.memref_squeeze %dma_wait3A_318 : memref<1x1x512xi32, #tpu.memory_space<vmem>> -> memref<512xi32, #tpu.memory_space<vmem>>
        %dma_wait3A_320 = arith.constant 0 : i32
        %dma_wait3A_321 = arith.constant 0 : i32
        %dma_wait3A_322 = tpu.memref_slice %arg19[%dma_wait3A_320, %dma_wait3A_321] : memref<100480x8xf32, #tpu.memory_space<vmem_shared>> -> memref<100480x8xf32, #tpu.memory_space<vmem_shared>>
        tpu.wait_indirect_dma semaphore(%arg10 : memref<!tpu.dma_semaphore, #tpu.memory_space<semaphore_mem>>) src(%dma_wait3A_322 : memref<100480x8xf32, #tpu.memory_space<vmem_shared>>) dst(%dma_wait3A_316 : memref<512x8xf32, #tpu.memory_space<vmem>>)
        %dma_start3A_323 = arith.constant 1 : i32
        %dma_start3A_324 = arith.constant 0 : i32
        %dma_start3A_325 = arith.constant 1 : i32
        %dma_start3A_326 = arith.constant 0 : i32
        %dma_start3A_327 = arith.constant 0 : i32
        %dma_start3A_328 = arith.constant 0 : i32
        %dma_start3A_329 = tpu.memref_slice %arg17[%dma_start3A_323, %dma_start3A_324, %dma_start3A_327, %dma_start3A_328] : memref<2x1x512x8xf32, #tpu.memory_space<vmem>> -> memref<1x1x512x8xf32, #tpu.memory_space<vmem>>
        %dma_start3A_330 = tpu.memref_squeeze %dma_start3A_329 : memref<1x1x512x8xf32, #tpu.memory_space<vmem>> -> memref<512x8xf32, #tpu.memory_space<vmem>>
        %dma_start3A_331 = arith.constant 0 : i32
        %dma_start3A_332 = tpu.memref_slice %arg11[%dma_start3A_325, %dma_start3A_326, %dma_start3A_331] : memref<2x1x512xi32, #tpu.memory_space<vmem>> -> memref<1x1x512xi32, #tpu.memory_space<vmem>>
        %dma_start3A_333 = tpu.memref_squeeze %dma_start3A_332 : memref<1x1x512xi32, #tpu.memory_space<vmem>> -> memref<512xi32, #tpu.memory_space<vmem>>
        %dma_start3A_334 = arith.constant 0 : i32
        %dma_start3A_335 = arith.constant 0 : i32
        %dma_start3A_336 = tpu.memref_slice %arg8[%dma_start3A_334, %dma_start3A_335] : memref<100480x8xf32, #tpu.memory_space<vmem_shared>> -> memref<100480x8xf32, #tpu.memory_space<vmem_shared>>
        tpu.enqueue_indirect_dma source(%dma_start3A_330 : memref<512x8xf32, #tpu.memory_space<vmem>>) target(%dma_start3A_336 : memref<100480x8xf32, #tpu.memory_space<vmem_shared>>) offsets(%dma_start3A_333 : memref<512xi32, #tpu.memory_space<vmem>>) semaphore(%arg18 : memref<!tpu.dma_semaphore, #tpu.memory_space<semaphore_mem>>) {add = true}
      }
      %scan3A_119 = arith.constant 98 : i32
      %dma_wait3A_120 = arith.constant 1 : i32
      %dma_wait3A_121 = arith.constant 0 : i32
      %dma_wait3A_122 = arith.constant 1 : i32
      %dma_wait3A_123 = arith.constant 0 : i32
      %dma_wait3A_124 = arith.constant 0 : i32
      %dma_wait3A_125 = arith.constant 0 : i32
      %dma_wait3A_126 = tpu.memref_slice %arg17[%dma_wait3A_120, %dma_wait3A_121, %dma_wait3A_124, %dma_wait3A_125] : memref<2x1x512x8xf32, #tpu.memory_space<vmem>> -> memref<1x1x512x8xf32, #tpu.memory_space<vmem>>
      %dma_wait3A_127 = tpu.memref_squeeze %dma_wait3A_126 : memref<1x1x512x8xf32, #tpu.memory_space<vmem>> -> memref<512x8xf32, #tpu.memory_space<vmem>>
      %dma_wait3A_128 = arith.constant 0 : i32
      %dma_wait3A_129 = tpu.memref_slice %arg11[%dma_wait3A_122, %dma_wait3A_123, %dma_wait3A_128] : memref<2x1x512xi32, #tpu.memory_space<vmem>> -> memref<1x1x512xi32, #tpu.memory_space<vmem>>
      %dma_wait3A_130 = tpu.memref_squeeze %dma_wait3A_129 : memref<1x1x512xi32, #tpu.memory_space<vmem>> -> memref<512xi32, #tpu.memory_space<vmem>>
      %dma_wait3A_131 = arith.constant 0 : i32
      %dma_wait3A_132 = arith.constant 0 : i32
      %dma_wait3A_133 = tpu.memref_slice %arg8[%dma_wait3A_131, %dma_wait3A_132] : memref<100480x8xf32, #tpu.memory_space<vmem_shared>> -> memref<100480x8xf32, #tpu.memory_space<vmem_shared>>
      tpu.wait_indirect_dma semaphore(%arg18 : memref<!tpu.dma_semaphore, #tpu.memory_space<semaphore_mem>>) src(%dma_wait3A_127 : memref<512x8xf32, #tpu.memory_space<vmem>>) dst(%dma_wait3A_133 : memref<100480x8xf32, #tpu.memory_space<vmem_shared>>)
      %barrier3A_134 = arith.constant 0 : index
      tpu.barrier barrier_id(%barrier3A_134)
      %mul3A_135 = arith.constant 6272 : i32
      %mul3A_136 = arith.muli %arg1, %mul3A_135 : i32
      %add3A_137 = arith.constant 0 : i32
      %add3A_138 = arith.addi %mul3A_136, %add3A_137 : i32
      %dma_start3A_139 = arith.constant 0 : i32
      %dma_start3A_140 = arith.constant 0 : i32
      %dma_start3A_141 = arith.constant 0 : i32
      %dma_start3A_142 = tpu.memref_slice %arg14[%dma_start3A_139, %dma_start3A_140, %dma_start3A_141] : memref<2x392x8xf32, #tpu.memory_space<vmem>> -> memref<1x392x8xf32, #tpu.memory_space<vmem>>
      %dma_start3A_143 = tpu.memref_squeeze %dma_start3A_142 : memref<1x392x8xf32, #tpu.memory_space<vmem>> -> memref<392x8xf32, #tpu.memory_space<vmem>>
      %dma_start3A_144 = arith.constant 0 : i32
      %dma_start3A_145 = tpu.memref_slice %arg2[%arg0, %add3A_138, %dma_start3A_144] : memref<2x100352x8xf32, #tpu.memory_space<hbm>> -> memref<1x392x8xf32, #tpu.memory_space<hbm>>
      %dma_start3A_146 = tpu.memref_squeeze %dma_start3A_145 : memref<1x392x8xf32, #tpu.memory_space<hbm>> -> memref<392x8xf32, #tpu.memory_space<hbm>>
      %dma_start3A_147 = arith.constant 0 : i32
      %dma_start3A_148 = arith.constant 0 : i32
      %dma_start3A_149 = tpu.memref_slice %arg14[%dma_start3A_139, %dma_start3A_147, %dma_start3A_148] : memref<2x392x8xf32, #tpu.memory_space<vmem>> -> memref<1x392x8xf32, #tpu.memory_space<vmem>>
      %dma_start3A_150 = tpu.memref_squeeze %dma_start3A_149 : memref<1x392x8xf32, #tpu.memory_space<vmem>> -> memref<392x8xf32, #tpu.memory_space<vmem>>
      %dma_start3A_151 = arith.constant 0 : i32
      %dma_start3A_152 = tpu.memref_slice %arg2[%arg0, %add3A_138, %dma_start3A_151] : memref<2x100352x8xf32, #tpu.memory_space<hbm>> -> memref<1x392x8xf32, #tpu.memory_space<hbm>>
      %dma_start3A_153 = tpu.memref_squeeze %dma_start3A_152 : memref<1x392x8xf32, #tpu.memory_space<hbm>> -> memref<392x8xf32, #tpu.memory_space<hbm>>
      tpu.enqueue_dma source(%dma_start3A_153 : memref<392x8xf32, #tpu.memory_space<hbm>>) target(%dma_start3A_150 : memref<392x8xf32, #tpu.memory_space<vmem>>) target_semaphore(%arg15 : memref<!tpu.dma_semaphore, #tpu.memory_space<semaphore_mem>>)
      %scan3A_154 = arith.constant 0 : i32
      %scan3A_155 = arith.constant 8 : i32
      %scan3A_156 = arith.addi %scan3A_154, %scan3A_155 : i32
      %scan3A_157 = arith.constant 1 : i32
      scf.for %scan3A_160 = %scan3A_154 to %scan3A_156 step %scan3A_157  : i32 {
        %mul3A_161 = arith.constant 2 : i32
        %mul3A_162 = arith.muli %mul3A_161, %scan3A_160 : i32
        %mul3A_163 = arith.constant 6272 : i32
        %mul3A_164 = arith.muli %arg1, %mul3A_163 : i32
        %mul3A_165 = arith.constant 392 : i32
        %mul3A_166 = arith.muli %mul3A_162, %mul3A_165 : i32
        %add3A_167 = arith.addi %mul3A_164, %mul3A_166 : i32
        %add3A_168 = arith.constant 1 : i32
        %add3A_169 = arith.addi %mul3A_162, %add3A_168 : i32
        %lt3A = arith.constant 16 : i32
        %lt3A_170 = arith.cmpi slt, %add3A_169, %lt3A : i32
        %convert_element_type3A_171 = arith.extui %lt3A_170 : i1 to i32
        %cond3A_172 = arith.constant 0 : i32
        %cond3A_173 = arith.cmpi ne, %convert_element_type3A_171, %cond3A_172 : i32
        scf.if %cond3A_173 {
          %add3A_242 = arith.constant 1 : i32
          %add3A_243 = arith.addi %mul3A_162, %add3A_242 : i32
          %mul3A_244 = arith.constant 6272 : i32
          %mul3A_245 = arith.muli %arg1, %mul3A_244 : i32
          %mul3A_246 = arith.constant 392 : i32
          %mul3A_247 = arith.muli %add3A_243, %mul3A_246 : i32
          %add3A_248 = arith.addi %mul3A_245, %mul3A_247 : i32
          %dma_start3A_249 = arith.constant 1 : i32
          %dma_start3A_250 = arith.constant 0 : i32
          %dma_start3A_251 = arith.constant 0 : i32
          %dma_start3A_252 = tpu.memref_slice %arg14[%dma_start3A_249, %dma_start3A_250, %dma_start3A_251] : memref<2x392x8xf32, #tpu.memory_space<vmem>> -> memref<1x392x8xf32, #tpu.memory_space<vmem>>
          %dma_start3A_253 = tpu.memref_squeeze %dma_start3A_252 : memref<1x392x8xf32, #tpu.memory_space<vmem>> -> memref<392x8xf32, #tpu.memory_space<vmem>>
          %dma_start3A_254 = arith.constant 0 : i32
          %dma_start3A_255 = tpu.memref_slice %arg2[%arg0, %add3A_248, %dma_start3A_254] : memref<2x100352x8xf32, #tpu.memory_space<hbm>> -> memref<1x392x8xf32, #tpu.memory_space<hbm>>
          %dma_start3A_256 = tpu.memref_squeeze %dma_start3A_255 : memref<1x392x8xf32, #tpu.memory_space<hbm>> -> memref<392x8xf32, #tpu.memory_space<hbm>>
          %dma_start3A_257 = arith.constant 0 : i32
          %dma_start3A_258 = arith.constant 0 : i32
          %dma_start3A_259 = tpu.memref_slice %arg14[%dma_start3A_249, %dma_start3A_257, %dma_start3A_258] : memref<2x392x8xf32, #tpu.memory_space<vmem>> -> memref<1x392x8xf32, #tpu.memory_space<vmem>>
          %dma_start3A_260 = tpu.memref_squeeze %dma_start3A_259 : memref<1x392x8xf32, #tpu.memory_space<vmem>> -> memref<392x8xf32, #tpu.memory_space<vmem>>
          %dma_start3A_261 = arith.constant 0 : i32
          %dma_start3A_262 = tpu.memref_slice %arg2[%arg0, %add3A_248, %dma_start3A_261] : memref<2x100352x8xf32, #tpu.memory_space<hbm>> -> memref<1x392x8xf32, #tpu.memory_space<hbm>>
          %dma_start3A_263 = tpu.memref_squeeze %dma_start3A_262 : memref<1x392x8xf32, #tpu.memory_space<hbm>> -> memref<392x8xf32, #tpu.memory_space<hbm>>
          tpu.enqueue_dma source(%dma_start3A_263 : memref<392x8xf32, #tpu.memory_space<hbm>>) target(%dma_start3A_260 : memref<392x8xf32, #tpu.memory_space<vmem>>) target_semaphore(%arg15 : memref<!tpu.dma_semaphore, #tpu.memory_space<semaphore_mem>>)
        } else {
        }
        "tpu.region"() ({
          %run_scoped3A_242 = tpu.sem_alloc : memref<!tpu.dma_semaphore, #tpu.memory_space<semaphore_mem>>
          %dma_start3A_243 = arith.constant 0 : i32
          %dma_start3A_244 = tpu.memref_slice %arg8[%add3A_167, %dma_start3A_243] : memref<100480x8xf32, #tpu.memory_space<vmem_shared>> -> memref<392x8xf32, #tpu.memory_space<vmem_shared>>
          %dma_start3A_245 = arith.constant 0 : i32
          %dma_start3A_246 = tpu.memref_slice %arg8[%add3A_167, %dma_start3A_245] : memref<100480x8xf32, #tpu.memory_space<vmem_shared>> -> memref<392x8xf32, #tpu.memory_space<vmem_shared>>
          tpu.enqueue_dma source(%dma_start3A_246 : memref<392x8xf32, #tpu.memory_space<vmem_shared>>) target(%arg7 : memref<392x8xf32, #tpu.memory_space<vmem>>) target_semaphore(%run_scoped3A_242 : memref<!tpu.dma_semaphore, #tpu.memory_space<semaphore_mem>>)
          %dma_wait3A_247 = arith.constant 0 : i32
          %dma_wait3A_248 = tpu.memref_slice %arg8[%add3A_167, %dma_wait3A_247] : memref<100480x8xf32, #tpu.memory_space<vmem_shared>> -> memref<392x8xf32, #tpu.memory_space<vmem_shared>>
          %dma_wait3A_249 = arith.constant 0 : i32
          %dma_wait3A_250 = tpu.memref_slice %arg8[%add3A_167, %dma_wait3A_249] : memref<100480x8xf32, #tpu.memory_space<vmem_shared>> -> memref<392x8xf32, #tpu.memory_space<vmem_shared>>
          tpu.wait_dma2 semaphore(%run_scoped3A_242 : memref<!tpu.dma_semaphore, #tpu.memory_space<semaphore_mem>>) src(%dma_wait3A_250 : memref<392x8xf32, #tpu.memory_space<vmem_shared>>) dst(%arg7 : memref<392x8xf32, #tpu.memory_space<vmem>>)
          tpu.yield
        }) : () -> ()
        "tpu.region"() ({
          %run_scoped3A_242 = tpu.sem_alloc : memref<!tpu.dma_semaphore, #tpu.memory_space<semaphore_mem>>
          %dma_start3A_243 = arith.constant 0 : i32
          %dma_start3A_244 = arith.constant 0 : i32
          %dma_start3A_245 = tpu.memref_slice %arg20[%dma_start3A_243, %dma_start3A_244] : memref<392x8xf32, #tpu.memory_space<vmem>> -> memref<392x8xf32, #tpu.memory_space<vmem>>
          %dma_start3A_246 = arith.constant 0 : i32
          %dma_start3A_247 = tpu.memref_slice %arg8[%add3A_167, %dma_start3A_246] : memref<100480x8xf32, #tpu.memory_space<vmem_shared>> -> memref<392x8xf32, #tpu.memory_space<vmem_shared>>
          %dma_start3A_248 = arith.constant 0 : i32
          %dma_start3A_249 = tpu.memref_slice %arg8[%add3A_167, %dma_start3A_248] : memref<100480x8xf32, #tpu.memory_space<vmem_shared>> -> memref<392x8xf32, #tpu.memory_space<vmem_shared>>
          %dma_start3A_250 = arith.constant 0 : i32
          %dma_start3A_251 = arith.constant 0 : i32
          %dma_start3A_252 = tpu.memref_slice %arg20[%dma_start3A_250, %dma_start3A_251] : memref<392x8xf32, #tpu.memory_space<vmem>> -> memref<392x8xf32, #tpu.memory_space<vmem>>
          tpu.enqueue_dma source(%dma_start3A_252 : memref<392x8xf32, #tpu.memory_space<vmem>>) target(%dma_start3A_249 : memref<392x8xf32, #tpu.memory_space<vmem_shared>>) target_semaphore(%run_scoped3A_242 : memref<!tpu.dma_semaphore, #tpu.memory_space<semaphore_mem>>)
          %dma_wait3A_253 = arith.constant 0 : i32
          %dma_wait3A_254 = arith.constant 0 : i32
          %dma_wait3A_255 = tpu.memref_slice %arg20[%dma_wait3A_253, %dma_wait3A_254] : memref<392x8xf32, #tpu.memory_space<vmem>> -> memref<392x8xf32, #tpu.memory_space<vmem>>
          %dma_wait3A_256 = arith.constant 0 : i32
          %dma_wait3A_257 = tpu.memref_slice %arg8[%add3A_167, %dma_wait3A_256] : memref<100480x8xf32, #tpu.memory_space<vmem_shared>> -> memref<392x8xf32, #tpu.memory_space<vmem_shared>>
          %dma_wait3A_258 = arith.constant 0 : i32
          %dma_wait3A_259 = tpu.memref_slice %arg8[%add3A_167, %dma_wait3A_258] : memref<100480x8xf32, #tpu.memory_space<vmem_shared>> -> memref<392x8xf32, #tpu.memory_space<vmem_shared>>
          %dma_wait3A_260 = arith.constant 0 : i32
          %dma_wait3A_261 = arith.constant 0 : i32
          %dma_wait3A_262 = tpu.memref_slice %arg20[%dma_wait3A_260, %dma_wait3A_261] : memref<392x8xf32, #tpu.memory_space<vmem>> -> memref<392x8xf32, #tpu.memory_space<vmem>>
          tpu.wait_dma2 semaphore(%run_scoped3A_242 : memref<!tpu.dma_semaphore, #tpu.memory_space<semaphore_mem>>) src(%dma_wait3A_262 : memref<392x8xf32, #tpu.memory_space<vmem>>) dst(%dma_wait3A_259 : memref<392x8xf32, #tpu.memory_space<vmem_shared>>)
          tpu.yield
        }) : () -> ()
        %dma_wait3A_174 = arith.constant 0 : i32
        %dma_wait3A_175 = arith.constant 0 : i32
        %dma_wait3A_176 = arith.constant 0 : i32
        %dma_wait3A_177 = tpu.memref_slice %arg14[%dma_wait3A_174, %dma_wait3A_175, %dma_wait3A_176] : memref<2x392x8xf32, #tpu.memory_space<vmem>> -> memref<1x392x8xf32, #tpu.memory_space<vmem>>
        %dma_wait3A_178 = tpu.memref_squeeze %dma_wait3A_177 : memref<1x392x8xf32, #tpu.memory_space<vmem>> -> memref<392x8xf32, #tpu.memory_space<vmem>>
        %dma_wait3A_179 = arith.constant 0 : i32
        %dma_wait3A_180 = tpu.memref_slice %arg2[%arg0, %add3A_167, %dma_wait3A_179] : memref<2x100352x8xf32, #tpu.memory_space<hbm>> -> memref<1x392x8xf32, #tpu.memory_space<hbm>>
        %dma_wait3A_181 = tpu.memref_squeeze %dma_wait3A_180 : memref<1x392x8xf32, #tpu.memory_space<hbm>> -> memref<392x8xf32, #tpu.memory_space<hbm>>
        %dma_wait3A_182 = arith.constant 0 : i32
        %dma_wait3A_183 = arith.constant 0 : i32
        %dma_wait3A_184 = tpu.memref_slice %arg14[%dma_wait3A_174, %dma_wait3A_182, %dma_wait3A_183] : memref<2x392x8xf32, #tpu.memory_space<vmem>> -> memref<1x392x8xf32, #tpu.memory_space<vmem>>
        %dma_wait3A_185 = tpu.memref_squeeze %dma_wait3A_184 : memref<1x392x8xf32, #tpu.memory_space<vmem>> -> memref<392x8xf32, #tpu.memory_space<vmem>>
        %dma_wait3A_186 = arith.constant 0 : i32
        %dma_wait3A_187 = tpu.memref_slice %arg2[%arg0, %add3A_167, %dma_wait3A_186] : memref<2x100352x8xf32, #tpu.memory_space<hbm>> -> memref<1x392x8xf32, #tpu.memory_space<hbm>>
        %dma_wait3A_188 = tpu.memref_squeeze %dma_wait3A_187 : memref<1x392x8xf32, #tpu.memory_space<hbm>> -> memref<392x8xf32, #tpu.memory_space<hbm>>
        tpu.wait_dma2 semaphore(%arg15 : memref<!tpu.dma_semaphore, #tpu.memory_space<semaphore_mem>>) src(%dma_wait3A_188 : memref<392x8xf32, #tpu.memory_space<hbm>>) dst(%dma_wait3A_185 : memref<392x8xf32, #tpu.memory_space<vmem>>)
        %scan3A_189 = arith.constant 0 : i32
        %scan3A_190 = arith.constant 98 : i32
        %scan3A_191 = arith.addi %scan3A_189, %scan3A_190 : i32
        %scan3A_192 = arith.constant 1 : i32
        scf.for %scan3A_242 = %scan3A_189 to %scan3A_191 step %scan3A_192  : i32 {
          %mul3A_243 = arith.constant 4 : i32
          %mul3A_244 = arith.muli %mul3A_243, %scan3A_242 : i32
          %add3A_245 = arith.constant 0 : i32
          %add3A_246 = arith.addi %mul3A_244, %add3A_245 : i32
          %add3A_247 = vector.broadcast %add3A_246 : i32 to vector<16xi32>
          %add3A_248 = arith.addi %add3A_247, %shift_right_arithmetic3A_1 : vector<16xi32>
          %mul3A_249 = arith.constant 392 : i32
          %mul3A_250 = arith.muli %mul3A_162, %mul3A_249 : i32
          %add3A_251 = vector.broadcast %mul3A_250 : i32 to vector<16xi32>
          %add3A_252 = arith.addi %add3A_251, %add3A_248 : vector<16xi32>
          %gather3A = tpu.vector_load_idx %arg9[%add3A_252] : memref<6288xf32, #tpu.memory_space<vmem>>[vector<16xi32>], vector<16xf32>,
          %gather3A_253 = tpu.vector_load_idx %arg7[%add3A_248, %and3A_3] : memref<392x8xf32, #tpu.memory_space<vmem>>[vector<16xi32>, vector<16xi32>], vector<16xf32>,
          %gather3A_254 = arith.constant 0 : i32
          %gather3A_255 = arith.constant 0 : i32
          %gather3A_256 = arith.constant 0 : i32
          %gather3A_257 = tpu.memref_slice %arg14[%gather3A_254, %gather3A_255, %gather3A_256] : memref<2x392x8xf32, #tpu.memory_space<vmem>> -> memref<1x392x8xf32, #tpu.memory_space<vmem>>
          %gather3A_258 = tpu.memref_squeeze %gather3A_257 : memref<1x392x8xf32, #tpu.memory_space<vmem>> -> memref<392x8xf32, #tpu.memory_space<vmem>>
          %gather3A_259 = tpu.vector_load_idx %gather3A_258[%add3A_248, %and3A_3] : memref<392x8xf32, #tpu.memory_space<vmem>>[vector<16xi32>, vector<16xi32>], vector<16xf32>,
          %mul3A_260 = arith.constant 1.000000e-01 : f32
          %mul3A_261 = vector.broadcast %mul3A_260 : f32 to vector<16xf32>
          %mul3A_262 = arith.mulf %mul3A_261, %gather3A_259 : vector<16xf32>
          %mul3A_263 = arith.constant 0.899999976 : f32
          %mul3A_264 = vector.broadcast %mul3A_263 : f32 to vector<16xf32>
          %mul3A_265 = arith.mulf %mul3A_264, %gather3A : vector<16xf32>
          %mul3A_266 = arith.mulf %mul3A_265, %gather3A_253 : vector<16xf32>
          %add3A_267 = arith.addf %mul3A_262, %mul3A_266 : vector<16xf32>
          %max3A = arith.constant 0.000000e+00 : f32
          %max3A_268 = vector.broadcast %max3A : f32 to vector<16xf32>
          %max3A_269 = arith.maximumf %add3A_267, %max3A_268 : vector<16xf32>
          %min3A = arith.constant 1.000000e+00 : f32
          %min3A_270 = vector.broadcast %min3A : f32 to vector<16xf32>
          %min3A_271 = arith.minimumf %max3A_269, %min3A_270 : vector<16xf32>
          tpu.vector_store_idx %arg7[%add3A_248, %and3A_3], %min3A_271 : memref<392x8xf32, #tpu.memory_space<vmem>>[vector<16xi32>, vector<16xi32>], vector<16xf32>,
          %mul3A_272 = arith.mulf %min3A_271, %gather3A : vector<16xf32>
          %scatter3A = arith.constant 0 : i32
          %scatter3A_273 = arith.constant 0 : i32
          %scatter3A_274 = arith.constant 0 : i32
          %scatter3A_275 = tpu.memref_slice %arg14[%scatter3A, %scatter3A_273, %scatter3A_274] : memref<2x392x8xf32, #tpu.memory_space<vmem>> -> memref<1x392x8xf32, #tpu.memory_space<vmem>>
          %scatter3A_276 = tpu.memref_squeeze %scatter3A_275 : memref<1x392x8xf32, #tpu.memory_space<vmem>> -> memref<392x8xf32, #tpu.memory_space<vmem>>
          tpu.vector_store_idx %scatter3A_276[%add3A_248, %and3A_3], %mul3A_272 : memref<392x8xf32, #tpu.memory_space<vmem>>[vector<16xi32>, vector<16xi32>], vector<16xf32>,
          %mul3A_277 = arith.constant 4 : i32
          %mul3A_278 = arith.muli %mul3A_277, %scan3A_242 : i32
          %add3A_279 = arith.constant 2 : i32
          %add3A_280 = arith.addi %mul3A_278, %add3A_279 : i32
          %add3A_281 = vector.broadcast %add3A_280 : i32 to vector<16xi32>
          %add3A_282 = arith.addi %add3A_281, %shift_right_arithmetic3A_1 : vector<16xi32>
          %mul3A_283 = arith.constant 392 : i32
          %mul3A_284 = arith.muli %mul3A_162, %mul3A_283 : i32
          %add3A_285 = vector.broadcast %mul3A_284 : i32 to vector<16xi32>
          %add3A_286 = arith.addi %add3A_285, %add3A_282 : vector<16xi32>
          %gather3A_287 = tpu.vector_load_idx %arg9[%add3A_286] : memref<6288xf32, #tpu.memory_space<vmem>>[vector<16xi32>], vector<16xf32>,
          %gather3A_288 = tpu.vector_load_idx %arg7[%add3A_282, %and3A_3] : memref<392x8xf32, #tpu.memory_space<vmem>>[vector<16xi32>, vector<16xi32>], vector<16xf32>,
          %gather3A_289 = arith.constant 0 : i32
          %gather3A_290 = arith.constant 0 : i32
          %gather3A_291 = arith.constant 0 : i32
          %gather3A_292 = tpu.memref_slice %arg14[%gather3A_289, %gather3A_290, %gather3A_291] : memref<2x392x8xf32, #tpu.memory_space<vmem>> -> memref<1x392x8xf32, #tpu.memory_space<vmem>>
          %gather3A_293 = tpu.memref_squeeze %gather3A_292 : memref<1x392x8xf32, #tpu.memory_space<vmem>> -> memref<392x8xf32, #tpu.memory_space<vmem>>
          %gather3A_294 = tpu.vector_load_idx %gather3A_293[%add3A_282, %and3A_3] : memref<392x8xf32, #tpu.memory_space<vmem>>[vector<16xi32>, vector<16xi32>], vector<16xf32>,
          %mul3A_295 = arith.constant 1.000000e-01 : f32
          %mul3A_296 = vector.broadcast %mul3A_295 : f32 to vector<16xf32>
          %mul3A_297 = arith.mulf %mul3A_296, %gather3A_294 : vector<16xf32>
          %mul3A_298 = arith.constant 0.899999976 : f32
          %mul3A_299 = vector.broadcast %mul3A_298 : f32 to vector<16xf32>
          %mul3A_300 = arith.mulf %mul3A_299, %gather3A_287 : vector<16xf32>
          %mul3A_301 = arith.mulf %mul3A_300, %gather3A_288 : vector<16xf32>
          %add3A_302 = arith.addf %mul3A_297, %mul3A_301 : vector<16xf32>
          %max3A_303 = arith.constant 0.000000e+00 : f32
          %max3A_304 = vector.broadcast %max3A_303 : f32 to vector<16xf32>
          %max3A_305 = arith.maximumf %add3A_302, %max3A_304 : vector<16xf32>
          %min3A_306 = arith.constant 1.000000e+00 : f32
          %min3A_307 = vector.broadcast %min3A_306 : f32 to vector<16xf32>
          %min3A_308 = arith.minimumf %max3A_305, %min3A_307 : vector<16xf32>
          tpu.vector_store_idx %arg7[%add3A_282, %and3A_3], %min3A_308 : memref<392x8xf32, #tpu.memory_space<vmem>>[vector<16xi32>, vector<16xi32>], vector<16xf32>,
          %mul3A_309 = arith.mulf %min3A_308, %gather3A_287 : vector<16xf32>
          %scatter3A_310 = arith.constant 0 : i32
          %scatter3A_311 = arith.constant 0 : i32
          %scatter3A_312 = arith.constant 0 : i32
          %scatter3A_313 = tpu.memref_slice %arg14[%scatter3A_310, %scatter3A_311, %scatter3A_312] : memref<2x392x8xf32, #tpu.memory_space<vmem>> -> memref<1x392x8xf32, #tpu.memory_space<vmem>>
          %scatter3A_314 = tpu.memref_squeeze %scatter3A_313 : memref<1x392x8xf32, #tpu.memory_space<vmem>> -> memref<392x8xf32, #tpu.memory_space<vmem>>
          tpu.vector_store_idx %scatter3A_314[%add3A_282, %and3A_3], %mul3A_309 : memref<392x8xf32, #tpu.memory_space<vmem>>[vector<16xi32>, vector<16xi32>], vector<16xf32>,
        }
        %scan3A_193 = arith.constant 98 : i32
        %run_scoped3A = arith.constant 0 : i32
        "tpu.region"() ({
          %run_scoped3A_242 = tpu.sem_alloc : memref<!tpu.dma_semaphore, #tpu.memory_space<semaphore_mem>>
          %dma_start3A_243 = arith.constant 0 : i32
          %dma_start3A_244 = arith.constant 0 : i32
          %dma_start3A_245 = tpu.memref_slice %arg14[%run_scoped3A, %dma_start3A_243, %dma_start3A_244] : memref<2x392x8xf32, #tpu.memory_space<vmem>> -> memref<1x392x8xf32, #tpu.memory_space<vmem>>
          %dma_start3A_246 = tpu.memref_squeeze %dma_start3A_245 : memref<1x392x8xf32, #tpu.memory_space<vmem>> -> memref<392x8xf32, #tpu.memory_space<vmem>>
          %dma_start3A_247 = arith.constant 0 : i32
          %dma_start3A_248 = tpu.memref_slice %arg19[%add3A_167, %dma_start3A_247] : memref<100480x8xf32, #tpu.memory_space<vmem_shared>> -> memref<392x8xf32, #tpu.memory_space<vmem_shared>>
          %dma_start3A_249 = arith.constant 0 : i32
          %dma_start3A_250 = tpu.memref_slice %arg19[%add3A_167, %dma_start3A_249] : memref<100480x8xf32, #tpu.memory_space<vmem_shared>> -> memref<392x8xf32, #tpu.memory_space<vmem_shared>>
          %dma_start3A_251 = arith.constant 0 : i32
          %dma_start3A_252 = arith.constant 0 : i32
          %dma_start3A_253 = tpu.memref_slice %arg14[%run_scoped3A, %dma_start3A_251, %dma_start3A_252] : memref<2x392x8xf32, #tpu.memory_space<vmem>> -> memref<1x392x8xf32, #tpu.memory_space<vmem>>
          %dma_start3A_254 = tpu.memref_squeeze %dma_start3A_253 : memref<1x392x8xf32, #tpu.memory_space<vmem>> -> memref<392x8xf32, #tpu.memory_space<vmem>>
          tpu.enqueue_dma source(%dma_start3A_254 : memref<392x8xf32, #tpu.memory_space<vmem>>) target(%dma_start3A_250 : memref<392x8xf32, #tpu.memory_space<vmem_shared>>) target_semaphore(%run_scoped3A_242 : memref<!tpu.dma_semaphore, #tpu.memory_space<semaphore_mem>>)
          %dma_wait3A_255 = arith.constant 0 : i32
          %dma_wait3A_256 = arith.constant 0 : i32
          %dma_wait3A_257 = tpu.memref_slice %arg14[%run_scoped3A, %dma_wait3A_255, %dma_wait3A_256] : memref<2x392x8xf32, #tpu.memory_space<vmem>> -> memref<1x392x8xf32, #tpu.memory_space<vmem>>
          %dma_wait3A_258 = tpu.memref_squeeze %dma_wait3A_257 : memref<1x392x8xf32, #tpu.memory_space<vmem>> -> memref<392x8xf32, #tpu.memory_space<vmem>>
          %dma_wait3A_259 = arith.constant 0 : i32
          %dma_wait3A_260 = tpu.memref_slice %arg19[%add3A_167, %dma_wait3A_259] : memref<100480x8xf32, #tpu.memory_space<vmem_shared>> -> memref<392x8xf32, #tpu.memory_space<vmem_shared>>
          %dma_wait3A_261 = arith.constant 0 : i32
          %dma_wait3A_262 = tpu.memref_slice %arg19[%add3A_167, %dma_wait3A_261] : memref<100480x8xf32, #tpu.memory_space<vmem_shared>> -> memref<392x8xf32, #tpu.memory_space<vmem_shared>>
          %dma_wait3A_263 = arith.constant 0 : i32
          %dma_wait3A_264 = arith.constant 0 : i32
          %dma_wait3A_265 = tpu.memref_slice %arg14[%run_scoped3A, %dma_wait3A_263, %dma_wait3A_264] : memref<2x392x8xf32, #tpu.memory_space<vmem>> -> memref<1x392x8xf32, #tpu.memory_space<vmem>>
          %dma_wait3A_266 = tpu.memref_squeeze %dma_wait3A_265 : memref<1x392x8xf32, #tpu.memory_space<vmem>> -> memref<392x8xf32, #tpu.memory_space<vmem>>
          tpu.wait_dma2 semaphore(%run_scoped3A_242 : memref<!tpu.dma_semaphore, #tpu.memory_space<semaphore_mem>>) src(%dma_wait3A_266 : memref<392x8xf32, #tpu.memory_space<vmem>>) dst(%dma_wait3A_262 : memref<392x8xf32, #tpu.memory_space<vmem_shared>>)
          tpu.yield
        }) : () -> ()
        %sub3A = arith.constant 1 : i32
        %sub3A_194 = arith.subi %reduce_max3A_23, %sub3A : i32
        %eq3A_195 = arith.cmpi eq, %while3A_84, %sub3A_194 : i32
        %convert_element_type3A_196 = arith.extui %eq3A_195 : i1 to i32
        %cond3A_197 = arith.constant 0 : i32
        %cond3A_198 = arith.cmpi ne, %convert_element_type3A_196, %cond3A_197 : i32
        scf.if %cond3A_198 {
          "tpu.region"() ({
            %run_scoped3A_242 = tpu.sem_alloc : memref<!tpu.dma_semaphore, #tpu.memory_space<semaphore_mem>>
            %dma_start3A_243 = arith.constant 0 : i32
            %dma_start3A_244 = tpu.memref_slice %arg6[%arg0, %add3A_167, %dma_start3A_243] : memref<2x100352x8xf32, #tpu.memory_space<hbm>> -> memref<1x392x8xf32, #tpu.memory_space<hbm>>
            %dma_start3A_245 = tpu.memref_squeeze %dma_start3A_244 : memref<1x392x8xf32, #tpu.memory_space<hbm>> -> memref<392x8xf32, #tpu.memory_space<hbm>>
            %dma_start3A_246 = arith.constant 0 : i32
            %dma_start3A_247 = tpu.memref_slice %arg6[%arg0, %add3A_167, %dma_start3A_246] : memref<2x100352x8xf32, #tpu.memory_space<hbm>> -> memref<1x392x8xf32, #tpu.memory_space<hbm>>
            %dma_start3A_248 = tpu.memref_squeeze %dma_start3A_247 : memref<1x392x8xf32, #tpu.memory_space<hbm>> -> memref<392x8xf32, #tpu.memory_space<hbm>>
            tpu.enqueue_dma source(%arg7 : memref<392x8xf32, #tpu.memory_space<vmem>>) target(%dma_start3A_248 : memref<392x8xf32, #tpu.memory_space<hbm>>) target_semaphore(%run_scoped3A_242 : memref<!tpu.dma_semaphore, #tpu.memory_space<semaphore_mem>>)
            %dma_wait3A_249 = arith.constant 0 : i32
            %dma_wait3A_250 = tpu.memref_slice %arg6[%arg0, %add3A_167, %dma_wait3A_249] : memref<2x100352x8xf32, #tpu.memory_space<hbm>> -> memref<1x392x8xf32, #tpu.memory_space<hbm>>
            %dma_wait3A_251 = tpu.memref_squeeze %dma_wait3A_250 : memref<1x392x8xf32, #tpu.memory_space<hbm>> -> memref<392x8xf32, #tpu.memory_space<hbm>>
            %dma_wait3A_252 = arith.constant 0 : i32
            %dma_wait3A_253 = tpu.memref_slice %arg6[%arg0, %add3A_167, %dma_wait3A_252] : memref<2x100352x8xf32, #tpu.memory_space<hbm>> -> memref<1x392x8xf32, #tpu.memory_space<hbm>>
            %dma_wait3A_254 = tpu.memref_squeeze %dma_wait3A_253 : memref<1x392x8xf32, #tpu.memory_space<hbm>> -> memref<392x8xf32, #tpu.memory_space<hbm>>
            tpu.wait_dma2 semaphore(%run_scoped3A_242 : memref<!tpu.dma_semaphore, #tpu.memory_space<semaphore_mem>>) src(%arg7 : memref<392x8xf32, #tpu.memory_space<vmem>>) dst(%dma_wait3A_254 : memref<392x8xf32, #tpu.memory_space<hbm>>)
            tpu.yield
          }) : () -> ()
        } else {
        }
        %mul3A_199 = arith.constant 2 : i32
        %mul3A_200 = arith.muli %mul3A_199, %scan3A_160 : i32
        %add3A_201 = arith.constant 1 : i32
        %add3A_202 = arith.addi %mul3A_200, %add3A_201 : i32
        %mul3A_203 = arith.constant 6272 : i32
        %mul3A_204 = arith.muli %arg1, %mul3A_203 : i32
        %mul3A_205 = arith.constant 392 : i32
        %mul3A_206 = arith.muli %add3A_202, %mul3A_205 : i32
        %add3A_207 = arith.addi %mul3A_204, %mul3A_206 : i32
        %add3A_208 = arith.constant 1 : i32
        %add3A_209 = arith.addi %add3A_202, %add3A_208 : i32
        %lt3A_210 = arith.constant 16 : i32
        %lt3A_211 = arith.cmpi slt, %add3A_209, %lt3A_210 : i32
        %convert_element_type3A_212 = arith.extui %lt3A_211 : i1 to i32
        %cond3A_213 = arith.constant 0 : i32
        %cond3A_214 = arith.cmpi ne, %convert_element_type3A_212, %cond3A_213 : i32
        scf.if %cond3A_214 {
          %add3A_242 = arith.constant 1 : i32
          %add3A_243 = arith.addi %add3A_202, %add3A_242 : i32
          %mul3A_244 = arith.constant 6272 : i32
          %mul3A_245 = arith.muli %arg1, %mul3A_244 : i32
          %mul3A_246 = arith.constant 392 : i32
          %mul3A_247 = arith.muli %add3A_243, %mul3A_246 : i32
          %add3A_248 = arith.addi %mul3A_245, %mul3A_247 : i32
          %dma_start3A_249 = arith.constant 0 : i32
          %dma_start3A_250 = arith.constant 0 : i32
          %dma_start3A_251 = arith.constant 0 : i32
          %dma_start3A_252 = tpu.memref_slice %arg14[%dma_start3A_249, %dma_start3A_250, %dma_start3A_251] : memref<2x392x8xf32, #tpu.memory_space<vmem>> -> memref<1x392x8xf32, #tpu.memory_space<vmem>>
          %dma_start3A_253 = tpu.memref_squeeze %dma_start3A_252 : memref<1x392x8xf32, #tpu.memory_space<vmem>> -> memref<392x8xf32, #tpu.memory_space<vmem>>
          %dma_start3A_254 = arith.constant 0 : i32
          %dma_start3A_255 = tpu.memref_slice %arg2[%arg0, %add3A_248, %dma_start3A_254] : memref<2x100352x8xf32, #tpu.memory_space<hbm>> -> memref<1x392x8xf32, #tpu.memory_space<hbm>>
          %dma_start3A_256 = tpu.memref_squeeze %dma_start3A_255 : memref<1x392x8xf32, #tpu.memory_space<hbm>> -> memref<392x8xf32, #tpu.memory_space<hbm>>
          %dma_start3A_257 = arith.constant 0 : i32
          %dma_start3A_258 = arith.constant 0 : i32
          %dma_start3A_259 = tpu.memref_slice %arg14[%dma_start3A_249, %dma_start3A_257, %dma_start3A_258] : memref<2x392x8xf32, #tpu.memory_space<vmem>> -> memref<1x392x8xf32, #tpu.memory_space<vmem>>
          %dma_start3A_260 = tpu.memref_squeeze %dma_start3A_259 : memref<1x392x8xf32, #tpu.memory_space<vmem>> -> memref<392x8xf32, #tpu.memory_space<vmem>>
          %dma_start3A_261 = arith.constant 0 : i32
          %dma_start3A_262 = tpu.memref_slice %arg2[%arg0, %add3A_248, %dma_start3A_261] : memref<2x100352x8xf32, #tpu.memory_space<hbm>> -> memref<1x392x8xf32, #tpu.memory_space<hbm>>
          %dma_start3A_263 = tpu.memref_squeeze %dma_start3A_262 : memref<1x392x8xf32, #tpu.memory_space<hbm>> -> memref<392x8xf32, #tpu.memory_space<hbm>>
          tpu.enqueue_dma source(%dma_start3A_263 : memref<392x8xf32, #tpu.memory_space<hbm>>) target(%dma_start3A_260 : memref<392x8xf32, #tpu.memory_space<vmem>>) target_semaphore(%arg15 : memref<!tpu.dma_semaphore, #tpu.memory_space<semaphore_mem>>)
        } else {
        }
        "tpu.region"() ({
          %run_scoped3A_242 = tpu.sem_alloc : memref<!tpu.dma_semaphore, #tpu.memory_space<semaphore_mem>>
          %dma_start3A_243 = arith.constant 0 : i32
          %dma_start3A_244 = tpu.memref_slice %arg8[%add3A_207, %dma_start3A_243] : memref<100480x8xf32, #tpu.memory_space<vmem_shared>> -> memref<392x8xf32, #tpu.memory_space<vmem_shared>>
          %dma_start3A_245 = arith.constant 0 : i32
          %dma_start3A_246 = tpu.memref_slice %arg8[%add3A_207, %dma_start3A_245] : memref<100480x8xf32, #tpu.memory_space<vmem_shared>> -> memref<392x8xf32, #tpu.memory_space<vmem_shared>>
          tpu.enqueue_dma source(%dma_start3A_246 : memref<392x8xf32, #tpu.memory_space<vmem_shared>>) target(%arg7 : memref<392x8xf32, #tpu.memory_space<vmem>>) target_semaphore(%run_scoped3A_242 : memref<!tpu.dma_semaphore, #tpu.memory_space<semaphore_mem>>)
          %dma_wait3A_247 = arith.constant 0 : i32
          %dma_wait3A_248 = tpu.memref_slice %arg8[%add3A_207, %dma_wait3A_247] : memref<100480x8xf32, #tpu.memory_space<vmem_shared>> -> memref<392x8xf32, #tpu.memory_space<vmem_shared>>
          %dma_wait3A_249 = arith.constant 0 : i32
          %dma_wait3A_250 = tpu.memref_slice %arg8[%add3A_207, %dma_wait3A_249] : memref<100480x8xf32, #tpu.memory_space<vmem_shared>> -> memref<392x8xf32, #tpu.memory_space<vmem_shared>>
          tpu.wait_dma2 semaphore(%run_scoped3A_242 : memref<!tpu.dma_semaphore, #tpu.memory_space<semaphore_mem>>) src(%dma_wait3A_250 : memref<392x8xf32, #tpu.memory_space<vmem_shared>>) dst(%arg7 : memref<392x8xf32, #tpu.memory_space<vmem>>)
          tpu.yield
        }) : () -> ()
        "tpu.region"() ({
          %run_scoped3A_242 = tpu.sem_alloc : memref<!tpu.dma_semaphore, #tpu.memory_space<semaphore_mem>>
          %dma_start3A_243 = arith.constant 0 : i32
          %dma_start3A_244 = arith.constant 0 : i32
          %dma_start3A_245 = tpu.memref_slice %arg20[%dma_start3A_243, %dma_start3A_244] : memref<392x8xf32, #tpu.memory_space<vmem>> -> memref<392x8xf32, #tpu.memory_space<vmem>>
          %dma_start3A_246 = arith.constant 0 : i32
          %dma_start3A_247 = tpu.memref_slice %arg8[%add3A_207, %dma_start3A_246] : memref<100480x8xf32, #tpu.memory_space<vmem_shared>> -> memref<392x8xf32, #tpu.memory_space<vmem_shared>>
          %dma_start3A_248 = arith.constant 0 : i32
          %dma_start3A_249 = tpu.memref_slice %arg8[%add3A_207, %dma_start3A_248] : memref<100480x8xf32, #tpu.memory_space<vmem_shared>> -> memref<392x8xf32, #tpu.memory_space<vmem_shared>>
          %dma_start3A_250 = arith.constant 0 : i32
          %dma_start3A_251 = arith.constant 0 : i32
          %dma_start3A_252 = tpu.memref_slice %arg20[%dma_start3A_250, %dma_start3A_251] : memref<392x8xf32, #tpu.memory_space<vmem>> -> memref<392x8xf32, #tpu.memory_space<vmem>>
          tpu.enqueue_dma source(%dma_start3A_252 : memref<392x8xf32, #tpu.memory_space<vmem>>) target(%dma_start3A_249 : memref<392x8xf32, #tpu.memory_space<vmem_shared>>) target_semaphore(%run_scoped3A_242 : memref<!tpu.dma_semaphore, #tpu.memory_space<semaphore_mem>>)
          %dma_wait3A_253 = arith.constant 0 : i32
          %dma_wait3A_254 = arith.constant 0 : i32
          %dma_wait3A_255 = tpu.memref_slice %arg20[%dma_wait3A_253, %dma_wait3A_254] : memref<392x8xf32, #tpu.memory_space<vmem>> -> memref<392x8xf32, #tpu.memory_space<vmem>>
          %dma_wait3A_256 = arith.constant 0 : i32
          %dma_wait3A_257 = tpu.memref_slice %arg8[%add3A_207, %dma_wait3A_256] : memref<100480x8xf32, #tpu.memory_space<vmem_shared>> -> memref<392x8xf32, #tpu.memory_space<vmem_shared>>
          %dma_wait3A_258 = arith.constant 0 : i32
          %dma_wait3A_259 = tpu.memref_slice %arg8[%add3A_207, %dma_wait3A_258] : memref<100480x8xf32, #tpu.memory_space<vmem_shared>> -> memref<392x8xf32, #tpu.memory_space<vmem_shared>>
          %dma_wait3A_260 = arith.constant 0 : i32
          %dma_wait3A_261 = arith.constant 0 : i32
          %dma_wait3A_262 = tpu.memref_slice %arg20[%dma_wait3A_260, %dma_wait3A_261] : memref<392x8xf32, #tpu.memory_space<vmem>> -> memref<392x8xf32, #tpu.memory_space<vmem>>
          tpu.wait_dma2 semaphore(%run_scoped3A_242 : memref<!tpu.dma_semaphore, #tpu.memory_space<semaphore_mem>>) src(%dma_wait3A_262 : memref<392x8xf32, #tpu.memory_space<vmem>>) dst(%dma_wait3A_259 : memref<392x8xf32, #tpu.memory_space<vmem_shared>>)
          tpu.yield
        }) : () -> ()
        %dma_wait3A_215 = arith.constant 1 : i32
        %dma_wait3A_216 = arith.constant 0 : i32
        %dma_wait3A_217 = arith.constant 0 : i32
        %dma_wait3A_218 = tpu.memref_slice %arg14[%dma_wait3A_215, %dma_wait3A_216, %dma_wait3A_217] : memref<2x392x8xf32, #tpu.memory_space<vmem>> -> memref<1x392x8xf32, #tpu.memory_space<vmem>>
        %dma_wait3A_219 = tpu.memref_squeeze %dma_wait3A_218 : memref<1x392x8xf32, #tpu.memory_space<vmem>> -> memref<392x8xf32, #tpu.memory_space<vmem>>
        %dma_wait3A_220 = arith.constant 0 : i32
        %dma_wait3A_221 = tpu.memref_slice %arg2[%arg0, %add3A_207, %dma_wait3A_220] : memref<2x100352x8xf32, #tpu.memory_space<hbm>> -> memref<1x392x8xf32, #tpu.memory_space<hbm>>
        %dma_wait3A_222 = tpu.memref_squeeze %dma_wait3A_221 : memref<1x392x8xf32, #tpu.memory_space<hbm>> -> memref<392x8xf32, #tpu.memory_space<hbm>>
        %dma_wait3A_223 = arith.constant 0 : i32
        %dma_wait3A_224 = arith.constant 0 : i32
        %dma_wait3A_225 = tpu.memref_slice %arg14[%dma_wait3A_215, %dma_wait3A_223, %dma_wait3A_224] : memref<2x392x8xf32, #tpu.memory_space<vmem>> -> memref<1x392x8xf32, #tpu.memory_space<vmem>>
        %dma_wait3A_226 = tpu.memref_squeeze %dma_wait3A_225 : memref<1x392x8xf32, #tpu.memory_space<vmem>> -> memref<392x8xf32, #tpu.memory_space<vmem>>
        %dma_wait3A_227 = arith.constant 0 : i32
        %dma_wait3A_228 = tpu.memref_slice %arg2[%arg0, %add3A_207, %dma_wait3A_227] : memref<2x100352x8xf32, #tpu.memory_space<hbm>> -> memref<1x392x8xf32, #tpu.memory_space<hbm>>
        %dma_wait3A_229 = tpu.memref_squeeze %dma_wait3A_228 : memref<1x392x8xf32, #tpu.memory_space<hbm>> -> memref<392x8xf32, #tpu.memory_space<hbm>>
        tpu.wait_dma2 semaphore(%arg15 : memref<!tpu.dma_semaphore, #tpu.memory_space<semaphore_mem>>) src(%dma_wait3A_229 : memref<392x8xf32, #tpu.memory_space<hbm>>) dst(%dma_wait3A_226 : memref<392x8xf32, #tpu.memory_space<vmem>>)
        %scan3A_230 = arith.constant 0 : i32
        %scan3A_231 = arith.constant 98 : i32
        %scan3A_232 = arith.addi %scan3A_230, %scan3A_231 : i32
        %scan3A_233 = arith.constant 1 : i32
        scf.for %scan3A_242 = %scan3A_230 to %scan3A_232 step %scan3A_233  : i32 {
          %mul3A_243 = arith.constant 4 : i32
          %mul3A_244 = arith.muli %mul3A_243, %scan3A_242 : i32
          %add3A_245 = arith.constant 0 : i32
          %add3A_246 = arith.addi %mul3A_244, %add3A_245 : i32
          %add3A_247 = vector.broadcast %add3A_246 : i32 to vector<16xi32>
          %add3A_248 = arith.addi %add3A_247, %shift_right_arithmetic3A_1 : vector<16xi32>
          %mul3A_249 = arith.constant 392 : i32
          %mul3A_250 = arith.muli %add3A_202, %mul3A_249 : i32
          %add3A_251 = vector.broadcast %mul3A_250 : i32 to vector<16xi32>
          %add3A_252 = arith.addi %add3A_251, %add3A_248 : vector<16xi32>
          %gather3A = tpu.vector_load_idx %arg9[%add3A_252] : memref<6288xf32, #tpu.memory_space<vmem>>[vector<16xi32>], vector<16xf32>,
          %gather3A_253 = tpu.vector_load_idx %arg7[%add3A_248, %and3A_3] : memref<392x8xf32, #tpu.memory_space<vmem>>[vector<16xi32>, vector<16xi32>], vector<16xf32>,
          %gather3A_254 = arith.constant 1 : i32
          %gather3A_255 = arith.constant 0 : i32
          %gather3A_256 = arith.constant 0 : i32
          %gather3A_257 = tpu.memref_slice %arg14[%gather3A_254, %gather3A_255, %gather3A_256] : memref<2x392x8xf32, #tpu.memory_space<vmem>> -> memref<1x392x8xf32, #tpu.memory_space<vmem>>
          %gather3A_258 = tpu.memref_squeeze %gather3A_257 : memref<1x392x8xf32, #tpu.memory_space<vmem>> -> memref<392x8xf32, #tpu.memory_space<vmem>>
          %gather3A_259 = tpu.vector_load_idx %gather3A_258[%add3A_248, %and3A_3] : memref<392x8xf32, #tpu.memory_space<vmem>>[vector<16xi32>, vector<16xi32>], vector<16xf32>,
          %mul3A_260 = arith.constant 1.000000e-01 : f32
          %mul3A_261 = vector.broadcast %mul3A_260 : f32 to vector<16xf32>
          %mul3A_262 = arith.mulf %mul3A_261, %gather3A_259 : vector<16xf32>
          %mul3A_263 = arith.constant 0.899999976 : f32
          %mul3A_264 = vector.broadcast %mul3A_263 : f32 to vector<16xf32>
          %mul3A_265 = arith.mulf %mul3A_264, %gather3A : vector<16xf32>
          %mul3A_266 = arith.mulf %mul3A_265, %gather3A_253 : vector<16xf32>
          %add3A_267 = arith.addf %mul3A_262, %mul3A_266 : vector<16xf32>
          %max3A = arith.constant 0.000000e+00 : f32
          %max3A_268 = vector.broadcast %max3A : f32 to vector<16xf32>
          %max3A_269 = arith.maximumf %add3A_267, %max3A_268 : vector<16xf32>
          %min3A = arith.constant 1.000000e+00 : f32
          %min3A_270 = vector.broadcast %min3A : f32 to vector<16xf32>
          %min3A_271 = arith.minimumf %max3A_269, %min3A_270 : vector<16xf32>
          tpu.vector_store_idx %arg7[%add3A_248, %and3A_3], %min3A_271 : memref<392x8xf32, #tpu.memory_space<vmem>>[vector<16xi32>, vector<16xi32>], vector<16xf32>,
          %mul3A_272 = arith.mulf %min3A_271, %gather3A : vector<16xf32>
          %scatter3A = arith.constant 1 : i32
          %scatter3A_273 = arith.constant 0 : i32
          %scatter3A_274 = arith.constant 0 : i32
          %scatter3A_275 = tpu.memref_slice %arg14[%scatter3A, %scatter3A_273, %scatter3A_274] : memref<2x392x8xf32, #tpu.memory_space<vmem>> -> memref<1x392x8xf32, #tpu.memory_space<vmem>>
          %scatter3A_276 = tpu.memref_squeeze %scatter3A_275 : memref<1x392x8xf32, #tpu.memory_space<vmem>> -> memref<392x8xf32, #tpu.memory_space<vmem>>
          tpu.vector_store_idx %scatter3A_276[%add3A_248, %and3A_3], %mul3A_272 : memref<392x8xf32, #tpu.memory_space<vmem>>[vector<16xi32>, vector<16xi32>], vector<16xf32>,
          %mul3A_277 = arith.constant 4 : i32
          %mul3A_278 = arith.muli %mul3A_277, %scan3A_242 : i32
          %add3A_279 = arith.constant 2 : i32
          %add3A_280 = arith.addi %mul3A_278, %add3A_279 : i32
          %add3A_281 = vector.broadcast %add3A_280 : i32 to vector<16xi32>
          %add3A_282 = arith.addi %add3A_281, %shift_right_arithmetic3A_1 : vector<16xi32>
          %mul3A_283 = arith.constant 392 : i32
          %mul3A_284 = arith.muli %add3A_202, %mul3A_283 : i32
          %add3A_285 = vector.broadcast %mul3A_284 : i32 to vector<16xi32>
          %add3A_286 = arith.addi %add3A_285, %add3A_282 : vector<16xi32>
          %gather3A_287 = tpu.vector_load_idx %arg9[%add3A_286] : memref<6288xf32, #tpu.memory_space<vmem>>[vector<16xi32>], vector<16xf32>,
          %gather3A_288 = tpu.vector_load_idx %arg7[%add3A_282, %and3A_3] : memref<392x8xf32, #tpu.memory_space<vmem>>[vector<16xi32>, vector<16xi32>], vector<16xf32>,
          %gather3A_289 = arith.constant 1 : i32
          %gather3A_290 = arith.constant 0 : i32
          %gather3A_291 = arith.constant 0 : i32
          %gather3A_292 = tpu.memref_slice %arg14[%gather3A_289, %gather3A_290, %gather3A_291] : memref<2x392x8xf32, #tpu.memory_space<vmem>> -> memref<1x392x8xf32, #tpu.memory_space<vmem>>
          %gather3A_293 = tpu.memref_squeeze %gather3A_292 : memref<1x392x8xf32, #tpu.memory_space<vmem>> -> memref<392x8xf32, #tpu.memory_space<vmem>>
          %gather3A_294 = tpu.vector_load_idx %gather3A_293[%add3A_282, %and3A_3] : memref<392x8xf32, #tpu.memory_space<vmem>>[vector<16xi32>, vector<16xi32>], vector<16xf32>,
          %mul3A_295 = arith.constant 1.000000e-01 : f32
          %mul3A_296 = vector.broadcast %mul3A_295 : f32 to vector<16xf32>
          %mul3A_297 = arith.mulf %mul3A_296, %gather3A_294 : vector<16xf32>
          %mul3A_298 = arith.constant 0.899999976 : f32
          %mul3A_299 = vector.broadcast %mul3A_298 : f32 to vector<16xf32>
          %mul3A_300 = arith.mulf %mul3A_299, %gather3A_287 : vector<16xf32>
          %mul3A_301 = arith.mulf %mul3A_300, %gather3A_288 : vector<16xf32>
          %add3A_302 = arith.addf %mul3A_297, %mul3A_301 : vector<16xf32>
          %max3A_303 = arith.constant 0.000000e+00 : f32
          %max3A_304 = vector.broadcast %max3A_303 : f32 to vector<16xf32>
          %max3A_305 = arith.maximumf %add3A_302, %max3A_304 : vector<16xf32>
          %min3A_306 = arith.constant 1.000000e+00 : f32
          %min3A_307 = vector.broadcast %min3A_306 : f32 to vector<16xf32>
          %min3A_308 = arith.minimumf %max3A_305, %min3A_307 : vector<16xf32>
          tpu.vector_store_idx %arg7[%add3A_282, %and3A_3], %min3A_308 : memref<392x8xf32, #tpu.memory_space<vmem>>[vector<16xi32>, vector<16xi32>], vector<16xf32>,
          %mul3A_309 = arith.mulf %min3A_308, %gather3A_287 : vector<16xf32>
          %scatter3A_310 = arith.constant 1 : i32
          %scatter3A_311 = arith.constant 0 : i32
          %scatter3A_312 = arith.constant 0 : i32
          %scatter3A_313 = tpu.memref_slice %arg14[%scatter3A_310, %scatter3A_311, %scatter3A_312] : memref<2x392x8xf32, #tpu.memory_space<vmem>> -> memref<1x392x8xf32, #tpu.memory_space<vmem>>
          %scatter3A_314 = tpu.memref_squeeze %scatter3A_313 : memref<1x392x8xf32, #tpu.memory_space<vmem>> -> memref<392x8xf32, #tpu.memory_space<vmem>>
          tpu.vector_store_idx %scatter3A_314[%add3A_282, %and3A_3], %mul3A_309 : memref<392x8xf32, #tpu.memory_space<vmem>>[vector<16xi32>, vector<16xi32>], vector<16xf32>,
        }
        %scan3A_234 = arith.constant 98 : i32
        %run_scoped3A_235 = arith.constant 1 : i32
        "tpu.region"() ({
          %run_scoped3A_242 = tpu.sem_alloc : memref<!tpu.dma_semaphore, #tpu.memory_space<semaphore_mem>>
          %dma_start3A_243 = arith.constant 0 : i32
          %dma_start3A_244 = arith.constant 0 : i32
          %dma_start3A_245 = tpu.memref_slice %arg14[%run_scoped3A_235, %dma_start3A_243, %dma_start3A_244] : memref<2x392x8xf32, #tpu.memory_space<vmem>> -> memref<1x392x8xf32, #tpu.memory_space<vmem>>
          %dma_start3A_246 = tpu.memref_squeeze %dma_start3A_245 : memref<1x392x8xf32, #tpu.memory_space<vmem>> -> memref<392x8xf32, #tpu.memory_space<vmem>>
          %dma_start3A_247 = arith.constant 0 : i32
          %dma_start3A_248 = tpu.memref_slice %arg19[%add3A_207, %dma_start3A_247] : memref<100480x8xf32, #tpu.memory_space<vmem_shared>> -> memref<392x8xf32, #tpu.memory_space<vmem_shared>>
          %dma_start3A_249 = arith.constant 0 : i32
          %dma_start3A_250 = tpu.memref_slice %arg19[%add3A_207, %dma_start3A_249] : memref<100480x8xf32, #tpu.memory_space<vmem_shared>> -> memref<392x8xf32, #tpu.memory_space<vmem_shared>>
          %dma_start3A_251 = arith.constant 0 : i32
          %dma_start3A_252 = arith.constant 0 : i32
          %dma_start3A_253 = tpu.memref_slice %arg14[%run_scoped3A_235, %dma_start3A_251, %dma_start3A_252] : memref<2x392x8xf32, #tpu.memory_space<vmem>> -> memref<1x392x8xf32, #tpu.memory_space<vmem>>
          %dma_start3A_254 = tpu.memref_squeeze %dma_start3A_253 : memref<1x392x8xf32, #tpu.memory_space<vmem>> -> memref<392x8xf32, #tpu.memory_space<vmem>>
          tpu.enqueue_dma source(%dma_start3A_254 : memref<392x8xf32, #tpu.memory_space<vmem>>) target(%dma_start3A_250 : memref<392x8xf32, #tpu.memory_space<vmem_shared>>) target_semaphore(%run_scoped3A_242 : memref<!tpu.dma_semaphore, #tpu.memory_space<semaphore_mem>>)
          %dma_wait3A_255 = arith.constant 0 : i32
          %dma_wait3A_256 = arith.constant 0 : i32
          %dma_wait3A_257 = tpu.memref_slice %arg14[%run_scoped3A_235, %dma_wait3A_255, %dma_wait3A_256] : memref<2x392x8xf32, #tpu.memory_space<vmem>> -> memref<1x392x8xf32, #tpu.memory_space<vmem>>
          %dma_wait3A_258 = tpu.memref_squeeze %dma_wait3A_257 : memref<1x392x8xf32, #tpu.memory_space<vmem>> -> memref<392x8xf32, #tpu.memory_space<vmem>>
          %dma_wait3A_259 = arith.constant 0 : i32
          %dma_wait3A_260 = tpu.memref_slice %arg19[%add3A_207, %dma_wait3A_259] : memref<100480x8xf32, #tpu.memory_space<vmem_shared>> -> memref<392x8xf32, #tpu.memory_space<vmem_shared>>
          %dma_wait3A_261 = arith.constant 0 : i32
          %dma_wait3A_262 = tpu.memref_slice %arg19[%add3A_207, %dma_wait3A_261] : memref<100480x8xf32, #tpu.memory_space<vmem_shared>> -> memref<392x8xf32, #tpu.memory_space<vmem_shared>>
          %dma_wait3A_263 = arith.constant 0 : i32
          %dma_wait3A_264 = arith.constant 0 : i32
          %dma_wait3A_265 = tpu.memref_slice %arg14[%run_scoped3A_235, %dma_wait3A_263, %dma_wait3A_264] : memref<2x392x8xf32, #tpu.memory_space<vmem>> -> memref<1x392x8xf32, #tpu.memory_space<vmem>>
          %dma_wait3A_266 = tpu.memref_squeeze %dma_wait3A_265 : memref<1x392x8xf32, #tpu.memory_space<vmem>> -> memref<392x8xf32, #tpu.memory_space<vmem>>
          tpu.wait_dma2 semaphore(%run_scoped3A_242 : memref<!tpu.dma_semaphore, #tpu.memory_space<semaphore_mem>>) src(%dma_wait3A_266 : memref<392x8xf32, #tpu.memory_space<vmem>>) dst(%dma_wait3A_262 : memref<392x8xf32, #tpu.memory_space<vmem_shared>>)
          tpu.yield
        }) : () -> ()
        %sub3A_236 = arith.constant 1 : i32
        %sub3A_237 = arith.subi %reduce_max3A_23, %sub3A_236 : i32
        %eq3A_238 = arith.cmpi eq, %while3A_84, %sub3A_237 : i32
        %convert_element_type3A_239 = arith.extui %eq3A_238 : i1 to i32
        %cond3A_240 = arith.constant 0 : i32
        %cond3A_241 = arith.cmpi ne, %convert_element_type3A_239, %cond3A_240 : i32
        scf.if %cond3A_241 {
          "tpu.region"() ({
            %run_scoped3A_242 = tpu.sem_alloc : memref<!tpu.dma_semaphore, #tpu.memory_space<semaphore_mem>>
            %dma_start3A_243 = arith.constant 0 : i32
            %dma_start3A_244 = tpu.memref_slice %arg6[%arg0, %add3A_207, %dma_start3A_243] : memref<2x100352x8xf32, #tpu.memory_space<hbm>> -> memref<1x392x8xf32, #tpu.memory_space<hbm>>
            %dma_start3A_245 = tpu.memref_squeeze %dma_start3A_244 : memref<1x392x8xf32, #tpu.memory_space<hbm>> -> memref<392x8xf32, #tpu.memory_space<hbm>>
            %dma_start3A_246 = arith.constant 0 : i32
            %dma_start3A_247 = tpu.memref_slice %arg6[%arg0, %add3A_207, %dma_start3A_246] : memref<2x100352x8xf32, #tpu.memory_space<hbm>> -> memref<1x392x8xf32, #tpu.memory_space<hbm>>
            %dma_start3A_248 = tpu.memref_squeeze %dma_start3A_247 : memref<1x392x8xf32, #tpu.memory_space<hbm>> -> memref<392x8xf32, #tpu.memory_space<hbm>>
            tpu.enqueue_dma source(%arg7 : memref<392x8xf32, #tpu.memory_space<vmem>>) target(%dma_start3A_248 : memref<392x8xf32, #tpu.memory_space<hbm>>) target_semaphore(%run_scoped3A_242 : memref<!tpu.dma_semaphore, #tpu.memory_space<semaphore_mem>>)
            %dma_wait3A_249 = arith.constant 0 : i32
            %dma_wait3A_250 = tpu.memref_slice %arg6[%arg0, %add3A_207, %dma_wait3A_249] : memref<2x100352x8xf32, #tpu.memory_space<hbm>> -> memref<1x392x8xf32, #tpu.memory_space<hbm>>
            %dma_wait3A_251 = tpu.memref_squeeze %dma_wait3A_250 : memref<1x392x8xf32, #tpu.memory_space<hbm>> -> memref<392x8xf32, #tpu.memory_space<hbm>>
            %dma_wait3A_252 = arith.constant 0 : i32
            %dma_wait3A_253 = tpu.memref_slice %arg6[%arg0, %add3A_207, %dma_wait3A_252] : memref<2x100352x8xf32, #tpu.memory_space<hbm>> -> memref<1x392x8xf32, #tpu.memory_space<hbm>>
            %dma_wait3A_254 = tpu.memref_squeeze %dma_wait3A_253 : memref<1x392x8xf32, #tpu.memory_space<hbm>> -> memref<392x8xf32, #tpu.memory_space<hbm>>
            tpu.wait_dma2 semaphore(%run_scoped3A_242 : memref<!tpu.dma_semaphore, #tpu.memory_space<semaphore_mem>>) src(%arg7 : memref<392x8xf32, #tpu.memory_space<vmem>>) dst(%dma_wait3A_254 : memref<392x8xf32, #tpu.memory_space<hbm>>)
            tpu.yield
          }) : () -> ()
        } else {
        }
      }
      %scan3A_158 = arith.constant 8 : i32
      %barrier3A_159 = arith.constant 0 : index
      tpu.barrier barrier_id(%barrier3A_159)
    }
    %while3A_83 = arith.constant 1 : i32
    scf.for %while3A_84 = %while3A_81 to %while3A_77 step %while3A_83  : i32 {
      %mul3A_85 = arith.constant 196 : i32
      %mul3A_86 = arith.muli %arg1, %mul3A_85 : i32
      %add3A_87 = arith.constant 0 : i32
      %add3A_88 = arith.addi %mul3A_86, %add3A_87 : i32
      %dma_start3A_89 = arith.constant 0 : i32
      %dma_start3A_90 = arith.constant 0 : i32
      %dma_start3A_91 = arith.constant 0 : i32
      %dma_start3A_92 = tpu.memref_slice %arg13[%dma_start3A_89, %dma_start3A_90, %dma_start3A_91] : memref<2x1x512xi32, #tpu.memory_space<vmem>> -> memref<1x1x512xi32, #tpu.memory_space<vmem>>
      %dma_start3A_93 = tpu.memref_squeeze %dma_start3A_92 : memref<1x1x512xi32, #tpu.memory_space<vmem>> -> memref<1x512xi32, #tpu.memory_space<vmem>>
      %dma_start3A_94 = arith.constant 0 : i32
      %dma_start3A_95 = tpu.memref_slice %arg3[%add3A_88, %dma_start3A_94] : memref<3136x512xi32, #tpu.memory_space<hbm>> -> memref<1x512xi32, #tpu.memory_space<hbm>>
      %dma_start3A_96 = arith.constant 0 : i32
      %dma_start3A_97 = arith.constant 0 : i32
      %dma_start3A_98 = tpu.memref_slice %arg13[%dma_start3A_89, %dma_start3A_96, %dma_start3A_97] : memref<2x1x512xi32, #tpu.memory_space<vmem>> -> memref<1x1x512xi32, #tpu.memory_space<vmem>>
      %dma_start3A_99 = tpu.memref_squeeze %dma_start3A_98 : memref<1x1x512xi32, #tpu.memory_space<vmem>> -> memref<1x512xi32, #tpu.memory_space<vmem>>
      %dma_start3A_100 = arith.constant 0 : i32
      %dma_start3A_101 = tpu.memref_slice %arg3[%add3A_88, %dma_start3A_100] : memref<3136x512xi32, #tpu.memory_space<hbm>> -> memref<1x512xi32, #tpu.memory_space<hbm>>
      tpu.enqueue_dma source(%dma_start3A_101 : memref<1x512xi32, #tpu.memory_space<hbm>>) target(%dma_start3A_99 : memref<1x512xi32, #tpu.memory_space<vmem>>) target_semaphore(%arg12 : memref<!tpu.dma_semaphore, #tpu.memory_space<semaphore_mem>>)
      %dma_start3A_102 = arith.constant 0 : i32
      %dma_start3A_103 = arith.constant 0 : i32
      %dma_start3A_104 = arith.constant 0 : i32
      %dma_start3A_105 = tpu.memref_slice %arg11[%dma_start3A_102, %dma_start3A_103, %dma_start3A_104] : memref<2x1x512xi32, #tpu.memory_space<vmem>> -> memref<1x1x512xi32, #tpu.memory_space<vmem>>
      %dma_start3A_106 = tpu.memref_squeeze %dma_start3A_105 : memref<1x1x512xi32, #tpu.memory_space<vmem>> -> memref<1x512xi32, #tpu.memory_space<vmem>>
      %dma_start3A_107 = arith.constant 0 : i32
      %dma_start3A_108 = tpu.memref_slice %arg4[%add3A_88, %dma_start3A_107] : memref<3136x512xi32, #tpu.memory_space<hbm>> -> memref<1x512xi32, #tpu.memory_space<hbm>>
      %dma_start3A_109 = arith.constant 0 : i32
      %dma_start3A_110 = arith.constant 0 : i32
      %dma_start3A_111 = tpu.memref_slice %arg11[%dma_start3A_102, %dma_start3A_109, %dma_start3A_110] : memref<2x1x512xi32, #tpu.memory_space<vmem>> -> memref<1x1x512xi32, #tpu.memory_space<vmem>>
      %dma_start3A_112 = tpu.memref_squeeze %dma_start3A_111 : memref<1x1x512xi32, #tpu.memory_space<vmem>> -> memref<1x512xi32, #tpu.memory_space<vmem>>
      %dma_start3A_113 = arith.constant 0 : i32
      %dma_start3A_114 = tpu.memref_slice %arg4[%add3A_88, %dma_start3A_113] : memref<3136x512xi32, #tpu.memory_space<hbm>> -> memref<1x512xi32, #tpu.memory_space<hbm>>
      tpu.enqueue_dma source(%dma_start3A_114 : memref<1x512xi32, #tpu.memory_space<hbm>>) target(%dma_start3A_112 : memref<1x512xi32, #tpu.memory_space<vmem>>) target_semaphore(%arg12 : memref<!tpu.dma_semaphore, #tpu.memory_space<semaphore_mem>>)
      %scan3A_115 = arith.constant 0 : i32
      %scan3A_116 = arith.constant 98 : i32
      %scan3A_117 = arith.addi %scan3A_115, %scan3A_116 : i32
      %scan3A_118 = arith.constant 1 : i32
      scf.for %scan3A_160 = %scan3A_115 to %scan3A_117 step %scan3A_118  : i32 {
        %mul3A_161 = arith.constant 2 : i32
        %mul3A_162 = arith.muli %scan3A_160, %mul3A_161 : i32
        %add3A_163 = arith.constant 0 : i32
        %add3A_164 = arith.addi %mul3A_162, %add3A_163 : i32
        %mul3A_165 = arith.constant 196 : i32
        %mul3A_166 = arith.muli %arg1, %mul3A_165 : i32
        %mul3A_167 = arith.constant 1 : i32
        %mul3A_168 = arith.muli %add3A_164, %mul3A_167 : i32
        %add3A_169 = arith.addi %mul3A_166, %mul3A_168 : i32
        %dma_wait3A_170 = arith.constant 0 : i32
        %dma_wait3A_171 = arith.constant 0 : i32
        %dma_wait3A_172 = arith.constant 0 : i32
        %dma_wait3A_173 = tpu.memref_slice %arg13[%dma_wait3A_170, %dma_wait3A_171, %dma_wait3A_172] : memref<2x1x512xi32, #tpu.memory_space<vmem>> -> memref<1x1x512xi32, #tpu.memory_space<vmem>>
        %dma_wait3A_174 = tpu.memref_squeeze %dma_wait3A_173 : memref<1x1x512xi32, #tpu.memory_space<vmem>> -> memref<1x512xi32, #tpu.memory_space<vmem>>
        %dma_wait3A_175 = arith.constant 0 : i32
        %dma_wait3A_176 = tpu.memref_slice %arg3[%add3A_169, %dma_wait3A_175] : memref<3136x512xi32, #tpu.memory_space<hbm>> -> memref<1x512xi32, #tpu.memory_space<hbm>>
        %dma_wait3A_177 = arith.constant 0 : i32
        %dma_wait3A_178 = arith.constant 0 : i32
        %dma_wait3A_179 = tpu.memref_slice %arg13[%dma_wait3A_170, %dma_wait3A_177, %dma_wait3A_178] : memref<2x1x512xi32, #tpu.memory_space<vmem>> -> memref<1x1x512xi32, #tpu.memory_space<vmem>>
        %dma_wait3A_180 = tpu.memref_squeeze %dma_wait3A_179 : memref<1x1x512xi32, #tpu.memory_space<vmem>> -> memref<1x512xi32, #tpu.memory_space<vmem>>
        %dma_wait3A_181 = arith.constant 0 : i32
        %dma_wait3A_182 = tpu.memref_slice %arg3[%add3A_169, %dma_wait3A_181] : memref<3136x512xi32, #tpu.memory_space<hbm>> -> memref<1x512xi32, #tpu.memory_space<hbm>>
        tpu.wait_dma2 semaphore(%arg12 : memref<!tpu.dma_semaphore, #tpu.memory_space<semaphore_mem>>) src(%dma_wait3A_182 : memref<1x512xi32, #tpu.memory_space<hbm>>) dst(%dma_wait3A_180 : memref<1x512xi32, #tpu.memory_space<vmem>>)
        %dma_wait3A_183 = arith.constant 0 : i32
        %dma_wait3A_184 = arith.constant 0 : i32
        %dma_wait3A_185 = arith.constant 0 : i32
        %dma_wait3A_186 = tpu.memref_slice %arg11[%dma_wait3A_183, %dma_wait3A_184, %dma_wait3A_185] : memref<2x1x512xi32, #tpu.memory_space<vmem>> -> memref<1x1x512xi32, #tpu.memory_space<vmem>>
        %dma_wait3A_187 = tpu.memref_squeeze %dma_wait3A_186 : memref<1x1x512xi32, #tpu.memory_space<vmem>> -> memref<1x512xi32, #tpu.memory_space<vmem>>
        %dma_wait3A_188 = arith.constant 0 : i32
        %dma_wait3A_189 = tpu.memref_slice %arg4[%add3A_169, %dma_wait3A_188] : memref<3136x512xi32, #tpu.memory_space<hbm>> -> memref<1x512xi32, #tpu.memory_space<hbm>>
        %dma_wait3A_190 = arith.constant 0 : i32
        %dma_wait3A_191 = arith.constant 0 : i32
        %dma_wait3A_192 = tpu.memref_slice %arg11[%dma_wait3A_183, %dma_wait3A_190, %dma_wait3A_191] : memref<2x1x512xi32, #tpu.memory_space<vmem>> -> memref<1x1x512xi32, #tpu.memory_space<vmem>>
        %dma_wait3A_193 = tpu.memref_squeeze %dma_wait3A_192 : memref<1x1x512xi32, #tpu.memory_space<vmem>> -> memref<1x512xi32, #tpu.memory_space<vmem>>
        %dma_wait3A_194 = arith.constant 0 : i32
        %dma_wait3A_195 = tpu.memref_slice %arg4[%add3A_169, %dma_wait3A_194] : memref<3136x512xi32, #tpu.memory_space<hbm>> -> memref<1x512xi32, #tpu.memory_space<hbm>>
        tpu.wait_dma2 semaphore(%arg12 : memref<!tpu.dma_semaphore, #tpu.memory_space<semaphore_mem>>) src(%dma_wait3A_195 : memref<1x512xi32, #tpu.memory_space<hbm>>) dst(%dma_wait3A_193 : memref<1x512xi32, #tpu.memory_space<vmem>>)
        %dma_start3A_196 = arith.constant 0 : i32
        %dma_start3A_197 = arith.constant 0 : i32
        %dma_start3A_198 = arith.constant 0 : i32
        %dma_start3A_199 = arith.constant 0 : i32
        %dma_start3A_200 = arith.constant 0 : i32
        %dma_start3A_201 = arith.constant 0 : i32
        %dma_start3A_202 = tpu.memref_slice %arg17[%dma_start3A_198, %dma_start3A_199, %dma_start3A_200, %dma_start3A_201] : memref<2x1x512x8xf32, #tpu.memory_space<vmem>> -> memref<1x1x512x8xf32, #tpu.memory_space<vmem>>
        %dma_start3A_203 = tpu.memref_squeeze %dma_start3A_202 : memref<1x1x512x8xf32, #tpu.memory_space<vmem>> -> memref<512x8xf32, #tpu.memory_space<vmem>>
        %dma_start3A_204 = arith.constant 0 : i32
        %dma_start3A_205 = tpu.memref_slice %arg13[%dma_start3A_196, %dma_start3A_197, %dma_start3A_204] : memref<2x1x512xi32, #tpu.memory_space<vmem>> -> memref<1x1x512xi32, #tpu.memory_space<vmem>>
        %dma_start3A_206 = tpu.memref_squeeze %dma_start3A_205 : memref<1x1x512xi32, #tpu.memory_space<vmem>> -> memref<512xi32, #tpu.memory_space<vmem>>
        %dma_start3A_207 = arith.constant 0 : i32
        %dma_start3A_208 = arith.constant 0 : i32
        %dma_start3A_209 = tpu.memref_slice %arg19[%dma_start3A_207, %dma_start3A_208] : memref<100480x8xf32, #tpu.memory_space<vmem_shared>> -> memref<100480x8xf32, #tpu.memory_space<vmem_shared>>
        tpu.enqueue_indirect_dma source(%dma_start3A_209 : memref<100480x8xf32, #tpu.memory_space<vmem_shared>>) target(%dma_start3A_203 : memref<512x8xf32, #tpu.memory_space<vmem>>) offsets(%dma_start3A_206 : memref<512xi32, #tpu.memory_space<vmem>>) semaphore(%arg10 : memref<!tpu.dma_semaphore, #tpu.memory_space<semaphore_mem>>)
        %ge3A = arith.constant 1 : i32
        %ge3A_210 = arith.cmpi sge, %add3A_164, %ge3A : i32
        %convert_element_type3A_211 = arith.extui %ge3A_210 : i1 to i32
        %cond3A_212 = arith.constant 0 : i32
        %cond3A_213 = arith.cmpi ne, %convert_element_type3A_211, %cond3A_212 : i32
        scf.if %cond3A_213 {
          %dma_wait3A_337 = arith.constant 1 : i32
          %dma_wait3A_338 = arith.constant 0 : i32
          %dma_wait3A_339 = arith.constant 1 : i32
          %dma_wait3A_340 = arith.constant 0 : i32
          %dma_wait3A_341 = arith.constant 0 : i32
          %dma_wait3A_342 = arith.constant 0 : i32
          %dma_wait3A_343 = tpu.memref_slice %arg17[%dma_wait3A_337, %dma_wait3A_338, %dma_wait3A_341, %dma_wait3A_342] : memref<2x1x512x8xf32, #tpu.memory_space<vmem>> -> memref<1x1x512x8xf32, #tpu.memory_space<vmem>>
          %dma_wait3A_344 = tpu.memref_squeeze %dma_wait3A_343 : memref<1x1x512x8xf32, #tpu.memory_space<vmem>> -> memref<512x8xf32, #tpu.memory_space<vmem>>
          %dma_wait3A_345 = arith.constant 0 : i32
          %dma_wait3A_346 = tpu.memref_slice %arg11[%dma_wait3A_339, %dma_wait3A_340, %dma_wait3A_345] : memref<2x1x512xi32, #tpu.memory_space<vmem>> -> memref<1x1x512xi32, #tpu.memory_space<vmem>>
          %dma_wait3A_347 = tpu.memref_squeeze %dma_wait3A_346 : memref<1x1x512xi32, #tpu.memory_space<vmem>> -> memref<512xi32, #tpu.memory_space<vmem>>
          %dma_wait3A_348 = arith.constant 0 : i32
          %dma_wait3A_349 = arith.constant 0 : i32
          %dma_wait3A_350 = tpu.memref_slice %arg8[%dma_wait3A_348, %dma_wait3A_349] : memref<100480x8xf32, #tpu.memory_space<vmem_shared>> -> memref<100480x8xf32, #tpu.memory_space<vmem_shared>>
          tpu.wait_indirect_dma semaphore(%arg18 : memref<!tpu.dma_semaphore, #tpu.memory_space<semaphore_mem>>) src(%dma_wait3A_344 : memref<512x8xf32, #tpu.memory_space<vmem>>) dst(%dma_wait3A_350 : memref<100480x8xf32, #tpu.memory_space<vmem_shared>>)
        } else {
        }
        %add3A_214 = arith.constant 1 : i32
        %add3A_215 = arith.addi %add3A_164, %add3A_214 : i32
        %lt3A = arith.constant 196 : i32
        %lt3A_216 = arith.cmpi slt, %add3A_215, %lt3A : i32
        %convert_element_type3A_217 = arith.extui %lt3A_216 : i1 to i32
        %cond3A_218 = arith.constant 0 : i32
        %cond3A_219 = arith.cmpi ne, %convert_element_type3A_217, %cond3A_218 : i32
        scf.if %cond3A_219 {
          %add3A_337 = arith.constant 1 : i32
          %add3A_338 = arith.addi %add3A_164, %add3A_337 : i32
          %mul3A_339 = arith.constant 196 : i32
          %mul3A_340 = arith.muli %arg1, %mul3A_339 : i32
          %mul3A_341 = arith.constant 1 : i32
          %mul3A_342 = arith.muli %add3A_338, %mul3A_341 : i32
          %add3A_343 = arith.addi %mul3A_340, %mul3A_342 : i32
          %dma_start3A_344 = arith.constant 1 : i32
          %dma_start3A_345 = arith.constant 0 : i32
          %dma_start3A_346 = arith.constant 0 : i32
          %dma_start3A_347 = tpu.memref_slice %arg13[%dma_start3A_344, %dma_start3A_345, %dma_start3A_346] : memref<2x1x512xi32, #tpu.memory_space<vmem>> -> memref<1x1x512xi32, #tpu.memory_space<vmem>>
          %dma_start3A_348 = tpu.memref_squeeze %dma_start3A_347 : memref<1x1x512xi32, #tpu.memory_space<vmem>> -> memref<1x512xi32, #tpu.memory_space<vmem>>
          %dma_start3A_349 = arith.constant 0 : i32
          %dma_start3A_350 = tpu.memref_slice %arg3[%add3A_343, %dma_start3A_349] : memref<3136x512xi32, #tpu.memory_space<hbm>> -> memref<1x512xi32, #tpu.memory_space<hbm>>
          %dma_start3A_351 = arith.constant 0 : i32
          %dma_start3A_352 = arith.constant 0 : i32
          %dma_start3A_353 = tpu.memref_slice %arg13[%dma_start3A_344, %dma_start3A_351, %dma_start3A_352] : memref<2x1x512xi32, #tpu.memory_space<vmem>> -> memref<1x1x512xi32, #tpu.memory_space<vmem>>
          %dma_start3A_354 = tpu.memref_squeeze %dma_start3A_353 : memref<1x1x512xi32, #tpu.memory_space<vmem>> -> memref<1x512xi32, #tpu.memory_space<vmem>>
          %dma_start3A_355 = arith.constant 0 : i32
          %dma_start3A_356 = tpu.memref_slice %arg3[%add3A_343, %dma_start3A_355] : memref<3136x512xi32, #tpu.memory_space<hbm>> -> memref<1x512xi32, #tpu.memory_space<hbm>>
          tpu.enqueue_dma source(%dma_start3A_356 : memref<1x512xi32, #tpu.memory_space<hbm>>) target(%dma_start3A_354 : memref<1x512xi32, #tpu.memory_space<vmem>>) target_semaphore(%arg12 : memref<!tpu.dma_semaphore, #tpu.memory_space<semaphore_mem>>)
          %dma_start3A_357 = arith.constant 1 : i32
          %dma_start3A_358 = arith.constant 0 : i32
          %dma_start3A_359 = arith.constant 0 : i32
          %dma_start3A_360 = tpu.memref_slice %arg11[%dma_start3A_357, %dma_start3A_358, %dma_start3A_359] : memref<2x1x512xi32, #tpu.memory_space<vmem>> -> memref<1x1x512xi32, #tpu.memory_space<vmem>>
          %dma_start3A_361 = tpu.memref_squeeze %dma_start3A_360 : memref<1x1x512xi32, #tpu.memory_space<vmem>> -> memref<1x512xi32, #tpu.memory_space<vmem>>
          %dma_start3A_362 = arith.constant 0 : i32
          %dma_start3A_363 = tpu.memref_slice %arg4[%add3A_343, %dma_start3A_362] : memref<3136x512xi32, #tpu.memory_space<hbm>> -> memref<1x512xi32, #tpu.memory_space<hbm>>
          %dma_start3A_364 = arith.constant 0 : i32
          %dma_start3A_365 = arith.constant 0 : i32
          %dma_start3A_366 = tpu.memref_slice %arg11[%dma_start3A_357, %dma_start3A_364, %dma_start3A_365] : memref<2x1x512xi32, #tpu.memory_space<vmem>> -> memref<1x1x512xi32, #tpu.memory_space<vmem>>
          %dma_start3A_367 = tpu.memref_squeeze %dma_start3A_366 : memref<1x1x512xi32, #tpu.memory_space<vmem>> -> memref<1x512xi32, #tpu.memory_space<vmem>>
          %dma_start3A_368 = arith.constant 0 : i32
          %dma_start3A_369 = tpu.memref_slice %arg4[%add3A_343, %dma_start3A_368] : memref<3136x512xi32, #tpu.memory_space<hbm>> -> memref<1x512xi32, #tpu.memory_space<hbm>>
          tpu.enqueue_dma source(%dma_start3A_369 : memref<1x512xi32, #tpu.memory_space<hbm>>) target(%dma_start3A_367 : memref<1x512xi32, #tpu.memory_space<vmem>>) target_semaphore(%arg12 : memref<!tpu.dma_semaphore, #tpu.memory_space<semaphore_mem>>)
        } else {
        }
        %dma_wait3A_220 = arith.constant 0 : i32
        %dma_wait3A_221 = arith.constant 0 : i32
        %dma_wait3A_222 = arith.constant 0 : i32
        %dma_wait3A_223 = arith.constant 0 : i32
        %dma_wait3A_224 = arith.constant 0 : i32
        %dma_wait3A_225 = arith.constant 0 : i32
        %dma_wait3A_226 = tpu.memref_slice %arg17[%dma_wait3A_222, %dma_wait3A_223, %dma_wait3A_224, %dma_wait3A_225] : memref<2x1x512x8xf32, #tpu.memory_space<vmem>> -> memref<1x1x512x8xf32, #tpu.memory_space<vmem>>
        %dma_wait3A_227 = tpu.memref_squeeze %dma_wait3A_226 : memref<1x1x512x8xf32, #tpu.memory_space<vmem>> -> memref<512x8xf32, #tpu.memory_space<vmem>>
        %dma_wait3A_228 = arith.constant 0 : i32
        %dma_wait3A_229 = tpu.memref_slice %arg13[%dma_wait3A_220, %dma_wait3A_221, %dma_wait3A_228] : memref<2x1x512xi32, #tpu.memory_space<vmem>> -> memref<1x1x512xi32, #tpu.memory_space<vmem>>
        %dma_wait3A_230 = tpu.memref_squeeze %dma_wait3A_229 : memref<1x1x512xi32, #tpu.memory_space<vmem>> -> memref<512xi32, #tpu.memory_space<vmem>>
        %dma_wait3A_231 = arith.constant 0 : i32
        %dma_wait3A_232 = arith.constant 0 : i32
        %dma_wait3A_233 = tpu.memref_slice %arg19[%dma_wait3A_231, %dma_wait3A_232] : memref<100480x8xf32, #tpu.memory_space<vmem_shared>> -> memref<100480x8xf32, #tpu.memory_space<vmem_shared>>
        tpu.wait_indirect_dma semaphore(%arg10 : memref<!tpu.dma_semaphore, #tpu.memory_space<semaphore_mem>>) src(%dma_wait3A_233 : memref<100480x8xf32, #tpu.memory_space<vmem_shared>>) dst(%dma_wait3A_227 : memref<512x8xf32, #tpu.memory_space<vmem>>)
        %dma_start3A_234 = arith.constant 0 : i32
        %dma_start3A_235 = arith.constant 0 : i32
        %dma_start3A_236 = arith.constant 0 : i32
        %dma_start3A_237 = arith.constant 0 : i32
        %dma_start3A_238 = arith.constant 0 : i32
        %dma_start3A_239 = arith.constant 0 : i32
        %dma_start3A_240 = tpu.memref_slice %arg17[%dma_start3A_234, %dma_start3A_235, %dma_start3A_238, %dma_start3A_239] : memref<2x1x512x8xf32, #tpu.memory_space<vmem>> -> memref<1x1x512x8xf32, #tpu.memory_space<vmem>>
        %dma_start3A_241 = tpu.memref_squeeze %dma_start3A_240 : memref<1x1x512x8xf32, #tpu.memory_space<vmem>> -> memref<512x8xf32, #tpu.memory_space<vmem>>
        %dma_start3A_242 = arith.constant 0 : i32
        %dma_start3A_243 = tpu.memref_slice %arg11[%dma_start3A_236, %dma_start3A_237, %dma_start3A_242] : memref<2x1x512xi32, #tpu.memory_space<vmem>> -> memref<1x1x512xi32, #tpu.memory_space<vmem>>
        %dma_start3A_244 = tpu.memref_squeeze %dma_start3A_243 : memref<1x1x512xi32, #tpu.memory_space<vmem>> -> memref<512xi32, #tpu.memory_space<vmem>>
        %dma_start3A_245 = arith.constant 0 : i32
        %dma_start3A_246 = arith.constant 0 : i32
        %dma_start3A_247 = tpu.memref_slice %arg8[%dma_start3A_245, %dma_start3A_246] : memref<100480x8xf32, #tpu.memory_space<vmem_shared>> -> memref<100480x8xf32, #tpu.memory_space<vmem_shared>>
        tpu.enqueue_indirect_dma source(%dma_start3A_241 : memref<512x8xf32, #tpu.memory_space<vmem>>) target(%dma_start3A_247 : memref<100480x8xf32, #tpu.memory_space<vmem_shared>>) offsets(%dma_start3A_244 : memref<512xi32, #tpu.memory_space<vmem>>) semaphore(%arg18 : memref<!tpu.dma_semaphore, #tpu.memory_space<semaphore_mem>>) {add = true}
        %mul3A_248 = arith.constant 2 : i32
        %mul3A_249 = arith.muli %scan3A_160, %mul3A_248 : i32
        %add3A_250 = arith.constant 1 : i32
        %add3A_251 = arith.addi %mul3A_249, %add3A_250 : i32
        %mul3A_252 = arith.constant 196 : i32
        %mul3A_253 = arith.muli %arg1, %mul3A_252 : i32
        %mul3A_254 = arith.constant 1 : i32
        %mul3A_255 = arith.muli %add3A_251, %mul3A_254 : i32
        %add3A_256 = arith.addi %mul3A_253, %mul3A_255 : i32
        %dma_wait3A_257 = arith.constant 1 : i32
        %dma_wait3A_258 = arith.constant 0 : i32
        %dma_wait3A_259 = arith.constant 0 : i32
        %dma_wait3A_260 = tpu.memref_slice %arg13[%dma_wait3A_257, %dma_wait3A_258, %dma_wait3A_259] : memref<2x1x512xi32, #tpu.memory_space<vmem>> -> memref<1x1x512xi32, #tpu.memory_space<vmem>>
        %dma_wait3A_261 = tpu.memref_squeeze %dma_wait3A_260 : memref<1x1x512xi32, #tpu.memory_space<vmem>> -> memref<1x512xi32, #tpu.memory_space<vmem>>
        %dma_wait3A_262 = arith.constant 0 : i32
        %dma_wait3A_263 = tpu.memref_slice %arg3[%add3A_256, %dma_wait3A_262] : memref<3136x512xi32, #tpu.memory_space<hbm>> -> memref<1x512xi32, #tpu.memory_space<hbm>>
        %dma_wait3A_264 = arith.constant 0 : i32
        %dma_wait3A_265 = arith.constant 0 : i32
        %dma_wait3A_266 = tpu.memref_slice %arg13[%dma_wait3A_257, %dma_wait3A_264, %dma_wait3A_265] : memref<2x1x512xi32, #tpu.memory_space<vmem>> -> memref<1x1x512xi32, #tpu.memory_space<vmem>>
        %dma_wait3A_267 = tpu.memref_squeeze %dma_wait3A_266 : memref<1x1x512xi32, #tpu.memory_space<vmem>> -> memref<1x512xi32, #tpu.memory_space<vmem>>
        %dma_wait3A_268 = arith.constant 0 : i32
        %dma_wait3A_269 = tpu.memref_slice %arg3[%add3A_256, %dma_wait3A_268] : memref<3136x512xi32, #tpu.memory_space<hbm>> -> memref<1x512xi32, #tpu.memory_space<hbm>>
        tpu.wait_dma2 semaphore(%arg12 : memref<!tpu.dma_semaphore, #tpu.memory_space<semaphore_mem>>) src(%dma_wait3A_269 : memref<1x512xi32, #tpu.memory_space<hbm>>) dst(%dma_wait3A_267 : memref<1x512xi32, #tpu.memory_space<vmem>>)
        %dma_wait3A_270 = arith.constant 1 : i32
        %dma_wait3A_271 = arith.constant 0 : i32
        %dma_wait3A_272 = arith.constant 0 : i32
        %dma_wait3A_273 = tpu.memref_slice %arg11[%dma_wait3A_270, %dma_wait3A_271, %dma_wait3A_272] : memref<2x1x512xi32, #tpu.memory_space<vmem>> -> memref<1x1x512xi32, #tpu.memory_space<vmem>>
        %dma_wait3A_274 = tpu.memref_squeeze %dma_wait3A_273 : memref<1x1x512xi32, #tpu.memory_space<vmem>> -> memref<1x512xi32, #tpu.memory_space<vmem>>
        %dma_wait3A_275 = arith.constant 0 : i32
        %dma_wait3A_276 = tpu.memref_slice %arg4[%add3A_256, %dma_wait3A_275] : memref<3136x512xi32, #tpu.memory_space<hbm>> -> memref<1x512xi32, #tpu.memory_space<hbm>>
        %dma_wait3A_277 = arith.constant 0 : i32
        %dma_wait3A_278 = arith.constant 0 : i32
        %dma_wait3A_279 = tpu.memref_slice %arg11[%dma_wait3A_270, %dma_wait3A_277, %dma_wait3A_278] : memref<2x1x512xi32, #tpu.memory_space<vmem>> -> memref<1x1x512xi32, #tpu.memory_space<vmem>>
        %dma_wait3A_280 = tpu.memref_squeeze %dma_wait3A_279 : memref<1x1x512xi32, #tpu.memory_space<vmem>> -> memref<1x512xi32, #tpu.memory_space<vmem>>
        %dma_wait3A_281 = arith.constant 0 : i32
        %dma_wait3A_282 = tpu.memref_slice %arg4[%add3A_256, %dma_wait3A_281] : memref<3136x512xi32, #tpu.memory_space<hbm>> -> memref<1x512xi32, #tpu.memory_space<hbm>>
        tpu.wait_dma2 semaphore(%arg12 : memref<!tpu.dma_semaphore, #tpu.memory_space<semaphore_mem>>) src(%dma_wait3A_282 : memref<1x512xi32, #tpu.memory_space<hbm>>) dst(%dma_wait3A_280 : memref<1x512xi32, #tpu.memory_space<vmem>>)
        %dma_start3A_283 = arith.constant 1 : i32
        %dma_start3A_284 = arith.constant 0 : i32
        %dma_start3A_285 = arith.constant 1 : i32
        %dma_start3A_286 = arith.constant 0 : i32
        %dma_start3A_287 = arith.constant 0 : i32
        %dma_start3A_288 = arith.constant 0 : i32
        %dma_start3A_289 = tpu.memref_slice %arg17[%dma_start3A_285, %dma_start3A_286, %dma_start3A_287, %dma_start3A_288] : memref<2x1x512x8xf32, #tpu.memory_space<vmem>> -> memref<1x1x512x8xf32, #tpu.memory_space<vmem>>
        %dma_start3A_290 = tpu.memref_squeeze %dma_start3A_289 : memref<1x1x512x8xf32, #tpu.memory_space<vmem>> -> memref<512x8xf32, #tpu.memory_space<vmem>>
        %dma_start3A_291 = arith.constant 0 : i32
        %dma_start3A_292 = tpu.memref_slice %arg13[%dma_start3A_283, %dma_start3A_284, %dma_start3A_291] : memref<2x1x512xi32, #tpu.memory_space<vmem>> -> memref<1x1x512xi32, #tpu.memory_space<vmem>>
        %dma_start3A_293 = tpu.memref_squeeze %dma_start3A_292 : memref<1x1x512xi32, #tpu.memory_space<vmem>> -> memref<512xi32, #tpu.memory_space<vmem>>
        %dma_start3A_294 = arith.constant 0 : i32
        %dma_start3A_295 = arith.constant 0 : i32
        %dma_start3A_296 = tpu.memref_slice %arg19[%dma_start3A_294, %dma_start3A_295] : memref<100480x8xf32, #tpu.memory_space<vmem_shared>> -> memref<100480x8xf32, #tpu.memory_space<vmem_shared>>
        tpu.enqueue_indirect_dma source(%dma_start3A_296 : memref<100480x8xf32, #tpu.memory_space<vmem_shared>>) target(%dma_start3A_290 : memref<512x8xf32, #tpu.memory_space<vmem>>) offsets(%dma_start3A_293 : memref<512xi32, #tpu.memory_space<vmem>>) semaphore(%arg10 : memref<!tpu.dma_semaphore, #tpu.memory_space<semaphore_mem>>)
        %ge3A_297 = arith.constant 1 : i32
        %ge3A_298 = arith.cmpi sge, %add3A_251, %ge3A_297 : i32
        %convert_element_type3A_299 = arith.extui %ge3A_298 : i1 to i32
        %cond3A_300 = arith.constant 0 : i32
        %cond3A_301 = arith.cmpi ne, %convert_element_type3A_299, %cond3A_300 : i32
        scf.if %cond3A_301 {
          %dma_wait3A_337 = arith.constant 0 : i32
          %dma_wait3A_338 = arith.constant 0 : i32
          %dma_wait3A_339 = arith.constant 0 : i32
          %dma_wait3A_340 = arith.constant 0 : i32
          %dma_wait3A_341 = arith.constant 0 : i32
          %dma_wait3A_342 = arith.constant 0 : i32
          %dma_wait3A_343 = tpu.memref_slice %arg17[%dma_wait3A_337, %dma_wait3A_338, %dma_wait3A_341, %dma_wait3A_342] : memref<2x1x512x8xf32, #tpu.memory_space<vmem>> -> memref<1x1x512x8xf32, #tpu.memory_space<vmem>>
          %dma_wait3A_344 = tpu.memref_squeeze %dma_wait3A_343 : memref<1x1x512x8xf32, #tpu.memory_space<vmem>> -> memref<512x8xf32, #tpu.memory_space<vmem>>
          %dma_wait3A_345 = arith.constant 0 : i32
          %dma_wait3A_346 = tpu.memref_slice %arg11[%dma_wait3A_339, %dma_wait3A_340, %dma_wait3A_345] : memref<2x1x512xi32, #tpu.memory_space<vmem>> -> memref<1x1x512xi32, #tpu.memory_space<vmem>>
          %dma_wait3A_347 = tpu.memref_squeeze %dma_wait3A_346 : memref<1x1x512xi32, #tpu.memory_space<vmem>> -> memref<512xi32, #tpu.memory_space<vmem>>
          %dma_wait3A_348 = arith.constant 0 : i32
          %dma_wait3A_349 = arith.constant 0 : i32
          %dma_wait3A_350 = tpu.memref_slice %arg8[%dma_wait3A_348, %dma_wait3A_349] : memref<100480x8xf32, #tpu.memory_space<vmem_shared>> -> memref<100480x8xf32, #tpu.memory_space<vmem_shared>>
          tpu.wait_indirect_dma semaphore(%arg18 : memref<!tpu.dma_semaphore, #tpu.memory_space<semaphore_mem>>) src(%dma_wait3A_344 : memref<512x8xf32, #tpu.memory_space<vmem>>) dst(%dma_wait3A_350 : memref<100480x8xf32, #tpu.memory_space<vmem_shared>>)
        } else {
        }
        %add3A_302 = arith.constant 1 : i32
        %add3A_303 = arith.addi %add3A_251, %add3A_302 : i32
        %lt3A_304 = arith.constant 196 : i32
        %lt3A_305 = arith.cmpi slt, %add3A_303, %lt3A_304 : i32
        %convert_element_type3A_306 = arith.extui %lt3A_305 : i1 to i32
        %cond3A_307 = arith.constant 0 : i32
        %cond3A_308 = arith.cmpi ne, %convert_element_type3A_306, %cond3A_307 : i32
        scf.if %cond3A_308 {
          %add3A_337 = arith.constant 1 : i32
          %add3A_338 = arith.addi %add3A_251, %add3A_337 : i32
          %mul3A_339 = arith.constant 196 : i32
          %mul3A_340 = arith.muli %arg1, %mul3A_339 : i32
          %mul3A_341 = arith.constant 1 : i32
          %mul3A_342 = arith.muli %add3A_338, %mul3A_341 : i32
          %add3A_343 = arith.addi %mul3A_340, %mul3A_342 : i32
          %dma_start3A_344 = arith.constant 0 : i32
          %dma_start3A_345 = arith.constant 0 : i32
          %dma_start3A_346 = arith.constant 0 : i32
          %dma_start3A_347 = tpu.memref_slice %arg13[%dma_start3A_344, %dma_start3A_345, %dma_start3A_346] : memref<2x1x512xi32, #tpu.memory_space<vmem>> -> memref<1x1x512xi32, #tpu.memory_space<vmem>>
          %dma_start3A_348 = tpu.memref_squeeze %dma_start3A_347 : memref<1x1x512xi32, #tpu.memory_space<vmem>> -> memref<1x512xi32, #tpu.memory_space<vmem>>
          %dma_start3A_349 = arith.constant 0 : i32
          %dma_start3A_350 = tpu.memref_slice %arg3[%add3A_343, %dma_start3A_349] : memref<3136x512xi32, #tpu.memory_space<hbm>> -> memref<1x512xi32, #tpu.memory_space<hbm>>
          %dma_start3A_351 = arith.constant 0 : i32
          %dma_start3A_352 = arith.constant 0 : i32
          %dma_start3A_353 = tpu.memref_slice %arg13[%dma_start3A_344, %dma_start3A_351, %dma_start3A_352] : memref<2x1x512xi32, #tpu.memory_space<vmem>> -> memref<1x1x512xi32, #tpu.memory_space<vmem>>
          %dma_start3A_354 = tpu.memref_squeeze %dma_start3A_353 : memref<1x1x512xi32, #tpu.memory_space<vmem>> -> memref<1x512xi32, #tpu.memory_space<vmem>>
          %dma_start3A_355 = arith.constant 0 : i32
          %dma_start3A_356 = tpu.memref_slice %arg3[%add3A_343, %dma_start3A_355] : memref<3136x512xi32, #tpu.memory_space<hbm>> -> memref<1x512xi32, #tpu.memory_space<hbm>>
          tpu.enqueue_dma source(%dma_start3A_356 : memref<1x512xi32, #tpu.memory_space<hbm>>) target(%dma_start3A_354 : memref<1x512xi32, #tpu.memory_space<vmem>>) target_semaphore(%arg12 : memref<!tpu.dma_semaphore, #tpu.memory_space<semaphore_mem>>)
          %dma_start3A_357 = arith.constant 0 : i32
          %dma_start3A_358 = arith.constant 0 : i32
          %dma_start3A_359 = arith.constant 0 : i32
          %dma_start3A_360 = tpu.memref_slice %arg11[%dma_start3A_357, %dma_start3A_358, %dma_start3A_359] : memref<2x1x512xi32, #tpu.memory_space<vmem>> -> memref<1x1x512xi32, #tpu.memory_space<vmem>>
          %dma_start3A_361 = tpu.memref_squeeze %dma_start3A_360 : memref<1x1x512xi32, #tpu.memory_space<vmem>> -> memref<1x512xi32, #tpu.memory_space<vmem>>
          %dma_start3A_362 = arith.constant 0 : i32
          %dma_start3A_363 = tpu.memref_slice %arg4[%add3A_343, %dma_start3A_362] : memref<3136x512xi32, #tpu.memory_space<hbm>> -> memref<1x512xi32, #tpu.memory_space<hbm>>
          %dma_start3A_364 = arith.constant 0 : i32
          %dma_start3A_365 = arith.constant 0 : i32
          %dma_start3A_366 = tpu.memref_slice %arg11[%dma_start3A_357, %dma_start3A_364, %dma_start3A_365] : memref<2x1x512xi32, #tpu.memory_space<vmem>> -> memref<1x1x512xi32, #tpu.memory_space<vmem>>
          %dma_start3A_367 = tpu.memref_squeeze %dma_start3A_366 : memref<1x1x512xi32, #tpu.memory_space<vmem>> -> memref<1x512xi32, #tpu.memory_space<vmem>>
          %dma_start3A_368 = arith.constant 0 : i32
          %dma_start3A_369 = tpu.memref_slice %arg4[%add3A_343, %dma_start3A_368] : memref<3136x512xi32, #tpu.memory_space<hbm>> -> memref<1x512xi32, #tpu.memory_space<hbm>>
          tpu.enqueue_dma source(%dma_start3A_369 : memref<1x512xi32, #tpu.memory_space<hbm>>) target(%dma_start3A_367 : memref<1x512xi32, #tpu.memory_space<vmem>>) target_semaphore(%arg12 : memref<!tpu.dma_semaphore, #tpu.memory_space<semaphore_mem>>)
        } else {
        }
        %dma_wait3A_309 = arith.constant 1 : i32
        %dma_wait3A_310 = arith.constant 0 : i32
        %dma_wait3A_311 = arith.constant 1 : i32
        %dma_wait3A_312 = arith.constant 0 : i32
        %dma_wait3A_313 = arith.constant 0 : i32
        %dma_wait3A_314 = arith.constant 0 : i32
        %dma_wait3A_315 = tpu.memref_slice %arg17[%dma_wait3A_311, %dma_wait3A_312, %dma_wait3A_313, %dma_wait3A_314] : memref<2x1x512x8xf32, #tpu.memory_space<vmem>> -> memref<1x1x512x8xf32, #tpu.memory_space<vmem>>
        %dma_wait3A_316 = tpu.memref_squeeze %dma_wait3A_315 : memref<1x1x512x8xf32, #tpu.memory_space<vmem>> -> memref<512x8xf32, #tpu.memory_space<vmem>>
        %dma_wait3A_317 = arith.constant 0 : i32
        %dma_wait3A_318 = tpu.memref_slice %arg13[%dma_wait3A_309, %dma_wait3A_310, %dma_wait3A_317] : memref<2x1x512xi32, #tpu.memory_space<vmem>> -> memref<1x1x512xi32, #tpu.memory_space<vmem>>
        %dma_wait3A_319 = tpu.memref_squeeze %dma_wait3A_318 : memref<1x1x512xi32, #tpu.memory_space<vmem>> -> memref<512xi32, #tpu.memory_space<vmem>>
        %dma_wait3A_320 = arith.constant 0 : i32
        %dma_wait3A_321 = arith.constant 0 : i32
        %dma_wait3A_322 = tpu.memref_slice %arg19[%dma_wait3A_320, %dma_wait3A_321] : memref<100480x8xf32, #tpu.memory_space<vmem_shared>> -> memref<100480x8xf32, #tpu.memory_space<vmem_shared>>
        tpu.wait_indirect_dma semaphore(%arg10 : memref<!tpu.dma_semaphore, #tpu.memory_space<semaphore_mem>>) src(%dma_wait3A_322 : memref<100480x8xf32, #tpu.memory_space<vmem_shared>>) dst(%dma_wait3A_316 : memref<512x8xf32, #tpu.memory_space<vmem>>)
        %dma_start3A_323 = arith.constant 1 : i32
        %dma_start3A_324 = arith.constant 0 : i32
        %dma_start3A_325 = arith.constant 1 : i32
        %dma_start3A_326 = arith.constant 0 : i32
        %dma_start3A_327 = arith.constant 0 : i32
        %dma_start3A_328 = arith.constant 0 : i32
        %dma_start3A_329 = tpu.memref_slice %arg17[%dma_start3A_323, %dma_start3A_324, %dma_start3A_327, %dma_start3A_328] : memref<2x1x512x8xf32, #tpu.memory_space<vmem>> -> memref<1x1x512x8xf32, #tpu.memory_space<vmem>>
        %dma_start3A_330 = tpu.memref_squeeze %dma_start3A_329 : memref<1x1x512x8xf32, #tpu.memory_space<vmem>> -> memref<512x8xf32, #tpu.memory_space<vmem>>
        %dma_start3A_331 = arith.constant 0 : i32
        %dma_start3A_332 = tpu.memref_slice %arg11[%dma_start3A_325, %dma_start3A_326, %dma_start3A_331] : memref<2x1x512xi32, #tpu.memory_space<vmem>> -> memref<1x1x512xi32, #tpu.memory_space<vmem>>
        %dma_start3A_333 = tpu.memref_squeeze %dma_start3A_332 : memref<1x1x512xi32, #tpu.memory_space<vmem>> -> memref<512xi32, #tpu.memory_space<vmem>>
        %dma_start3A_334 = arith.constant 0 : i32
        %dma_start3A_335 = arith.constant 0 : i32
        %dma_start3A_336 = tpu.memref_slice %arg8[%dma_start3A_334, %dma_start3A_335] : memref<100480x8xf32, #tpu.memory_space<vmem_shared>> -> memref<100480x8xf32, #tpu.memory_space<vmem_shared>>
        tpu.enqueue_indirect_dma source(%dma_start3A_330 : memref<512x8xf32, #tpu.memory_space<vmem>>) target(%dma_start3A_336 : memref<100480x8xf32, #tpu.memory_space<vmem_shared>>) offsets(%dma_start3A_333 : memref<512xi32, #tpu.memory_space<vmem>>) semaphore(%arg18 : memref<!tpu.dma_semaphore, #tpu.memory_space<semaphore_mem>>) {add = true}
      }
      %scan3A_119 = arith.constant 98 : i32
      %dma_wait3A_120 = arith.constant 1 : i32
      %dma_wait3A_121 = arith.constant 0 : i32
      %dma_wait3A_122 = arith.constant 1 : i32
      %dma_wait3A_123 = arith.constant 0 : i32
      %dma_wait3A_124 = arith.constant 0 : i32
      %dma_wait3A_125 = arith.constant 0 : i32
      %dma_wait3A_126 = tpu.memref_slice %arg17[%dma_wait3A_120, %dma_wait3A_121, %dma_wait3A_124, %dma_wait3A_125] : memref<2x1x512x8xf32, #tpu.memory_space<vmem>> -> memref<1x1x512x8xf32, #tpu.memory_space<vmem>>
      %dma_wait3A_127 = tpu.memref_squeeze %dma_wait3A_126 : memref<1x1x512x8xf32, #tpu.memory_space<vmem>> -> memref<512x8xf32, #tpu.memory_space<vmem>>
      %dma_wait3A_128 = arith.constant 0 : i32
      %dma_wait3A_129 = tpu.memref_slice %arg11[%dma_wait3A_122, %dma_wait3A_123, %dma_wait3A_128] : memref<2x1x512xi32, #tpu.memory_space<vmem>> -> memref<1x1x512xi32, #tpu.memory_space<vmem>>
      %dma_wait3A_130 = tpu.memref_squeeze %dma_wait3A_129 : memref<1x1x512xi32, #tpu.memory_space<vmem>> -> memref<512xi32, #tpu.memory_space<vmem>>
      %dma_wait3A_131 = arith.constant 0 : i32
      %dma_wait3A_132 = arith.constant 0 : i32
      %dma_wait3A_133 = tpu.memref_slice %arg8[%dma_wait3A_131, %dma_wait3A_132] : memref<100480x8xf32, #tpu.memory_space<vmem_shared>> -> memref<100480x8xf32, #tpu.memory_space<vmem_shared>>
      tpu.wait_indirect_dma semaphore(%arg18 : memref<!tpu.dma_semaphore, #tpu.memory_space<semaphore_mem>>) src(%dma_wait3A_127 : memref<512x8xf32, #tpu.memory_space<vmem>>) dst(%dma_wait3A_133 : memref<100480x8xf32, #tpu.memory_space<vmem_shared>>)
      %barrier3A_134 = arith.constant 0 : index
      tpu.barrier barrier_id(%barrier3A_134)
      %mul3A_135 = arith.constant 6272 : i32
      %mul3A_136 = arith.muli %arg1, %mul3A_135 : i32
      %add3A_137 = arith.constant 0 : i32
      %add3A_138 = arith.addi %mul3A_136, %add3A_137 : i32
      %dma_start3A_139 = arith.constant 0 : i32
      %dma_start3A_140 = arith.constant 0 : i32
      %dma_start3A_141 = arith.constant 0 : i32
      %dma_start3A_142 = tpu.memref_slice %arg14[%dma_start3A_139, %dma_start3A_140, %dma_start3A_141] : memref<2x392x8xf32, #tpu.memory_space<vmem>> -> memref<1x392x8xf32, #tpu.memory_space<vmem>>
      %dma_start3A_143 = tpu.memref_squeeze %dma_start3A_142 : memref<1x392x8xf32, #tpu.memory_space<vmem>> -> memref<392x8xf32, #tpu.memory_space<vmem>>
      %dma_start3A_144 = arith.constant 0 : i32
      %dma_start3A_145 = tpu.memref_slice %arg2[%arg0, %add3A_138, %dma_start3A_144] : memref<2x100352x8xf32, #tpu.memory_space<hbm>> -> memref<1x392x8xf32, #tpu.memory_space<hbm>>
      %dma_start3A_146 = tpu.memref_squeeze %dma_start3A_145 : memref<1x392x8xf32, #tpu.memory_space<hbm>> -> memref<392x8xf32, #tpu.memory_space<hbm>>
      %dma_start3A_147 = arith.constant 0 : i32
      %dma_start3A_148 = arith.constant 0 : i32
      %dma_start3A_149 = tpu.memref_slice %arg14[%dma_start3A_139, %dma_start3A_147, %dma_start3A_148] : memref<2x392x8xf32, #tpu.memory_space<vmem>> -> memref<1x392x8xf32, #tpu.memory_space<vmem>>
      %dma_start3A_150 = tpu.memref_squeeze %dma_start3A_149 : memref<1x392x8xf32, #tpu.memory_space<vmem>> -> memref<392x8xf32, #tpu.memory_space<vmem>>
      %dma_start3A_151 = arith.constant 0 : i32
      %dma_start3A_152 = tpu.memref_slice %arg2[%arg0, %add3A_138, %dma_start3A_151] : memref<2x100352x8xf32, #tpu.memory_space<hbm>> -> memref<1x392x8xf32, #tpu.memory_space<hbm>>
      %dma_start3A_153 = tpu.memref_squeeze %dma_start3A_152 : memref<1x392x8xf32, #tpu.memory_space<hbm>> -> memref<392x8xf32, #tpu.memory_space<hbm>>
      tpu.enqueue_dma source(%dma_start3A_153 : memref<392x8xf32, #tpu.memory_space<hbm>>) target(%dma_start3A_150 : memref<392x8xf32, #tpu.memory_space<vmem>>) target_semaphore(%arg15 : memref<!tpu.dma_semaphore, #tpu.memory_space<semaphore_mem>>)
      %scan3A_154 = arith.constant 0 : i32
      %scan3A_155 = arith.constant 8 : i32
      %scan3A_156 = arith.addi %scan3A_154, %scan3A_155 : i32
      %scan3A_157 = arith.constant 1 : i32
      scf.for %scan3A_160 = %scan3A_154 to %scan3A_156 step %scan3A_157  : i32 {
        %mul3A_161 = arith.constant 2 : i32
        %mul3A_162 = arith.muli %mul3A_161, %scan3A_160 : i32
        %mul3A_163 = arith.constant 6272 : i32
        %mul3A_164 = arith.muli %arg1, %mul3A_163 : i32
        %mul3A_165 = arith.constant 392 : i32
        %mul3A_166 = arith.muli %mul3A_162, %mul3A_165 : i32
        %add3A_167 = arith.addi %mul3A_164, %mul3A_166 : i32
        %add3A_168 = arith.constant 1 : i32
        %add3A_169 = arith.addi %mul3A_162, %add3A_168 : i32
        %lt3A = arith.constant 16 : i32
        %lt3A_170 = arith.cmpi slt, %add3A_169, %lt3A : i32
        %convert_element_type3A_171 = arith.extui %lt3A_170 : i1 to i32
        %cond3A_172 = arith.constant 0 : i32
        %cond3A_173 = arith.cmpi ne, %convert_element_type3A_171, %cond3A_172 : i32
        scf.if %cond3A_173 {
          %add3A_242 = arith.constant 1 : i32
          %add3A_243 = arith.addi %mul3A_162, %add3A_242 : i32
          %mul3A_244 = arith.constant 6272 : i32
          %mul3A_245 = arith.muli %arg1, %mul3A_244 : i32
          %mul3A_246 = arith.constant 392 : i32
          %mul3A_247 = arith.muli %add3A_243, %mul3A_246 : i32
          %add3A_248 = arith.addi %mul3A_245, %mul3A_247 : i32
          %dma_start3A_249 = arith.constant 1 : i32
          %dma_start3A_250 = arith.constant 0 : i32
          %dma_start3A_251 = arith.constant 0 : i32
          %dma_start3A_252 = tpu.memref_slice %arg14[%dma_start3A_249, %dma_start3A_250, %dma_start3A_251] : memref<2x392x8xf32, #tpu.memory_space<vmem>> -> memref<1x392x8xf32, #tpu.memory_space<vmem>>
          %dma_start3A_253 = tpu.memref_squeeze %dma_start3A_252 : memref<1x392x8xf32, #tpu.memory_space<vmem>> -> memref<392x8xf32, #tpu.memory_space<vmem>>
          %dma_start3A_254 = arith.constant 0 : i32
          %dma_start3A_255 = tpu.memref_slice %arg2[%arg0, %add3A_248, %dma_start3A_254] : memref<2x100352x8xf32, #tpu.memory_space<hbm>> -> memref<1x392x8xf32, #tpu.memory_space<hbm>>
          %dma_start3A_256 = tpu.memref_squeeze %dma_start3A_255 : memref<1x392x8xf32, #tpu.memory_space<hbm>> -> memref<392x8xf32, #tpu.memory_space<hbm>>
          %dma_start3A_257 = arith.constant 0 : i32
          %dma_start3A_258 = arith.constant 0 : i32
          %dma_start3A_259 = tpu.memref_slice %arg14[%dma_start3A_249, %dma_start3A_257, %dma_start3A_258] : memref<2x392x8xf32, #tpu.memory_space<vmem>> -> memref<1x392x8xf32, #tpu.memory_space<vmem>>
          %dma_start3A_260 = tpu.memref_squeeze %dma_start3A_259 : memref<1x392x8xf32, #tpu.memory_space<vmem>> -> memref<392x8xf32, #tpu.memory_space<vmem>>
          %dma_start3A_261 = arith.constant 0 : i32
          %dma_start3A_262 = tpu.memref_slice %arg2[%arg0, %add3A_248, %dma_start3A_261] : memref<2x100352x8xf32, #tpu.memory_space<hbm>> -> memref<1x392x8xf32, #tpu.memory_space<hbm>>
          %dma_start3A_263 = tpu.memref_squeeze %dma_start3A_262 : memref<1x392x8xf32, #tpu.memory_space<hbm>> -> memref<392x8xf32, #tpu.memory_space<hbm>>
          tpu.enqueue_dma source(%dma_start3A_263 : memref<392x8xf32, #tpu.memory_space<hbm>>) target(%dma_start3A_260 : memref<392x8xf32, #tpu.memory_space<vmem>>) target_semaphore(%arg15 : memref<!tpu.dma_semaphore, #tpu.memory_space<semaphore_mem>>)
        } else {
        }
        "tpu.region"() ({
          %run_scoped3A_242 = tpu.sem_alloc : memref<!tpu.dma_semaphore, #tpu.memory_space<semaphore_mem>>
          %dma_start3A_243 = arith.constant 0 : i32
          %dma_start3A_244 = tpu.memref_slice %arg8[%add3A_167, %dma_start3A_243] : memref<100480x8xf32, #tpu.memory_space<vmem_shared>> -> memref<392x8xf32, #tpu.memory_space<vmem_shared>>
          %dma_start3A_245 = arith.constant 0 : i32
          %dma_start3A_246 = tpu.memref_slice %arg8[%add3A_167, %dma_start3A_245] : memref<100480x8xf32, #tpu.memory_space<vmem_shared>> -> memref<392x8xf32, #tpu.memory_space<vmem_shared>>
          tpu.enqueue_dma source(%dma_start3A_246 : memref<392x8xf32, #tpu.memory_space<vmem_shared>>) target(%arg7 : memref<392x8xf32, #tpu.memory_space<vmem>>) target_semaphore(%run_scoped3A_242 : memref<!tpu.dma_semaphore, #tpu.memory_space<semaphore_mem>>)
          %dma_wait3A_247 = arith.constant 0 : i32
          %dma_wait3A_248 = tpu.memref_slice %arg8[%add3A_167, %dma_wait3A_247] : memref<100480x8xf32, #tpu.memory_space<vmem_shared>> -> memref<392x8xf32, #tpu.memory_space<vmem_shared>>
          %dma_wait3A_249 = arith.constant 0 : i32
          %dma_wait3A_250 = tpu.memref_slice %arg8[%add3A_167, %dma_wait3A_249] : memref<100480x8xf32, #tpu.memory_space<vmem_shared>> -> memref<392x8xf32, #tpu.memory_space<vmem_shared>>
          tpu.wait_dma2 semaphore(%run_scoped3A_242 : memref<!tpu.dma_semaphore, #tpu.memory_space<semaphore_mem>>) src(%dma_wait3A_250 : memref<392x8xf32, #tpu.memory_space<vmem_shared>>) dst(%arg7 : memref<392x8xf32, #tpu.memory_space<vmem>>)
          tpu.yield
        }) : () -> ()
        "tpu.region"() ({
          %run_scoped3A_242 = tpu.sem_alloc : memref<!tpu.dma_semaphore, #tpu.memory_space<semaphore_mem>>
          %dma_start3A_243 = arith.constant 0 : i32
          %dma_start3A_244 = arith.constant 0 : i32
          %dma_start3A_245 = tpu.memref_slice %arg20[%dma_start3A_243, %dma_start3A_244] : memref<392x8xf32, #tpu.memory_space<vmem>> -> memref<392x8xf32, #tpu.memory_space<vmem>>
          %dma_start3A_246 = arith.constant 0 : i32
          %dma_start3A_247 = tpu.memref_slice %arg8[%add3A_167, %dma_start3A_246] : memref<100480x8xf32, #tpu.memory_space<vmem_shared>> -> memref<392x8xf32, #tpu.memory_space<vmem_shared>>
          %dma_start3A_248 = arith.constant 0 : i32
          %dma_start3A_249 = tpu.memref_slice %arg8[%add3A_167, %dma_start3A_248] : memref<100480x8xf32, #tpu.memory_space<vmem_shared>> -> memref<392x8xf32, #tpu.memory_space<vmem_shared>>
          %dma_start3A_250 = arith.constant 0 : i32
          %dma_start3A_251 = arith.constant 0 : i32
          %dma_start3A_252 = tpu.memref_slice %arg20[%dma_start3A_250, %dma_start3A_251] : memref<392x8xf32, #tpu.memory_space<vmem>> -> memref<392x8xf32, #tpu.memory_space<vmem>>
          tpu.enqueue_dma source(%dma_start3A_252 : memref<392x8xf32, #tpu.memory_space<vmem>>) target(%dma_start3A_249 : memref<392x8xf32, #tpu.memory_space<vmem_shared>>) target_semaphore(%run_scoped3A_242 : memref<!tpu.dma_semaphore, #tpu.memory_space<semaphore_mem>>)
          %dma_wait3A_253 = arith.constant 0 : i32
          %dma_wait3A_254 = arith.constant 0 : i32
          %dma_wait3A_255 = tpu.memref_slice %arg20[%dma_wait3A_253, %dma_wait3A_254] : memref<392x8xf32, #tpu.memory_space<vmem>> -> memref<392x8xf32, #tpu.memory_space<vmem>>
          %dma_wait3A_256 = arith.constant 0 : i32
          %dma_wait3A_257 = tpu.memref_slice %arg8[%add3A_167, %dma_wait3A_256] : memref<100480x8xf32, #tpu.memory_space<vmem_shared>> -> memref<392x8xf32, #tpu.memory_space<vmem_shared>>
          %dma_wait3A_258 = arith.constant 0 : i32
          %dma_wait3A_259 = tpu.memref_slice %arg8[%add3A_167, %dma_wait3A_258] : memref<100480x8xf32, #tpu.memory_space<vmem_shared>> -> memref<392x8xf32, #tpu.memory_space<vmem_shared>>
          %dma_wait3A_260 = arith.constant 0 : i32
          %dma_wait3A_261 = arith.constant 0 : i32
          %dma_wait3A_262 = tpu.memref_slice %arg20[%dma_wait3A_260, %dma_wait3A_261] : memref<392x8xf32, #tpu.memory_space<vmem>> -> memref<392x8xf32, #tpu.memory_space<vmem>>
          tpu.wait_dma2 semaphore(%run_scoped3A_242 : memref<!tpu.dma_semaphore, #tpu.memory_space<semaphore_mem>>) src(%dma_wait3A_262 : memref<392x8xf32, #tpu.memory_space<vmem>>) dst(%dma_wait3A_259 : memref<392x8xf32, #tpu.memory_space<vmem_shared>>)
          tpu.yield
        }) : () -> ()
        %dma_wait3A_174 = arith.constant 0 : i32
        %dma_wait3A_175 = arith.constant 0 : i32
        %dma_wait3A_176 = arith.constant 0 : i32
        %dma_wait3A_177 = tpu.memref_slice %arg14[%dma_wait3A_174, %dma_wait3A_175, %dma_wait3A_176] : memref<2x392x8xf32, #tpu.memory_space<vmem>> -> memref<1x392x8xf32, #tpu.memory_space<vmem>>
        %dma_wait3A_178 = tpu.memref_squeeze %dma_wait3A_177 : memref<1x392x8xf32, #tpu.memory_space<vmem>> -> memref<392x8xf32, #tpu.memory_space<vmem>>
        %dma_wait3A_179 = arith.constant 0 : i32
        %dma_wait3A_180 = tpu.memref_slice %arg2[%arg0, %add3A_167, %dma_wait3A_179] : memref<2x100352x8xf32, #tpu.memory_space<hbm>> -> memref<1x392x8xf32, #tpu.memory_space<hbm>>
        %dma_wait3A_181 = tpu.memref_squeeze %dma_wait3A_180 : memref<1x392x8xf32, #tpu.memory_space<hbm>> -> memref<392x8xf32, #tpu.memory_space<hbm>>
        %dma_wait3A_182 = arith.constant 0 : i32
        %dma_wait3A_183 = arith.constant 0 : i32
        %dma_wait3A_184 = tpu.memref_slice %arg14[%dma_wait3A_174, %dma_wait3A_182, %dma_wait3A_183] : memref<2x392x8xf32, #tpu.memory_space<vmem>> -> memref<1x392x8xf32, #tpu.memory_space<vmem>>
        %dma_wait3A_185 = tpu.memref_squeeze %dma_wait3A_184 : memref<1x392x8xf32, #tpu.memory_space<vmem>> -> memref<392x8xf32, #tpu.memory_space<vmem>>
        %dma_wait3A_186 = arith.constant 0 : i32
        %dma_wait3A_187 = tpu.memref_slice %arg2[%arg0, %add3A_167, %dma_wait3A_186] : memref<2x100352x8xf32, #tpu.memory_space<hbm>> -> memref<1x392x8xf32, #tpu.memory_space<hbm>>
        %dma_wait3A_188 = tpu.memref_squeeze %dma_wait3A_187 : memref<1x392x8xf32, #tpu.memory_space<hbm>> -> memref<392x8xf32, #tpu.memory_space<hbm>>
        tpu.wait_dma2 semaphore(%arg15 : memref<!tpu.dma_semaphore, #tpu.memory_space<semaphore_mem>>) src(%dma_wait3A_188 : memref<392x8xf32, #tpu.memory_space<hbm>>) dst(%dma_wait3A_185 : memref<392x8xf32, #tpu.memory_space<vmem>>)
        %scan3A_189 = arith.constant 0 : i32
        %scan3A_190 = arith.constant 98 : i32
        %scan3A_191 = arith.addi %scan3A_189, %scan3A_190 : i32
        %scan3A_192 = arith.constant 1 : i32
        scf.for %scan3A_242 = %scan3A_189 to %scan3A_191 step %scan3A_192  : i32 {
          %mul3A_243 = arith.constant 4 : i32
          %mul3A_244 = arith.muli %mul3A_243, %scan3A_242 : i32
          %add3A_245 = arith.constant 0 : i32
          %add3A_246 = arith.addi %mul3A_244, %add3A_245 : i32
          %add3A_247 = vector.broadcast %add3A_246 : i32 to vector<16xi32>
          %add3A_248 = arith.addi %add3A_247, %shift_right_arithmetic3A_1 : vector<16xi32>
          %mul3A_249 = arith.constant 392 : i32
          %mul3A_250 = arith.muli %mul3A_162, %mul3A_249 : i32
          %add3A_251 = vector.broadcast %mul3A_250 : i32 to vector<16xi32>
          %add3A_252 = arith.addi %add3A_251, %add3A_248 : vector<16xi32>
          %gather3A = tpu.vector_load_idx %arg9[%add3A_252] : memref<6288xf32, #tpu.memory_space<vmem>>[vector<16xi32>], vector<16xf32>,
          %gather3A_253 = tpu.vector_load_idx %arg7[%add3A_248, %and3A_3] : memref<392x8xf32, #tpu.memory_space<vmem>>[vector<16xi32>, vector<16xi32>], vector<16xf32>,
          %gather3A_254 = arith.constant 0 : i32
          %gather3A_255 = arith.constant 0 : i32
          %gather3A_256 = arith.constant 0 : i32
          %gather3A_257 = tpu.memref_slice %arg14[%gather3A_254, %gather3A_255, %gather3A_256] : memref<2x392x8xf32, #tpu.memory_space<vmem>> -> memref<1x392x8xf32, #tpu.memory_space<vmem>>
          %gather3A_258 = tpu.memref_squeeze %gather3A_257 : memref<1x392x8xf32, #tpu.memory_space<vmem>> -> memref<392x8xf32, #tpu.memory_space<vmem>>
          %gather3A_259 = tpu.vector_load_idx %gather3A_258[%add3A_248, %and3A_3] : memref<392x8xf32, #tpu.memory_space<vmem>>[vector<16xi32>, vector<16xi32>], vector<16xf32>,
          %mul3A_260 = arith.constant 1.000000e-01 : f32
          %mul3A_261 = vector.broadcast %mul3A_260 : f32 to vector<16xf32>
          %mul3A_262 = arith.mulf %mul3A_261, %gather3A_259 : vector<16xf32>
          %mul3A_263 = arith.constant 0.899999976 : f32
          %mul3A_264 = vector.broadcast %mul3A_263 : f32 to vector<16xf32>
          %mul3A_265 = arith.mulf %mul3A_264, %gather3A : vector<16xf32>
          %mul3A_266 = arith.mulf %mul3A_265, %gather3A_253 : vector<16xf32>
          %add3A_267 = arith.addf %mul3A_262, %mul3A_266 : vector<16xf32>
          %max3A = arith.constant 0.000000e+00 : f32
          %max3A_268 = vector.broadcast %max3A : f32 to vector<16xf32>
          %max3A_269 = arith.maximumf %add3A_267, %max3A_268 : vector<16xf32>
          %min3A = arith.constant 1.000000e+00 : f32
          %min3A_270 = vector.broadcast %min3A : f32 to vector<16xf32>
          %min3A_271 = arith.minimumf %max3A_269, %min3A_270 : vector<16xf32>
          tpu.vector_store_idx %arg7[%add3A_248, %and3A_3], %min3A_271 : memref<392x8xf32, #tpu.memory_space<vmem>>[vector<16xi32>, vector<16xi32>], vector<16xf32>,
          %mul3A_272 = arith.mulf %min3A_271, %gather3A : vector<16xf32>
          %scatter3A = arith.constant 0 : i32
          %scatter3A_273 = arith.constant 0 : i32
          %scatter3A_274 = arith.constant 0 : i32
          %scatter3A_275 = tpu.memref_slice %arg14[%scatter3A, %scatter3A_273, %scatter3A_274] : memref<2x392x8xf32, #tpu.memory_space<vmem>> -> memref<1x392x8xf32, #tpu.memory_space<vmem>>
          %scatter3A_276 = tpu.memref_squeeze %scatter3A_275 : memref<1x392x8xf32, #tpu.memory_space<vmem>> -> memref<392x8xf32, #tpu.memory_space<vmem>>
          tpu.vector_store_idx %scatter3A_276[%add3A_248, %and3A_3], %mul3A_272 : memref<392x8xf32, #tpu.memory_space<vmem>>[vector<16xi32>, vector<16xi32>], vector<16xf32>,
          %mul3A_277 = arith.constant 4 : i32
          %mul3A_278 = arith.muli %mul3A_277, %scan3A_242 : i32
          %add3A_279 = arith.constant 2 : i32
          %add3A_280 = arith.addi %mul3A_278, %add3A_279 : i32
          %add3A_281 = vector.broadcast %add3A_280 : i32 to vector<16xi32>
          %add3A_282 = arith.addi %add3A_281, %shift_right_arithmetic3A_1 : vector<16xi32>
          %mul3A_283 = arith.constant 392 : i32
          %mul3A_284 = arith.muli %mul3A_162, %mul3A_283 : i32
          %add3A_285 = vector.broadcast %mul3A_284 : i32 to vector<16xi32>
          %add3A_286 = arith.addi %add3A_285, %add3A_282 : vector<16xi32>
          %gather3A_287 = tpu.vector_load_idx %arg9[%add3A_286] : memref<6288xf32, #tpu.memory_space<vmem>>[vector<16xi32>], vector<16xf32>,
          %gather3A_288 = tpu.vector_load_idx %arg7[%add3A_282, %and3A_3] : memref<392x8xf32, #tpu.memory_space<vmem>>[vector<16xi32>, vector<16xi32>], vector<16xf32>,
          %gather3A_289 = arith.constant 0 : i32
          %gather3A_290 = arith.constant 0 : i32
          %gather3A_291 = arith.constant 0 : i32
          %gather3A_292 = tpu.memref_slice %arg14[%gather3A_289, %gather3A_290, %gather3A_291] : memref<2x392x8xf32, #tpu.memory_space<vmem>> -> memref<1x392x8xf32, #tpu.memory_space<vmem>>
          %gather3A_293 = tpu.memref_squeeze %gather3A_292 : memref<1x392x8xf32, #tpu.memory_space<vmem>> -> memref<392x8xf32, #tpu.memory_space<vmem>>
          %gather3A_294 = tpu.vector_load_idx %gather3A_293[%add3A_282, %and3A_3] : memref<392x8xf32, #tpu.memory_space<vmem>>[vector<16xi32>, vector<16xi32>], vector<16xf32>,
          %mul3A_295 = arith.constant 1.000000e-01 : f32
          %mul3A_296 = vector.broadcast %mul3A_295 : f32 to vector<16xf32>
          %mul3A_297 = arith.mulf %mul3A_296, %gather3A_294 : vector<16xf32>
          %mul3A_298 = arith.constant 0.899999976 : f32
          %mul3A_299 = vector.broadcast %mul3A_298 : f32 to vector<16xf32>
          %mul3A_300 = arith.mulf %mul3A_299, %gather3A_287 : vector<16xf32>
          %mul3A_301 = arith.mulf %mul3A_300, %gather3A_288 : vector<16xf32>
          %add3A_302 = arith.addf %mul3A_297, %mul3A_301 : vector<16xf32>
          %max3A_303 = arith.constant 0.000000e+00 : f32
          %max3A_304 = vector.broadcast %max3A_303 : f32 to vector<16xf32>
          %max3A_305 = arith.maximumf %add3A_302, %max3A_304 : vector<16xf32>
          %min3A_306 = arith.constant 1.000000e+00 : f32
          %min3A_307 = vector.broadcast %min3A_306 : f32 to vector<16xf32>
          %min3A_308 = arith.minimumf %max3A_305, %min3A_307 : vector<16xf32>
          tpu.vector_store_idx %arg7[%add3A_282, %and3A_3], %min3A_308 : memref<392x8xf32, #tpu.memory_space<vmem>>[vector<16xi32>, vector<16xi32>], vector<16xf32>,
          %mul3A_309 = arith.mulf %min3A_308, %gather3A_287 : vector<16xf32>
          %scatter3A_310 = arith.constant 0 : i32
          %scatter3A_311 = arith.constant 0 : i32
          %scatter3A_312 = arith.constant 0 : i32
          %scatter3A_313 = tpu.memref_slice %arg14[%scatter3A_310, %scatter3A_311, %scatter3A_312] : memref<2x392x8xf32, #tpu.memory_space<vmem>> -> memref<1x392x8xf32, #tpu.memory_space<vmem>>
          %scatter3A_314 = tpu.memref_squeeze %scatter3A_313 : memref<1x392x8xf32, #tpu.memory_space<vmem>> -> memref<392x8xf32, #tpu.memory_space<vmem>>
          tpu.vector_store_idx %scatter3A_314[%add3A_282, %and3A_3], %mul3A_309 : memref<392x8xf32, #tpu.memory_space<vmem>>[vector<16xi32>, vector<16xi32>], vector<16xf32>,
        }
        %scan3A_193 = arith.constant 98 : i32
        %run_scoped3A = arith.constant 0 : i32
        "tpu.region"() ({
          %run_scoped3A_242 = tpu.sem_alloc : memref<!tpu.dma_semaphore, #tpu.memory_space<semaphore_mem>>
          %dma_start3A_243 = arith.constant 0 : i32
          %dma_start3A_244 = arith.constant 0 : i32
          %dma_start3A_245 = tpu.memref_slice %arg14[%run_scoped3A, %dma_start3A_243, %dma_start3A_244] : memref<2x392x8xf32, #tpu.memory_space<vmem>> -> memref<1x392x8xf32, #tpu.memory_space<vmem>>
          %dma_start3A_246 = tpu.memref_squeeze %dma_start3A_245 : memref<1x392x8xf32, #tpu.memory_space<vmem>> -> memref<392x8xf32, #tpu.memory_space<vmem>>
          %dma_start3A_247 = arith.constant 0 : i32
          %dma_start3A_248 = tpu.memref_slice %arg19[%add3A_167, %dma_start3A_247] : memref<100480x8xf32, #tpu.memory_space<vmem_shared>> -> memref<392x8xf32, #tpu.memory_space<vmem_shared>>
          %dma_start3A_249 = arith.constant 0 : i32
          %dma_start3A_250 = tpu.memref_slice %arg19[%add3A_167, %dma_start3A_249] : memref<100480x8xf32, #tpu.memory_space<vmem_shared>> -> memref<392x8xf32, #tpu.memory_space<vmem_shared>>
          %dma_start3A_251 = arith.constant 0 : i32
          %dma_start3A_252 = arith.constant 0 : i32
          %dma_start3A_253 = tpu.memref_slice %arg14[%run_scoped3A, %dma_start3A_251, %dma_start3A_252] : memref<2x392x8xf32, #tpu.memory_space<vmem>> -> memref<1x392x8xf32, #tpu.memory_space<vmem>>
          %dma_start3A_254 = tpu.memref_squeeze %dma_start3A_253 : memref<1x392x8xf32, #tpu.memory_space<vmem>> -> memref<392x8xf32, #tpu.memory_space<vmem>>
          tpu.enqueue_dma source(%dma_start3A_254 : memref<392x8xf32, #tpu.memory_space<vmem>>) target(%dma_start3A_250 : memref<392x8xf32, #tpu.memory_space<vmem_shared>>) target_semaphore(%run_scoped3A_242 : memref<!tpu.dma_semaphore, #tpu.memory_space<semaphore_mem>>)
          %dma_wait3A_255 = arith.constant 0 : i32
          %dma_wait3A_256 = arith.constant 0 : i32
          %dma_wait3A_257 = tpu.memref_slice %arg14[%run_scoped3A, %dma_wait3A_255, %dma_wait3A_256] : memref<2x392x8xf32, #tpu.memory_space<vmem>> -> memref<1x392x8xf32, #tpu.memory_space<vmem>>
          %dma_wait3A_258 = tpu.memref_squeeze %dma_wait3A_257 : memref<1x392x8xf32, #tpu.memory_space<vmem>> -> memref<392x8xf32, #tpu.memory_space<vmem>>
          %dma_wait3A_259 = arith.constant 0 : i32
          %dma_wait3A_260 = tpu.memref_slice %arg19[%add3A_167, %dma_wait3A_259] : memref<100480x8xf32, #tpu.memory_space<vmem_shared>> -> memref<392x8xf32, #tpu.memory_space<vmem_shared>>
          %dma_wait3A_261 = arith.constant 0 : i32
          %dma_wait3A_262 = tpu.memref_slice %arg19[%add3A_167, %dma_wait3A_261] : memref<100480x8xf32, #tpu.memory_space<vmem_shared>> -> memref<392x8xf32, #tpu.memory_space<vmem_shared>>
          %dma_wait3A_263 = arith.constant 0 : i32
          %dma_wait3A_264 = arith.constant 0 : i32
          %dma_wait3A_265 = tpu.memref_slice %arg14[%run_scoped3A, %dma_wait3A_263, %dma_wait3A_264] : memref<2x392x8xf32, #tpu.memory_space<vmem>> -> memref<1x392x8xf32, #tpu.memory_space<vmem>>
          %dma_wait3A_266 = tpu.memref_squeeze %dma_wait3A_265 : memref<1x392x8xf32, #tpu.memory_space<vmem>> -> memref<392x8xf32, #tpu.memory_space<vmem>>
          tpu.wait_dma2 semaphore(%run_scoped3A_242 : memref<!tpu.dma_semaphore, #tpu.memory_space<semaphore_mem>>) src(%dma_wait3A_266 : memref<392x8xf32, #tpu.memory_space<vmem>>) dst(%dma_wait3A_262 : memref<392x8xf32, #tpu.memory_space<vmem_shared>>)
          tpu.yield
        }) : () -> ()
        %sub3A = arith.constant 1 : i32
        %sub3A_194 = arith.subi %reduce_max3A_23, %sub3A : i32
        %eq3A_195 = arith.cmpi eq, %while3A_84, %sub3A_194 : i32
        %convert_element_type3A_196 = arith.extui %eq3A_195 : i1 to i32
        %cond3A_197 = arith.constant 0 : i32
        %cond3A_198 = arith.cmpi ne, %convert_element_type3A_196, %cond3A_197 : i32
        scf.if %cond3A_198 {
          "tpu.region"() ({
            %run_scoped3A_242 = tpu.sem_alloc : memref<!tpu.dma_semaphore, #tpu.memory_space<semaphore_mem>>
            %dma_start3A_243 = arith.constant 0 : i32
            %dma_start3A_244 = tpu.memref_slice %arg6[%arg0, %add3A_167, %dma_start3A_243] : memref<2x100352x8xf32, #tpu.memory_space<hbm>> -> memref<1x392x8xf32, #tpu.memory_space<hbm>>
            %dma_start3A_245 = tpu.memref_squeeze %dma_start3A_244 : memref<1x392x8xf32, #tpu.memory_space<hbm>> -> memref<392x8xf32, #tpu.memory_space<hbm>>
            %dma_start3A_246 = arith.constant 0 : i32
            %dma_start3A_247 = tpu.memref_slice %arg6[%arg0, %add3A_167, %dma_start3A_246] : memref<2x100352x8xf32, #tpu.memory_space<hbm>> -> memref<1x392x8xf32, #tpu.memory_space<hbm>>
            %dma_start3A_248 = tpu.memref_squeeze %dma_start3A_247 : memref<1x392x8xf32, #tpu.memory_space<hbm>> -> memref<392x8xf32, #tpu.memory_space<hbm>>
            tpu.enqueue_dma source(%arg7 : memref<392x8xf32, #tpu.memory_space<vmem>>) target(%dma_start3A_248 : memref<392x8xf32, #tpu.memory_space<hbm>>) target_semaphore(%run_scoped3A_242 : memref<!tpu.dma_semaphore, #tpu.memory_space<semaphore_mem>>)
            %dma_wait3A_249 = arith.constant 0 : i32
            %dma_wait3A_250 = tpu.memref_slice %arg6[%arg0, %add3A_167, %dma_wait3A_249] : memref<2x100352x8xf32, #tpu.memory_space<hbm>> -> memref<1x392x8xf32, #tpu.memory_space<hbm>>
            %dma_wait3A_251 = tpu.memref_squeeze %dma_wait3A_250 : memref<1x392x8xf32, #tpu.memory_space<hbm>> -> memref<392x8xf32, #tpu.memory_space<hbm>>
            %dma_wait3A_252 = arith.constant 0 : i32
            %dma_wait3A_253 = tpu.memref_slice %arg6[%arg0, %add3A_167, %dma_wait3A_252] : memref<2x100352x8xf32, #tpu.memory_space<hbm>> -> memref<1x392x8xf32, #tpu.memory_space<hbm>>
            %dma_wait3A_254 = tpu.memref_squeeze %dma_wait3A_253 : memref<1x392x8xf32, #tpu.memory_space<hbm>> -> memref<392x8xf32, #tpu.memory_space<hbm>>
            tpu.wait_dma2 semaphore(%run_scoped3A_242 : memref<!tpu.dma_semaphore, #tpu.memory_space<semaphore_mem>>) src(%arg7 : memref<392x8xf32, #tpu.memory_space<vmem>>) dst(%dma_wait3A_254 : memref<392x8xf32, #tpu.memory_space<hbm>>)
            tpu.yield
          }) : () -> ()
        } else {
        }
        %mul3A_199 = arith.constant 2 : i32
        %mul3A_200 = arith.muli %mul3A_199, %scan3A_160 : i32
        %add3A_201 = arith.constant 1 : i32
        %add3A_202 = arith.addi %mul3A_200, %add3A_201 : i32
        %mul3A_203 = arith.constant 6272 : i32
        %mul3A_204 = arith.muli %arg1, %mul3A_203 : i32
        %mul3A_205 = arith.constant 392 : i32
        %mul3A_206 = arith.muli %add3A_202, %mul3A_205 : i32
        %add3A_207 = arith.addi %mul3A_204, %mul3A_206 : i32
        %add3A_208 = arith.constant 1 : i32
        %add3A_209 = arith.addi %add3A_202, %add3A_208 : i32
        %lt3A_210 = arith.constant 16 : i32
        %lt3A_211 = arith.cmpi slt, %add3A_209, %lt3A_210 : i32
        %convert_element_type3A_212 = arith.extui %lt3A_211 : i1 to i32
        %cond3A_213 = arith.constant 0 : i32
        %cond3A_214 = arith.cmpi ne, %convert_element_type3A_212, %cond3A_213 : i32
        scf.if %cond3A_214 {
          %add3A_242 = arith.constant 1 : i32
          %add3A_243 = arith.addi %add3A_202, %add3A_242 : i32
          %mul3A_244 = arith.constant 6272 : i32
          %mul3A_245 = arith.muli %arg1, %mul3A_244 : i32
          %mul3A_246 = arith.constant 392 : i32
          %mul3A_247 = arith.muli %add3A_243, %mul3A_246 : i32
          %add3A_248 = arith.addi %mul3A_245, %mul3A_247 : i32
          %dma_start3A_249 = arith.constant 0 : i32
          %dma_start3A_250 = arith.constant 0 : i32
          %dma_start3A_251 = arith.constant 0 : i32
          %dma_start3A_252 = tpu.memref_slice %arg14[%dma_start3A_249, %dma_start3A_250, %dma_start3A_251] : memref<2x392x8xf32, #tpu.memory_space<vmem>> -> memref<1x392x8xf32, #tpu.memory_space<vmem>>
          %dma_start3A_253 = tpu.memref_squeeze %dma_start3A_252 : memref<1x392x8xf32, #tpu.memory_space<vmem>> -> memref<392x8xf32, #tpu.memory_space<vmem>>
          %dma_start3A_254 = arith.constant 0 : i32
          %dma_start3A_255 = tpu.memref_slice %arg2[%arg0, %add3A_248, %dma_start3A_254] : memref<2x100352x8xf32, #tpu.memory_space<hbm>> -> memref<1x392x8xf32, #tpu.memory_space<hbm>>
          %dma_start3A_256 = tpu.memref_squeeze %dma_start3A_255 : memref<1x392x8xf32, #tpu.memory_space<hbm>> -> memref<392x8xf32, #tpu.memory_space<hbm>>
          %dma_start3A_257 = arith.constant 0 : i32
          %dma_start3A_258 = arith.constant 0 : i32
          %dma_start3A_259 = tpu.memref_slice %arg14[%dma_start3A_249, %dma_start3A_257, %dma_start3A_258] : memref<2x392x8xf32, #tpu.memory_space<vmem>> -> memref<1x392x8xf32, #tpu.memory_space<vmem>>
          %dma_start3A_260 = tpu.memref_squeeze %dma_start3A_259 : memref<1x392x8xf32, #tpu.memory_space<vmem>> -> memref<392x8xf32, #tpu.memory_space<vmem>>
          %dma_start3A_261 = arith.constant 0 : i32
          %dma_start3A_262 = tpu.memref_slice %arg2[%arg0, %add3A_248, %dma_start3A_261] : memref<2x100352x8xf32, #tpu.memory_space<hbm>> -> memref<1x392x8xf32, #tpu.memory_space<hbm>>
          %dma_start3A_263 = tpu.memref_squeeze %dma_start3A_262 : memref<1x392x8xf32, #tpu.memory_space<hbm>> -> memref<392x8xf32, #tpu.memory_space<hbm>>
          tpu.enqueue_dma source(%dma_start3A_263 : memref<392x8xf32, #tpu.memory_space<hbm>>) target(%dma_start3A_260 : memref<392x8xf32, #tpu.memory_space<vmem>>) target_semaphore(%arg15 : memref<!tpu.dma_semaphore, #tpu.memory_space<semaphore_mem>>)
        } else {
        }
        "tpu.region"() ({
          %run_scoped3A_242 = tpu.sem_alloc : memref<!tpu.dma_semaphore, #tpu.memory_space<semaphore_mem>>
          %dma_start3A_243 = arith.constant 0 : i32
          %dma_start3A_244 = tpu.memref_slice %arg8[%add3A_207, %dma_start3A_243] : memref<100480x8xf32, #tpu.memory_space<vmem_shared>> -> memref<392x8xf32, #tpu.memory_space<vmem_shared>>
          %dma_start3A_245 = arith.constant 0 : i32
          %dma_start3A_246 = tpu.memref_slice %arg8[%add3A_207, %dma_start3A_245] : memref<100480x8xf32, #tpu.memory_space<vmem_shared>> -> memref<392x8xf32, #tpu.memory_space<vmem_shared>>
          tpu.enqueue_dma source(%dma_start3A_246 : memref<392x8xf32, #tpu.memory_space<vmem_shared>>) target(%arg7 : memref<392x8xf32, #tpu.memory_space<vmem>>) target_semaphore(%run_scoped3A_242 : memref<!tpu.dma_semaphore, #tpu.memory_space<semaphore_mem>>)
          %dma_wait3A_247 = arith.constant 0 : i32
          %dma_wait3A_248 = tpu.memref_slice %arg8[%add3A_207, %dma_wait3A_247] : memref<100480x8xf32, #tpu.memory_space<vmem_shared>> -> memref<392x8xf32, #tpu.memory_space<vmem_shared>>
          %dma_wait3A_249 = arith.constant 0 : i32
          %dma_wait3A_250 = tpu.memref_slice %arg8[%add3A_207, %dma_wait3A_249] : memref<100480x8xf32, #tpu.memory_space<vmem_shared>> -> memref<392x8xf32, #tpu.memory_space<vmem_shared>>
          tpu.wait_dma2 semaphore(%run_scoped3A_242 : memref<!tpu.dma_semaphore, #tpu.memory_space<semaphore_mem>>) src(%dma_wait3A_250 : memref<392x8xf32, #tpu.memory_space<vmem_shared>>) dst(%arg7 : memref<392x8xf32, #tpu.memory_space<vmem>>)
          tpu.yield
        }) : () -> ()
        "tpu.region"() ({
          %run_scoped3A_242 = tpu.sem_alloc : memref<!tpu.dma_semaphore, #tpu.memory_space<semaphore_mem>>
          %dma_start3A_243 = arith.constant 0 : i32
          %dma_start3A_244 = arith.constant 0 : i32
          %dma_start3A_245 = tpu.memref_slice %arg20[%dma_start3A_243, %dma_start3A_244] : memref<392x8xf32, #tpu.memory_space<vmem>> -> memref<392x8xf32, #tpu.memory_space<vmem>>
          %dma_start3A_246 = arith.constant 0 : i32
          %dma_start3A_247 = tpu.memref_slice %arg8[%add3A_207, %dma_start3A_246] : memref<100480x8xf32, #tpu.memory_space<vmem_shared>> -> memref<392x8xf32, #tpu.memory_space<vmem_shared>>
          %dma_start3A_248 = arith.constant 0 : i32
          %dma_start3A_249 = tpu.memref_slice %arg8[%add3A_207, %dma_start3A_248] : memref<100480x8xf32, #tpu.memory_space<vmem_shared>> -> memref<392x8xf32, #tpu.memory_space<vmem_shared>>
          %dma_start3A_250 = arith.constant 0 : i32
          %dma_start3A_251 = arith.constant 0 : i32
          %dma_start3A_252 = tpu.memref_slice %arg20[%dma_start3A_250, %dma_start3A_251] : memref<392x8xf32, #tpu.memory_space<vmem>> -> memref<392x8xf32, #tpu.memory_space<vmem>>
          tpu.enqueue_dma source(%dma_start3A_252 : memref<392x8xf32, #tpu.memory_space<vmem>>) target(%dma_start3A_249 : memref<392x8xf32, #tpu.memory_space<vmem_shared>>) target_semaphore(%run_scoped3A_242 : memref<!tpu.dma_semaphore, #tpu.memory_space<semaphore_mem>>)
          %dma_wait3A_253 = arith.constant 0 : i32
          %dma_wait3A_254 = arith.constant 0 : i32
          %dma_wait3A_255 = tpu.memref_slice %arg20[%dma_wait3A_253, %dma_wait3A_254] : memref<392x8xf32, #tpu.memory_space<vmem>> -> memref<392x8xf32, #tpu.memory_space<vmem>>
          %dma_wait3A_256 = arith.constant 0 : i32
          %dma_wait3A_257 = tpu.memref_slice %arg8[%add3A_207, %dma_wait3A_256] : memref<100480x8xf32, #tpu.memory_space<vmem_shared>> -> memref<392x8xf32, #tpu.memory_space<vmem_shared>>
          %dma_wait3A_258 = arith.constant 0 : i32
          %dma_wait3A_259 = tpu.memref_slice %arg8[%add3A_207, %dma_wait3A_258] : memref<100480x8xf32, #tpu.memory_space<vmem_shared>> -> memref<392x8xf32, #tpu.memory_space<vmem_shared>>
          %dma_wait3A_260 = arith.constant 0 : i32
          %dma_wait3A_261 = arith.constant 0 : i32
          %dma_wait3A_262 = tpu.memref_slice %arg20[%dma_wait3A_260, %dma_wait3A_261] : memref<392x8xf32, #tpu.memory_space<vmem>> -> memref<392x8xf32, #tpu.memory_space<vmem>>
          tpu.wait_dma2 semaphore(%run_scoped3A_242 : memref<!tpu.dma_semaphore, #tpu.memory_space<semaphore_mem>>) src(%dma_wait3A_262 : memref<392x8xf32, #tpu.memory_space<vmem>>) dst(%dma_wait3A_259 : memref<392x8xf32, #tpu.memory_space<vmem_shared>>)
          tpu.yield
        }) : () -> ()
        %dma_wait3A_215 = arith.constant 1 : i32
        %dma_wait3A_216 = arith.constant 0 : i32
        %dma_wait3A_217 = arith.constant 0 : i32
        %dma_wait3A_218 = tpu.memref_slice %arg14[%dma_wait3A_215, %dma_wait3A_216, %dma_wait3A_217] : memref<2x392x8xf32, #tpu.memory_space<vmem>> -> memref<1x392x8xf32, #tpu.memory_space<vmem>>
        %dma_wait3A_219 = tpu.memref_squeeze %dma_wait3A_218 : memref<1x392x8xf32, #tpu.memory_space<vmem>> -> memref<392x8xf32, #tpu.memory_space<vmem>>
        %dma_wait3A_220 = arith.constant 0 : i32
        %dma_wait3A_221 = tpu.memref_slice %arg2[%arg0, %add3A_207, %dma_wait3A_220] : memref<2x100352x8xf32, #tpu.memory_space<hbm>> -> memref<1x392x8xf32, #tpu.memory_space<hbm>>
        %dma_wait3A_222 = tpu.memref_squeeze %dma_wait3A_221 : memref<1x392x8xf32, #tpu.memory_space<hbm>> -> memref<392x8xf32, #tpu.memory_space<hbm>>
        %dma_wait3A_223 = arith.constant 0 : i32
        %dma_wait3A_224 = arith.constant 0 : i32
        %dma_wait3A_225 = tpu.memref_slice %arg14[%dma_wait3A_215, %dma_wait3A_223, %dma_wait3A_224] : memref<2x392x8xf32, #tpu.memory_space<vmem>> -> memref<1x392x8xf32, #tpu.memory_space<vmem>>
        %dma_wait3A_226 = tpu.memref_squeeze %dma_wait3A_225 : memref<1x392x8xf32, #tpu.memory_space<vmem>> -> memref<392x8xf32, #tpu.memory_space<vmem>>
        %dma_wait3A_227 = arith.constant 0 : i32
        %dma_wait3A_228 = tpu.memref_slice %arg2[%arg0, %add3A_207, %dma_wait3A_227] : memref<2x100352x8xf32, #tpu.memory_space<hbm>> -> memref<1x392x8xf32, #tpu.memory_space<hbm>>
        %dma_wait3A_229 = tpu.memref_squeeze %dma_wait3A_228 : memref<1x392x8xf32, #tpu.memory_space<hbm>> -> memref<392x8xf32, #tpu.memory_space<hbm>>
        tpu.wait_dma2 semaphore(%arg15 : memref<!tpu.dma_semaphore, #tpu.memory_space<semaphore_mem>>) src(%dma_wait3A_229 : memref<392x8xf32, #tpu.memory_space<hbm>>) dst(%dma_wait3A_226 : memref<392x8xf32, #tpu.memory_space<vmem>>)
        %scan3A_230 = arith.constant 0 : i32
        %scan3A_231 = arith.constant 98 : i32
        %scan3A_232 = arith.addi %scan3A_230, %scan3A_231 : i32
        %scan3A_233 = arith.constant 1 : i32
        scf.for %scan3A_242 = %scan3A_230 to %scan3A_232 step %scan3A_233  : i32 {
          %mul3A_243 = arith.constant 4 : i32
          %mul3A_244 = arith.muli %mul3A_243, %scan3A_242 : i32
          %add3A_245 = arith.constant 0 : i32
          %add3A_246 = arith.addi %mul3A_244, %add3A_245 : i32
          %add3A_247 = vector.broadcast %add3A_246 : i32 to vector<16xi32>
          %add3A_248 = arith.addi %add3A_247, %shift_right_arithmetic3A_1 : vector<16xi32>
          %mul3A_249 = arith.constant 392 : i32
          %mul3A_250 = arith.muli %add3A_202, %mul3A_249 : i32
          %add3A_251 = vector.broadcast %mul3A_250 : i32 to vector<16xi32>
          %add3A_252 = arith.addi %add3A_251, %add3A_248 : vector<16xi32>
          %gather3A = tpu.vector_load_idx %arg9[%add3A_252] : memref<6288xf32, #tpu.memory_space<vmem>>[vector<16xi32>], vector<16xf32>,
          %gather3A_253 = tpu.vector_load_idx %arg7[%add3A_248, %and3A_3] : memref<392x8xf32, #tpu.memory_space<vmem>>[vector<16xi32>, vector<16xi32>], vector<16xf32>,
          %gather3A_254 = arith.constant 1 : i32
          %gather3A_255 = arith.constant 0 : i32
          %gather3A_256 = arith.constant 0 : i32
          %gather3A_257 = tpu.memref_slice %arg14[%gather3A_254, %gather3A_255, %gather3A_256] : memref<2x392x8xf32, #tpu.memory_space<vmem>> -> memref<1x392x8xf32, #tpu.memory_space<vmem>>
          %gather3A_258 = tpu.memref_squeeze %gather3A_257 : memref<1x392x8xf32, #tpu.memory_space<vmem>> -> memref<392x8xf32, #tpu.memory_space<vmem>>
          %gather3A_259 = tpu.vector_load_idx %gather3A_258[%add3A_248, %and3A_3] : memref<392x8xf32, #tpu.memory_space<vmem>>[vector<16xi32>, vector<16xi32>], vector<16xf32>,
          %mul3A_260 = arith.constant 1.000000e-01 : f32
          %mul3A_261 = vector.broadcast %mul3A_260 : f32 to vector<16xf32>
          %mul3A_262 = arith.mulf %mul3A_261, %gather3A_259 : vector<16xf32>
          %mul3A_263 = arith.constant 0.899999976 : f32
          %mul3A_264 = vector.broadcast %mul3A_263 : f32 to vector<16xf32>
          %mul3A_265 = arith.mulf %mul3A_264, %gather3A : vector<16xf32>
          %mul3A_266 = arith.mulf %mul3A_265, %gather3A_253 : vector<16xf32>
          %add3A_267 = arith.addf %mul3A_262, %mul3A_266 : vector<16xf32>
          %max3A = arith.constant 0.000000e+00 : f32
          %max3A_268 = vector.broadcast %max3A : f32 to vector<16xf32>
          %max3A_269 = arith.maximumf %add3A_267, %max3A_268 : vector<16xf32>
          %min3A = arith.constant 1.000000e+00 : f32
          %min3A_270 = vector.broadcast %min3A : f32 to vector<16xf32>
          %min3A_271 = arith.minimumf %max3A_269, %min3A_270 : vector<16xf32>
          tpu.vector_store_idx %arg7[%add3A_248, %and3A_3], %min3A_271 : memref<392x8xf32, #tpu.memory_space<vmem>>[vector<16xi32>, vector<16xi32>], vector<16xf32>,
          %mul3A_272 = arith.mulf %min3A_271, %gather3A : vector<16xf32>
          %scatter3A = arith.constant 1 : i32
          %scatter3A_273 = arith.constant 0 : i32
          %scatter3A_274 = arith.constant 0 : i32
          %scatter3A_275 = tpu.memref_slice %arg14[%scatter3A, %scatter3A_273, %scatter3A_274] : memref<2x392x8xf32, #tpu.memory_space<vmem>> -> memref<1x392x8xf32, #tpu.memory_space<vmem>>
          %scatter3A_276 = tpu.memref_squeeze %scatter3A_275 : memref<1x392x8xf32, #tpu.memory_space<vmem>> -> memref<392x8xf32, #tpu.memory_space<vmem>>
          tpu.vector_store_idx %scatter3A_276[%add3A_248, %and3A_3], %mul3A_272 : memref<392x8xf32, #tpu.memory_space<vmem>>[vector<16xi32>, vector<16xi32>], vector<16xf32>,
          %mul3A_277 = arith.constant 4 : i32
          %mul3A_278 = arith.muli %mul3A_277, %scan3A_242 : i32
          %add3A_279 = arith.constant 2 : i32
          %add3A_280 = arith.addi %mul3A_278, %add3A_279 : i32
          %add3A_281 = vector.broadcast %add3A_280 : i32 to vector<16xi32>
          %add3A_282 = arith.addi %add3A_281, %shift_right_arithmetic3A_1 : vector<16xi32>
          %mul3A_283 = arith.constant 392 : i32
          %mul3A_284 = arith.muli %add3A_202, %mul3A_283 : i32
          %add3A_285 = vector.broadcast %mul3A_284 : i32 to vector<16xi32>
          %add3A_286 = arith.addi %add3A_285, %add3A_282 : vector<16xi32>
          %gather3A_287 = tpu.vector_load_idx %arg9[%add3A_286] : memref<6288xf32, #tpu.memory_space<vmem>>[vector<16xi32>], vector<16xf32>,
          %gather3A_288 = tpu.vector_load_idx %arg7[%add3A_282, %and3A_3] : memref<392x8xf32, #tpu.memory_space<vmem>>[vector<16xi32>, vector<16xi32>], vector<16xf32>,
          %gather3A_289 = arith.constant 1 : i32
          %gather3A_290 = arith.constant 0 : i32
          %gather3A_291 = arith.constant 0 : i32
          %gather3A_292 = tpu.memref_slice %arg14[%gather3A_289, %gather3A_290, %gather3A_291] : memref<2x392x8xf32, #tpu.memory_space<vmem>> -> memref<1x392x8xf32, #tpu.memory_space<vmem>>
          %gather3A_293 = tpu.memref_squeeze %gather3A_292 : memref<1x392x8xf32, #tpu.memory_space<vmem>> -> memref<392x8xf32, #tpu.memory_space<vmem>>
          %gather3A_294 = tpu.vector_load_idx %gather3A_293[%add3A_282, %and3A_3] : memref<392x8xf32, #tpu.memory_space<vmem>>[vector<16xi32>, vector<16xi32>], vector<16xf32>,
          %mul3A_295 = arith.constant 1.000000e-01 : f32
          %mul3A_296 = vector.broadcast %mul3A_295 : f32 to vector<16xf32>
          %mul3A_297 = arith.mulf %mul3A_296, %gather3A_294 : vector<16xf32>
          %mul3A_298 = arith.constant 0.899999976 : f32
          %mul3A_299 = vector.broadcast %mul3A_298 : f32 to vector<16xf32>
          %mul3A_300 = arith.mulf %mul3A_299, %gather3A_287 : vector<16xf32>
          %mul3A_301 = arith.mulf %mul3A_300, %gather3A_288 : vector<16xf32>
          %add3A_302 = arith.addf %mul3A_297, %mul3A_301 : vector<16xf32>
          %max3A_303 = arith.constant 0.000000e+00 : f32
          %max3A_304 = vector.broadcast %max3A_303 : f32 to vector<16xf32>
          %max3A_305 = arith.maximumf %add3A_302, %max3A_304 : vector<16xf32>
          %min3A_306 = arith.constant 1.000000e+00 : f32
          %min3A_307 = vector.broadcast %min3A_306 : f32 to vector<16xf32>
          %min3A_308 = arith.minimumf %max3A_305, %min3A_307 : vector<16xf32>
          tpu.vector_store_idx %arg7[%add3A_282, %and3A_3], %min3A_308 : memref<392x8xf32, #tpu.memory_space<vmem>>[vector<16xi32>, vector<16xi32>], vector<16xf32>,
          %mul3A_309 = arith.mulf %min3A_308, %gather3A_287 : vector<16xf32>
          %scatter3A_310 = arith.constant 1 : i32
          %scatter3A_311 = arith.constant 0 : i32
          %scatter3A_312 = arith.constant 0 : i32
          %scatter3A_313 = tpu.memref_slice %arg14[%scatter3A_310, %scatter3A_311, %scatter3A_312] : memref<2x392x8xf32, #tpu.memory_space<vmem>> -> memref<1x392x8xf32, #tpu.memory_space<vmem>>
          %scatter3A_314 = tpu.memref_squeeze %scatter3A_313 : memref<1x392x8xf32, #tpu.memory_space<vmem>> -> memref<392x8xf32, #tpu.memory_space<vmem>>
          tpu.vector_store_idx %scatter3A_314[%add3A_282, %and3A_3], %mul3A_309 : memref<392x8xf32, #tpu.memory_space<vmem>>[vector<16xi32>, vector<16xi32>], vector<16xf32>,
        }
        %scan3A_234 = arith.constant 98 : i32
        %run_scoped3A_235 = arith.constant 1 : i32
        "tpu.region"() ({
          %run_scoped3A_242 = tpu.sem_alloc : memref<!tpu.dma_semaphore, #tpu.memory_space<semaphore_mem>>
          %dma_start3A_243 = arith.constant 0 : i32
          %dma_start3A_244 = arith.constant 0 : i32
          %dma_start3A_245 = tpu.memref_slice %arg14[%run_scoped3A_235, %dma_start3A_243, %dma_start3A_244] : memref<2x392x8xf32, #tpu.memory_space<vmem>> -> memref<1x392x8xf32, #tpu.memory_space<vmem>>
          %dma_start3A_246 = tpu.memref_squeeze %dma_start3A_245 : memref<1x392x8xf32, #tpu.memory_space<vmem>> -> memref<392x8xf32, #tpu.memory_space<vmem>>
          %dma_start3A_247 = arith.constant 0 : i32
          %dma_start3A_248 = tpu.memref_slice %arg19[%add3A_207, %dma_start3A_247] : memref<100480x8xf32, #tpu.memory_space<vmem_shared>> -> memref<392x8xf32, #tpu.memory_space<vmem_shared>>
          %dma_start3A_249 = arith.constant 0 : i32
          %dma_start3A_250 = tpu.memref_slice %arg19[%add3A_207, %dma_start3A_249] : memref<100480x8xf32, #tpu.memory_space<vmem_shared>> -> memref<392x8xf32, #tpu.memory_space<vmem_shared>>
          %dma_start3A_251 = arith.constant 0 : i32
          %dma_start3A_252 = arith.constant 0 : i32
          %dma_start3A_253 = tpu.memref_slice %arg14[%run_scoped3A_235, %dma_start3A_251, %dma_start3A_252] : memref<2x392x8xf32, #tpu.memory_space<vmem>> -> memref<1x392x8xf32, #tpu.memory_space<vmem>>
          %dma_start3A_254 = tpu.memref_squeeze %dma_start3A_253 : memref<1x392x8xf32, #tpu.memory_space<vmem>> -> memref<392x8xf32, #tpu.memory_space<vmem>>
          tpu.enqueue_dma source(%dma_start3A_254 : memref<392x8xf32, #tpu.memory_space<vmem>>) target(%dma_start3A_250 : memref<392x8xf32, #tpu.memory_space<vmem_shared>>) target_semaphore(%run_scoped3A_242 : memref<!tpu.dma_semaphore, #tpu.memory_space<semaphore_mem>>)
          %dma_wait3A_255 = arith.constant 0 : i32
          %dma_wait3A_256 = arith.constant 0 : i32
          %dma_wait3A_257 = tpu.memref_slice %arg14[%run_scoped3A_235, %dma_wait3A_255, %dma_wait3A_256] : memref<2x392x8xf32, #tpu.memory_space<vmem>> -> memref<1x392x8xf32, #tpu.memory_space<vmem>>
          %dma_wait3A_258 = tpu.memref_squeeze %dma_wait3A_257 : memref<1x392x8xf32, #tpu.memory_space<vmem>> -> memref<392x8xf32, #tpu.memory_space<vmem>>
          %dma_wait3A_259 = arith.constant 0 : i32
          %dma_wait3A_260 = tpu.memref_slice %arg19[%add3A_207, %dma_wait3A_259] : memref<100480x8xf32, #tpu.memory_space<vmem_shared>> -> memref<392x8xf32, #tpu.memory_space<vmem_shared>>
          %dma_wait3A_261 = arith.constant 0 : i32
          %dma_wait3A_262 = tpu.memref_slice %arg19[%add3A_207, %dma_wait3A_261] : memref<100480x8xf32, #tpu.memory_space<vmem_shared>> -> memref<392x8xf32, #tpu.memory_space<vmem_shared>>
          %dma_wait3A_263 = arith.constant 0 : i32
          %dma_wait3A_264 = arith.constant 0 : i32
          %dma_wait3A_265 = tpu.memref_slice %arg14[%run_scoped3A_235, %dma_wait3A_263, %dma_wait3A_264] : memref<2x392x8xf32, #tpu.memory_space<vmem>> -> memref<1x392x8xf32, #tpu.memory_space<vmem>>
          %dma_wait3A_266 = tpu.memref_squeeze %dma_wait3A_265 : memref<1x392x8xf32, #tpu.memory_space<vmem>> -> memref<392x8xf32, #tpu.memory_space<vmem>>
          tpu.wait_dma2 semaphore(%run_scoped3A_242 : memref<!tpu.dma_semaphore, #tpu.memory_space<semaphore_mem>>) src(%dma_wait3A_266 : memref<392x8xf32, #tpu.memory_space<vmem>>) dst(%dma_wait3A_262 : memref<392x8xf32, #tpu.memory_space<vmem_shared>>)
          tpu.yield
        }) : () -> ()
        %sub3A_236 = arith.constant 1 : i32
        %sub3A_237 = arith.subi %reduce_max3A_23, %sub3A_236 : i32
        %eq3A_238 = arith.cmpi eq, %while3A_84, %sub3A_237 : i32
        %convert_element_type3A_239 = arith.extui %eq3A_238 : i1 to i32
        %cond3A_240 = arith.constant 0 : i32
        %cond3A_241 = arith.cmpi ne, %convert_element_type3A_239, %cond3A_240 : i32
        scf.if %cond3A_241 {
          "tpu.region"() ({
            %run_scoped3A_242 = tpu.sem_alloc : memref<!tpu.dma_semaphore, #tpu.memory_space<semaphore_mem>>
            %dma_start3A_243 = arith.constant 0 : i32
            %dma_start3A_244 = tpu.memref_slice %arg6[%arg0, %add3A_207, %dma_start3A_243] : memref<2x100352x8xf32, #tpu.memory_space<hbm>> -> memref<1x392x8xf32, #tpu.memory_space<hbm>>
            %dma_start3A_245 = tpu.memref_squeeze %dma_start3A_244 : memref<1x392x8xf32, #tpu.memory_space<hbm>> -> memref<392x8xf32, #tpu.memory_space<hbm>>
            %dma_start3A_246 = arith.constant 0 : i32
            %dma_start3A_247 = tpu.memref_slice %arg6[%arg0, %add3A_207, %dma_start3A_246] : memref<2x100352x8xf32, #tpu.memory_space<hbm>> -> memref<1x392x8xf32, #tpu.memory_space<hbm>>
            %dma_start3A_248 = tpu.memref_squeeze %dma_start3A_247 : memref<1x392x8xf32, #tpu.memory_space<hbm>> -> memref<392x8xf32, #tpu.memory_space<hbm>>
            tpu.enqueue_dma source(%arg7 : memref<392x8xf32, #tpu.memory_space<vmem>>) target(%dma_start3A_248 : memref<392x8xf32, #tpu.memory_space<hbm>>) target_semaphore(%run_scoped3A_242 : memref<!tpu.dma_semaphore, #tpu.memory_space<semaphore_mem>>)
            %dma_wait3A_249 = arith.constant 0 : i32
            %dma_wait3A_250 = tpu.memref_slice %arg6[%arg0, %add3A_207, %dma_wait3A_249] : memref<2x100352x8xf32, #tpu.memory_space<hbm>> -> memref<1x392x8xf32, #tpu.memory_space<hbm>>
            %dma_wait3A_251 = tpu.memref_squeeze %dma_wait3A_250 : memref<1x392x8xf32, #tpu.memory_space<hbm>> -> memref<392x8xf32, #tpu.memory_space<hbm>>
            %dma_wait3A_252 = arith.constant 0 : i32
            %dma_wait3A_253 = tpu.memref_slice %arg6[%arg0, %add3A_207, %dma_wait3A_252] : memref<2x100352x8xf32, #tpu.memory_space<hbm>> -> memref<1x392x8xf32, #tpu.memory_space<hbm>>
            %dma_wait3A_254 = tpu.memref_squeeze %dma_wait3A_253 : memref<1x392x8xf32, #tpu.memory_space<hbm>> -> memref<392x8xf32, #tpu.memory_space<hbm>>
            tpu.wait_dma2 semaphore(%run_scoped3A_242 : memref<!tpu.dma_semaphore, #tpu.memory_space<semaphore_mem>>) src(%arg7 : memref<392x8xf32, #tpu.memory_space<vmem>>) dst(%dma_wait3A_254 : memref<392x8xf32, #tpu.memory_space<hbm>>)
            tpu.yield
          }) : () -> ()
        } else {
        }
      }
      %scan3A_158 = arith.constant 8 : i32
      %barrier3A_159 = arith.constant 0 : index
      tpu.barrier barrier_id(%barrier3A_159)
    }
    return
  }
}

</mosaic_0001>

<sc_bundles>
// kernel: kernel.3.cloned.1.call-start
scs
__scs_entry_jumppad:
0x0: {  	(pc) =	sbr.rel $0x88, $3  }
0x1: {  	(tag) =	ssettag $0x0;
	lr =	simm.s32 $0x1  }
0x2: {  	[smem:$0x3F9E] =	sst lr;
	_ =	strace $0xD0000000  }
0x3: {  	_ = 	snop  }
0x4: {  	_ = 	snop  }
0x5: {  	_ = 	snop  }
0x6: {  	_ = 	snop  }
0x7: {  	_ = 	snop  }
__scs_overlays_trampoline_lowered:
0x8: {  	[smem:$0x3FAD] =	sst s0  }
0x9: {  	[smem:$0x3FAE] =	sst s1  }
0xa: {  	[smem:$0x3FAF] =	sst s2  }
0xb: {  	[smem:$0x3FB0] =	sst s3  }
0xc: {  	[smem:$0x3FB1] =	sst s4  }
0xd: {  	[smem:$0x3FB2] =	sst s5  }
0xe: {  	[smem:$0x3FB3] =	sst s6  }
0xf: {  	[smem:$0x3FB4] =	sst s7  }
0x10: {  	[smem:$0x3FB5] =	sst s8  }
0x11: {  	[smem:$0x3FB6] =	sst s9;
	s0 =	simm.s32 @!p0 $0x0  }
0x12: {  	s1 =	sld [smem:$0x3F9C];
	s0 =	simm.s32 @p0 $0x1  }
0x13: {  	[smem:$0x3FB7] =	sst s0;
	s0 =	simm.s32 @!p1 $0x0  }
0x14: {  	s2 =	sld [smem:$0x3F9B];
	s0 =	simm.s32 @p1 $0x1  }
0x15: {  	[smem:$0x3FB8] =	sst s0;
	s0 =	simm.s32 @!p2 $0x0  }
0x16: {  	s3 =	sld [smem:$0x3FDB];
	s0 =	simm.s32 @p2 $0x1  }
0x17: {  	s4 =	simm.s32 $0x1BF5;
	[smem:$0x3FBA] =	sst s0  }
0x18: {  	s0 =	sld [smem:$0x3F9D];
	_ =	swait.ge [sflag:s4], $0x0  }
0x19: {  	s7 =	sld [smem:$0x3F9E]  }
0x1a: {  	s8 =	sadd.s32 $0xFFFFE003, lr  }
0x1b: {  	s9 =	sadd.s32 $0xFFFFFEF7, lr;
	s5 =	simm.s32 $0xFFFFFFFF;
	p2 =	slt.u32 s8, $0xFFFFF086  }
0x1c: {  	p1 =	slt.u32 s9, $0xF7A;
	s5 =	simm.s32 @!p2 $0x0  }
0x1d: {  	s5 =	simm.s32 @p1 $0x1;
	p0 =	seq.s32 s7, s2  }
0x1e: {  	s7 =	smul.u32 @!p0 $0xF7A, s2;
	p2 =	seq.s32 @!p0 s5, $0x0  }
0x1f: {  	s9 =	smul.u32 $0xF7A, s1;
	s8 =	simm.s32 @!p0 $0x1BF5;
	p2 =	por !p2, p0  }
0x20: {  	[sflag:s8] =	ssyncset.s32 @!p0 $0xFFFFF086;
	s6 =	sadd.s32 @!p0 s3, s7;
	s7 =	simm.s32 @!p0 $0x108  }
0x21: {  	s3 =	sadd.s32 s3, s9;
	s6 =	sadd.s32 @!p0 $0x88, s6;
	s7 =	simm.s32 @p2 $0x1082  }
0x22: {  	[simem:s7], [sflag:s8] =	dma.local @!p0 [hbm:s6], $0xF7A  }
0x23: {  	s9 =	sor.u32 $0xD0000000, s2;
	s6 =	simm.s32 $0x108;
	_ =	swait.ge @!p0 [sflag:s8], $0x0  }
0x24: {  	s3 =	sadd.s32 $0x88, s3;
	s6 =	simm.s32 @!p1 $0x1082;
	[sflag:s4] =	ssyncset.s32 $0xFFFFF086  }
0x25: {  	[simem:s6], [sflag:s4] =	dma.local [hbm:s3], $0xF7A  }
0x26: {  	[smem:$0x3F9E] =	sst s1;
	(tag) =	ssettag s2;
	_ =	strace s9  }
0x27: {  	s1 =	sld [smem:$0x3FAE]  }
0x28: {  	s2 =	sld [smem:$0x3FAF]  }
0x29: {  	s4 =	sld [smem:$0x3FB1]  }
0x2a: {  	p0 =	seq.s32 s5, $0x0;
	s5 =	sld [smem:$0x3FB2]  }
0x2b: {  	s6 =	sld [smem:$0x3FB3]  }
0x2c: {  	s7 =	sld [smem:$0x3FB4]  }
0x2d: {  	s3 =	simm.s32 $0x108;
	s8 =	sld [smem:$0x3FB5]  }
0x2e: {  	s3 =	simm.s32 @!p0 $0x1082;
	s9 =	sld [smem:$0x3FB6]  }
0x2f: {  	lr =	sadd.s32 s0, s3;
	s0 =	sld [smem:$0x3FAD]  }
0x30: {  	s3 =	sld [smem:$0x3FB0]  }
0x31: {  	[smem:$0x3FB9] =	sst s10  }
0x32: {  	s10 =	sld [smem:$0x3FB7];
	_ =	sdelay $0x3  }
0x33: {  	p0 =	seq.s32 s10, $0x1;
	s10 =	sld [smem:$0x3FB9];
	_ =	sdelay $0x3  }
0x34: {  	[smem:$0x3FB9] =	sst s10  }
0x35: {  	s10 =	sld [smem:$0x3FB8];
	_ =	sdelay $0x3  }
0x36: {  	p1 =	seq.s32 s10, $0x1;
	s10 =	sld [smem:$0x3FB9];
	_ =	sdelay $0x3  }
0x37: {  	[smem:$0x3FB9] =	sst s10  }
0x38: {  	s10 =	sld [smem:$0x3FBA]  }
0x39: {  	_ = 	snop;
	(pc) =	sbr.ind lr, $3  }
0x3a: {  	_ = 	snop  }
0x3b: {  	_ = 	snop  }
0x3c: {  	p2 =	seq.s32 s10, $0x1;
	s10 =	sld [smem:$0x3FB9]  }
0x3d: {  	_ =	shalt  }
0x3e: {  	_ =	shalt  }
0x3f: {  	_ =	shalt  }
0x40: {  	_ =	shalt  }
0x41: {  	_ =	shalt  }
0x42: {  	_ =	shalt  }
0x43: {  	_ =	shalt  }
0x44: {  	_ =	shalt  }
0x45: {  	_ =	shalt  }
0x46: {  	_ =	shalt  }
0x47: {  	_ =	shalt  }
0x48: {  	_ =	shalt  }
0x49: {  	_ =	shalt  }
0x4a: {  	_ =	shalt  }
0x4b: {  	_ =	shalt  }
0x4c: {  	_ =	shalt  }
0x4d: {  	_ =	shalt  }
0x4e: {  	_ =	shalt  }
0x4f: {  	_ =	shalt  }
0x50: {  	_ =	shalt  }
0x51: {  	_ =	shalt  }
0x52: {  	_ =	shalt  }
0x53: {  	_ =	shalt  }
0x54: {  	_ =	shalt  }
0x55: {  	_ =	shalt  }
0x56: {  	_ =	shalt  }
0x57: {  	_ =	shalt  }
0x58: {  	_ =	shalt  }
0x59: {  	_ =	shalt  }
0x5a: {  	_ =	shalt  }
0x5b: {  	_ =	shalt  }
0x5c: {  	_ =	shalt  }
0x5d: {  	_ =	shalt  }
0x5e: {  	_ =	shalt  }
0x5f: {  	_ =	shalt  }
0x60: {  	_ =	shalt  }
0x61: {  	_ =	shalt  }
0x62: {  	_ =	shalt  }
0x63: {  	_ =	shalt  }
0x64: {  	_ =	shalt  }
0x65: {  	_ =	shalt  }
0x66: {  	_ =	shalt  }
0x67: {  	_ =	shalt  }
0x68: {  	_ =	shalt  }
0x69: {  	_ =	shalt  }
0x6a: {  	_ =	shalt  }
0x6b: {  	_ =	shalt  }
0x6c: {  	_ =	shalt  }
0x6d: {  	_ =	shalt  }
0x6e: {  	_ =	shalt  }
0x6f: {  	_ =	shalt  }
0x70: {  	_ =	shalt  }
0x71: {  	_ =	shalt  }
0x72: {  	_ =	shalt  }
0x73: {  	_ =	shalt  }
0x74: {  	_ =	shalt  }
0x75: {  	_ =	shalt  }
0x76: {  	_ =	shalt  }
0x77: {  	_ =	shalt  }
0x78: {  	_ =	shalt  }
0x79: {  	_ =	shalt  }
0x7a: {  	_ =	shalt  }
0x7b: {  	_ =	shalt  }
0x7c: {  	_ =	shalt  }
0x7d: {  	_ =	shalt  }
0x7e: {  	_ =	shalt  }
0x7f: {  	_ =	shalt  }
0x80: {  	_ =	shalt  }
0x81: {  	_ =	shalt  }
0x82: {  	_ =	shalt  }
0x83: {  	_ =	shalt  }
0x84: {  	_ =	shalt  }
0x85: {  	_ =	shalt  }
0x86: {  	_ =	shalt  }
0x87: {  	_ =	shalt  }
.Lfunc_end0:
.L_simem_size_0:
called_computation_lowered:
.L_overlay_start_0:
0x88: {  	s2 =	sld [smem:$0x3FD9]  }
0x89: {  	s3 =	sld [smem:$0x3FFE];
	_ =	sdelay $0x1  }
0x8a: {  	s1 =	srdreg.scid  }
0x8b: {  	s0 =	sand.u32 $0x1, s1  }
0x8c: {  	s17 =	sshll.u32 s0, $0xA;
	s2 =	sadd.s32 s3, s2  }
0x8d: {  	s2 =	sadd.s32 s2, s17  }
0x8e: {  	[smem:$0x3FC5] =	sst s2  }
0x8f: {  	_ = 	snop  }
0x90: {  	s2 =	sld [smem:$0x3FD0];
	(tm) =	ssettm $0x1  }
0x91: {  	s18 =	sld [smem:$0x3FFB];
	_ =	sdelay $0x3  }
0x92: {  	_ =	strace s18  }
0x93: {  	s3 =	sld [smem:$0x3FFC];
	_ =	sdelay $0x3  }
0x94: {  	_ =	strace s3  }
0x95: {  	s3 =	sld [smem:$0x3FFD];
	_ =	sdelay $0x3  }
0x96: {  	_ =	strace s3  }
0x97: {  	_ =	strace $0x8FFFFFFF  }
0x98: {  	s19 =	sld [smem:$0x3FDB];
	_ =	sdelay $0x1  }
0x99: {  	s4 =	simm.s32 $_scs_section_size  }
0x9a: {  	s5 =	simm.s32 $_size__tile_overlayer_lowered;
	s6 =	simm.s32 $_tile_overlayer_lowered  }
0x9b: {  	s22 =	simm.s32 $0x1BFF;
	s21 =	sshll.u32 s6, $0x1;
	s3 =	sadd.s32 s4, s19  }
0x9c: {  	s7 =	simm.s32 $0x0;
	s20 =	sshll.u32 s5, $0x1;
	s5 =	sadd.s32 s21, s3  }
0x9d: {  	[timem:s7], [sflag:s22] =	dma.local [hbm:s5], s20  }
0x9e: {  	_ =	swait.ge [sflag:s22], s20  }
0x9f: {  	s4 =	ssub.s32 $0x0, s20;
	[sflag:s22] =	ssyncset.done $0x0  }
0xa0: {  	[sflag:s22] =	ssyncadd.s32 s4;
	_ =	sdelay $0x1  }
0xa1: {  	s23 =	simm.s32 $0x1B8B  }
0xa2: {  	_ =	swait.ge [sflag:s23], $0x1  }
0xa3: {  	[sflag:s23] =	ssyncset.done $0x0  }
0xa4: {  	s25 =	simm.s32 $0x1B8E;
	s24 =	sld [smem:$0x3FFE];
	[sflag:s23] =	ssyncadd.s32 $0xFFFFFFFF  }
0xa5: {  	s26 =	simm.s32 $execute0_lowered;
	[smem:$0x3FD2] =	sst s25  }
0xa6: {  	s5 =	sshll.u32 s26, $0x1;
	_ =	strace $0x80000046;
	[dreg:$0x1] =	wrdreg $0xFFFFFFFF  }
0xa7: {  	s28 =	simm.s32 $_size_execute0_lowered;
	s3 =	sadd.s32 s3, s5;
	[dreg:$0x0] =	wrdreg $0x0  }
0xa8: {  	s5 =	sshll.u32 s28, $0x1;
	[dreg:$0x2] =	wrdreg s3  }
0xa9: {  	[dreg:$0x3] =	wrdreg s5  }
0xaa: {  	[dreg:$0x4] =	wrdreg $0xC0  }
0xab: {  	_ =	task [dreg:s7], $0x5FFFF  }
0xac: {  	[dreg:$0x1] =	wrdreg $0xFFFFFFFF  }
0xad: {  	[dreg:$0x0] =	wrdreg $0x60  }
0xae: {  	[dreg:$0x2] =	wrdreg s24  }
0xaf: {  	[dreg:$0x3] =	wrdreg s2  }
0xb0: {  	[dreg:$0x4] =	wrdreg $0xC400  }
0xb1: {  	[dreg:$0x5] =	wrdreg $0x129A00  }
0xb2: {  	[dreg:$0x6] =	wrdreg $0x9  }
0xb3: {  	_ =	task.clear_ibuf [dreg:s7], $0x7FFFF;
	_ =	strace $0x90000046  }
0xb4: {  	s29 =	simm.s32 $0x9;
	_ =	strace $0x80000048  }
0xb5: {  	_ =	swait.ge [sflag:s29], $0x1  }
0xb6: {  	[sflag:s29] =	ssyncadd.s32 $0xFFFFFFFF  }
0xb7: {  	_ =	strace $0x90000048  }
0xb8: {  	_ =	sfence  }
0xb9: {  	s30 =	sld [smem:$0x0];
	_ =	sdelay $0x2  }
0xba: {  	s31 =	sshll.u32 s1, $0xD;
	s1 =	sshrl.u32 s1, $0x2  }
0xbb: {  	s3 =	sand.u32 $0x4000, s31;
	s1 =	sadd.s32 s1, s30  }
0xbc: {  	s0 =	sor.u32 s3, s0;
	s1 =	sshll.u32 s1, $0x11  }
0xbd: {  	s0 =	sor.u32 s1, s0  }
0xbe: {  	s0 =	sadd.s32 $0x8F2B, s0  }
0xbf: {  	[sflag:s0] =	ssyncadd.remote.s32 $0x1  }
0xc0: {  	_ =	sfence.sel $0xFFFF  }
0xc1: {  	[dreg:$0x0] =	wrdreg $0xFFFFFFFF;
	(pc) =	sbr.abs _section_cstart, $3  }
0xc2: {  	[dreg:$0x1] =	wrdreg $0xFFFFFFFF  }
0xc3: {  	_ =	task.clear_ibuf [dreg:s7], $0x2FFFF;
	_ =	strace $0x9FFFFFFF  }
0xc4: {  	(tm) =	ssettm $0x7FFFFFFF  }
0xc5: {  	_ =	shalt  }
tec
execute0_lowered:
.L_overlay_start_1:
0x0: {  	(tag) =	ssettag $0x1  }
0x1: {  	s0 =	rddreg [dreg:$0x0]  }
0x2: {  	s2 =	rddreg [dreg:$0x2]  }
0x3: {  	s3 =	rddreg [dreg:$0x3];
	s4 =	simm.s32 $0x0;
	s5 =	srdreg.scid  }
0x4: {  	s6 =	stileid.u32;
	[smem:$0x7FF] =	sst s4  }
0x5: {  	s13 =	sadd.s32 $0x310400, s0;
	s1 =	sadd.s32 $0x31400, s0;
	s7 =	sadd.s32 $0x400, s0  }
0x6: {  	s5 =	sand.u32 $0x1, s5;
	s8 =	smul.u32 $0x31100, s6;
	s26 =	sadd.s32 $0xC4000, s3  }
0x7: {  	s9 =	smul.u32 $0x3100, s6;
	_ =	strace $0x80000047;
	[dreg:$0x9] =	wrdreg s26  }
0x8: {  	s15 =	sadd.s32 $0x62400, s0;
	s24 =	smul.u32 $0xC400, s6;
	[dreg:$0x5] =	wrdreg s13  }
0x9: {  	s23 =	ssub.s32 $0x2, s5;
	s12 =	smul.u32 $0xC4000, s5;
	[dreg:$0x6] =	wrdreg s15  }
0xa: {  	s10 =	sshrl.u32 s23, $0x1;
	s8 =	sshrl.u32 s8, $0x2;
	s19 =	sor.u32 $0x40, s9  }
0xb: {  	s20 =	sor.u32 $0x80, s9;
	s0 =	ssub.s32 s23, s10;
	s21 =	sadd.s32 s7, s19  }
0xc: {  	s16 =	sadd.s32 s8, s2;
	s23 =	sadd.s32 s7, s20;
	[dreg:$0xd] =	wrdreg s21  }
0xd: {  	s8 =	sadd.s32 s24, s12;
	s24 =	sadd.s32 s1, s20;
	[dreg:$0xe] =	wrdreg s23  }
0xe: {  	s5 =	smul.u32 $0x18800, s5;
	s17 =	sshrl.u32 s12, $0x3;
	[dreg:$0x10] =	wrdreg s24  }
0xf: {  	[dreg:$0xb] =	wrdreg s17  }
0x10: {  	s22 =	sadd.s32 s13, s5;
	[dreg:$0x7] =	wrdreg s16  }
0x11: {  	s25 =	sadd.s32 $0xC400, s16;
	[dreg:$0xa] =	wrdreg s22  }
0x12: {  	s30 =	simm.s32 $0x1EDE0;
	s26 =	sadd.s32 s15, s17;
	[dreg:$0x8] =	wrdreg s25  }
0x13: {  	s31 =	simm.s32 $0x109A0;
	s0 =	smax.u32 s0, $0x1;
	[dreg:$0x13] =	wrdreg s26  }
0x14: {  	s11 =	smul.u32 $0x1880, s6;
	s12 =	sadd.s32 $0x3100, s16;
	[dreg:$0x15] =	wrdreg s0  }
0x15: {  	s28 =	simm.s32 $0xD080;
	s15 =	sadd.s32 $0x4980, s16;
	[dreg:$0x19] =	wrdreg s12  }
0x16: {  	s18 =	sadd.s32 s17, s11;
	s17 =	sadd.s32 $0x55C0, s16;
	[dreg:$0x1b] =	wrdreg s15  }
0x17: {  	s29 =	simm.s32 $0xED10;
	s20 =	sadd.s32 $0x7A80, s16;
	[dreg:$0x1c] =	wrdreg s17  }
0x18: {  	p0 =	sne.s32 s6, $0x0;
	s21 =	sadd.s32 $0x86C0, s16;
	[dreg:$0x1f] =	wrdreg s20  }
0x19: {  	s14 =	sadd.s32 s1, s9;
	s23 =	sadd.s32 $0x9300, s16;
	[smem:$0x7F9] =	sst s21  }
0x1a: {  	s8 =	sshrl.u32 s8, $0x3;
	s24 =	sadd.s32 $0x9F40, s16;
	[smem:$0x7FA] =	sst s23  }
0x1b: {  	s10 =	sadd.s32 s7, s9;
	s5 =	sadd.s32 s13, s8;
	[smem:$0x7FB] =	sst s24  }
0x1c: {  	s9 =	sadd.s32 $0x30C0, s9;
	s8 =	sadd.s32 s1, s19;
	[dreg:$0xc] =	wrdreg s5  }
0x1d: {  	s1 =	sadd.s32 s1, s9;
	s25 =	sadd.s32 s7, s9;
	[dreg:$0xf] =	wrdreg s8  }
0x1e: {  	s7 =	sadd.s32 $0xC40, s16;
	s9 =	sadd.s32 $0x24C0, s16;
	[dreg:$0x11] =	wrdreg s1  }
0x1f: {  	s19 =	sadd.s32 $0x6E40, s16;
	s26 =	sadd.s32 $0xB7C0, s16;
	[dreg:$0x12] =	wrdreg s25  }
0x20: {  	s24 =	simm.s32 $0x200;
	s15 =	simm.s32 $0x1;
	[dreg:$0x16] =	wrdreg s7  }
0x21: {  	s20 =	simm.s32 $0x6;
	s21 =	simm.s32 $0x3;
	[dreg:$0x18] =	wrdreg s9  }
0x22: {  	s5 =	sadd.s32 s18, s13;
	s8 =	sadd.s32 $0x1880, s16;
	[dreg:$0x1e] =	wrdreg s19  }
0x23: {  	s13 =	sadd.s32 $0x3D40, s16;
	s18 =	sadd.s32 $0x6200, s16;
	[smem:$0x7FD] =	sst s26  }
0x24: {  	s25 =	sadd.s32 $0xAB80, s16;
	s1 =	simm.s32 $0xE910;
	[dreg:$0x17] =	wrdreg s8  }
.Ltmp0:
0x25: {  	s9 =	simm.s32 $0xEB10;
	[dreg:$0x1a] =	wrdreg s13;
	(pc) =	sbr.rel .LBB2_1-.Ltmp0, $4  }
0x26: {  	s26 =	simm.s32 $0xF110;
	s7 =	simm.s32 $0xEF10;
	[dreg:$0x1d] =	wrdreg s18  }
0x27: {  	v5 =	vlaneseq.u32;
	s19 =	simm.s32 $0xFD50;
	s5 =	sadd.s32 $0x310, s5;
	[smem:$0x7FC] =	sst s25  }
0x28: {  	v3 =	vimm.f32 $0.0e+00;
	v4 =	vimm.f32 $1.000000000e+00;
	v0 =	vshrl.u32 v5, $0x3;
	s13 =	simm.s32 $0x5;
	s8 =	simm.s32 $0x2;
	s25 =	simm.s32 $0x4  }
0x29: {  	v2 =	vand.u32 $0x7, v5;
	v5 =	vmul.u32 $0x8, v5;
	v1 =	vmul.u32 $0x8, v0;
	s18 =	simm.s32 $0x119A0;
	[dreg:$0x14] =	wrdreg s5;
	s5 =	simm.s32 $0x0  }
.LBB2_25:
0x2a: {  	s5 =	sld [smem:$0x7F8];
	_ =	sdelay $0x2  }
0x2b: {  	s0 =	rddreg [dreg:$0x15];
	s5 =	sadd.s32 $0x1, s5  }
0x2c: {  	p1 =	sne.s32 s5, s0  }
.Ltmp1:
0x2d: {  	_ = 	snop;
	(pc) =	sbr.rel @!p1 .LBB2_26-.Ltmp1, $2  }
0x2e: {  	_ =	sdelay $0x2  }
0x2f: {  	s22 =	rddreg [dreg:$0xa];
	s13 =	simm.s32 $0x5  }
.LBB2_1:
0x30: {  	s0 =	simm.s32 $0x0  }
.LBB2_2:
0x31: {  	v6 =	vmov s0  }
0x32: {  	v6 =	vshll.u32 v6, $0x3  }
0x33: {  	v6 =	vor.u32 v1, v6  }
0x34: {  	p1 =	sne.s32 s0, $0x186;
	v6 =	vor.u32 v2, v6  }
.Ltmp2:
0x35: {  	_ = 	snop;
	(pc) =	sbr.rel @p1 .LBB2_2-.Ltmp2, $2  }
0x36: {  	_ =	sdelay $0x2  }
0x37: {  	s0 =	sadd.s32 $0x2, s0;
	[tilespmem:v6+s30+$0x0] =	vst.idx.msk $0xffff, v3  }
0x38: {  	s0 =	simm.s32 $0x0  }
0x39: {  	v6 =	vmov s0  }
0x3a: {  	v6 =	vshll.u32 v6, $0x3  }
0x3b: {  	v6 =	vor.u32 v1, v6  }
0x3c: {  	[smem:$0x7F8] =	sst s5;
	s0 =	simm.s32 $0x2;
	v6 =	vor.u32 v2, v6  }
.LBB2_4:
0x3d: {  	p1 =	sne.s32 s0, $0x1FE  }
.Ltmp3:
0x3e: {  	_ = 	snop;
	(pc) =	sbr.rel @p1 .LBB2_4-.Ltmp3, $4  }
0x3f: {  	v7 =	vmov s0  }
0x40: {  	v7 =	vshll.u32 v7, $0x3  }
0x41: {  	v7 =	vor.u32 v1, v7  }
0x42: {  	s0 =	sadd.s32 $0x2, s0;
	[tilespmem:v6+s31+$0x0] =	vst.idx.msk $0xffff, v4;
	v6 =	vor.u32 v2, v7  }
0x43: {  	_ =	sdelay $0x3  }
0x44: {  	[tilespmem:v6+s31+$0x0] =	vst.idx.msk $0xffff, v4;
	s0 =	rddreg [dreg:$0x1];
	s5 =	simm.s32 $0x10990  }
0x45: {  	[tilespmem:s5], [sflag:$0x5] =	stream.linear.gather [hbm4b:s0+s4], $0x10, $0x38;
	[tilespmem:$0x1FA20] =	vst v63  }
0x46: {  	_ =	swait.ge [sflag:s13], $0x10  }
0x47: {  	[sflag:s13] =	ssyncset.done $0x0  }
0x48: {  	s17 =	rddreg [dreg:$0x7];
	[sflag:s13] =	ssyncadd.s32 $0xFFFFFFF0  }
0x49: {  	v6 =	vld [tilespmem:$0x10990];
	[spmem:s17] =	stream.linear.scatter [tilespmem:s30], [sflag:$0x5], $0xC40, $0x38  }
0x4a: {  	_ =	swait.ge [sflag:s13], $0xC40  }
0x4b: {  	[sflag:s13] =	ssyncset.done $0x0  }
0x4c: {  	s23 =	rddreg [dreg:$0x16];
	[sflag:s13] =	ssyncadd.s32 $0xFFFFF3C0  }
0x4d: {  	[spmem:s23] =	stream.linear.scatter [tilespmem:s30], [sflag:$0x5], $0xC40, $0x38;
	[tilespmem:$0x1FA20] =	vst v63  }
0x4e: {  	_ =	swait.ge [sflag:s13], $0xC40  }
0x4f: {  	[sflag:s13] =	ssyncset.done $0x0  }
0x50: {  	s5 =	rddreg [dreg:$0x17];
	[sflag:s13] =	ssyncadd.s32 $0xFFFFF3C0  }
0x51: {  	[spmem:s5] =	stream.linear.scatter [tilespmem:s30], [sflag:$0x5], $0xC40, $0x38;
	[tilespmem:$0x1FA20] =	vst v63  }
0x52: {  	_ =	swait.ge [sflag:s13], $0xC40  }
0x53: {  	[sflag:s13] =	ssyncset.done $0x0  }
0x54: {  	s6 =	rddreg [dreg:$0x18];
	[sflag:s13] =	ssyncadd.s32 $0xFFFFF3C0  }
0x55: {  	[spmem:s6] =	stream.linear.scatter [tilespmem:s30], [sflag:$0x5], $0xC40, $0x38;
	[tilespmem:$0x1FA20] =	vst v63  }
0x56: {  	_ =	swait.ge [sflag:s13], $0xC40  }
0x57: {  	[sflag:s13] =	ssyncset.done $0x0  }
0x58: {  	s12 =	rddreg [dreg:$0x19];
	[sflag:s13] =	ssyncadd.s32 $0xFFFFF3C0  }
0x59: {  	[spmem:s12] =	stream.linear.scatter [tilespmem:s30], [sflag:$0x5], $0xC40, $0x38;
	[tilespmem:$0x1FA20] =	vst v63  }
0x5a: {  	_ =	swait.ge [sflag:s13], $0xC40  }
0x5b: {  	[sflag:s13] =	ssyncset.done $0x0  }
0x5c: {  	s16 =	rddreg [dreg:$0x1a];
	[sflag:s13] =	ssyncadd.s32 $0xFFFFF3C0  }
0x5d: {  	[spmem:s16] =	stream.linear.scatter [tilespmem:s30], [sflag:$0x5], $0xC40, $0x38;
	[tilespmem:$0x1FA20] =	vst v63  }
0x5e: {  	_ =	swait.ge [sflag:s13], $0xC40  }
0x5f: {  	[sflag:s13] =	ssyncset.done $0x0  }
0x60: {  	s17 =	rddreg [dreg:$0x1b];
	[sflag:s13] =	ssyncadd.s32 $0xFFFFF3C0  }
0x61: {  	[spmem:s17] =	stream.linear.scatter [tilespmem:s30], [sflag:$0x5], $0xC40, $0x38;
	[tilespmem:$0x1FA20] =	vst v63  }
0x62: {  	_ =	swait.ge [sflag:s13], $0xC40  }
0x63: {  	[sflag:s13] =	ssyncset.done $0x0  }
0x64: {  	s23 =	rddreg [dreg:$0x1c];
	[sflag:s13] =	ssyncadd.s32 $0xFFFFF3C0  }
0x65: {  	[spmem:s23] =	stream.linear.scatter [tilespmem:s30], [sflag:$0x5], $0xC40, $0x38;
	[tilespmem:$0x1FA20] =	vst v63  }
0x66: {  	_ =	swait.ge [sflag:s13], $0xC40  }
0x67: {  	[sflag:s13] =	ssyncset.done $0x0  }
0x68: {  	s5 =	rddreg [dreg:$0x1d];
	[sflag:s13] =	ssyncadd.s32 $0xFFFFF3C0  }
0x69: {  	[spmem:s5] =	stream.linear.scatter [tilespmem:s30], [sflag:$0x5], $0xC40, $0x38;
	[tilespmem:$0x1FA20] =	vst v63  }
0x6a: {  	_ =	swait.ge [sflag:s13], $0xC40  }
0x6b: {  	[sflag:s13] =	ssyncset.done $0x0  }
0x6c: {  	s6 =	rddreg [dreg:$0x1e];
	[sflag:s13] =	ssyncadd.s32 $0xFFFFF3C0  }
0x6d: {  	[spmem:s6] =	stream.linear.scatter [tilespmem:s30], [sflag:$0x5], $0xC40, $0x38;
	[tilespmem:$0x1FA20] =	vst v63  }
0x6e: {  	_ =	swait.ge [sflag:s13], $0xC40  }
0x6f: {  	[sflag:s13] =	ssyncset.done $0x0  }
0x70: {  	s12 =	rddreg [dreg:$0x1f];
	[sflag:s13] =	ssyncadd.s32 $0xFFFFF3C0  }
0x71: {  	[spmem:s12] =	stream.linear.scatter [tilespmem:s30], [sflag:$0x5], $0xC40, $0x38;
	[tilespmem:$0x1FA20] =	vst v63  }
0x72: {  	_ =	swait.ge [sflag:s13], $0xC40  }
0x73: {  	s16 =	sld [smem:$0x7F9]  }
0x74: {  	[sflag:s13] =	ssyncset.done $0x0  }
0x75: {  	[sflag:s13] =	ssyncadd.s32 $0xFFFFF3C0  }
0x76: {  	[spmem:s16] =	stream.linear.scatter [tilespmem:s30], [sflag:$0x5], $0xC40, $0x38;
	[tilespmem:$0x1FA20] =	vst v63  }
0x77: {  	_ =	swait.ge [sflag:s13], $0xC40  }
0x78: {  	s17 =	sld [smem:$0x7FA]  }
0x79: {  	[sflag:s13] =	ssyncset.done $0x0  }
0x7a: {  	[sflag:s13] =	ssyncadd.s32 $0xFFFFF3C0  }
0x7b: {  	[spmem:s17] =	stream.linear.scatter [tilespmem:s30], [sflag:$0x5], $0xC40, $0x38;
	[tilespmem:$0x1FA20] =	vst v63  }
0x7c: {  	_ =	swait.ge [sflag:s13], $0xC40  }
0x7d: {  	s23 =	sld [smem:$0x7FB]  }
0x7e: {  	[sflag:s13] =	ssyncset.done $0x0  }
0x7f: {  	[sflag:s13] =	ssyncadd.s32 $0xFFFFF3C0  }
0x80: {  	[spmem:s23] =	stream.linear.scatter [tilespmem:s30], [sflag:$0x5], $0xC40, $0x38;
	[tilespmem:$0x1FA20] =	vst v63  }
0x81: {  	_ =	swait.ge [sflag:s13], $0xC40  }
0x82: {  	s5 =	sld [smem:$0x7FC]  }
0x83: {  	[sflag:s13] =	ssyncset.done $0x0  }
0x84: {  	[sflag:s13] =	ssyncadd.s32 $0xFFFFF3C0  }
0x85: {  	[spmem:s5] =	stream.linear.scatter [tilespmem:s30], [sflag:$0x5], $0xC40, $0x38;
	[tilespmem:$0x1FA20] =	vst v63  }
0x86: {  	_ =	swait.ge [sflag:s13], $0xC40  }
0x87: {  	s6 =	sld [smem:$0x7FD]  }
0x88: {  	[sflag:s13] =	ssyncset.done $0x0  }
0x89: {  	[sflag:s13] =	ssyncadd.s32 $0xFFFFF3C0  }
0x8a: {  	[spmem:s6] =	stream.linear.scatter [tilespmem:s30], [sflag:$0x5], $0xC40, $0x38;
	[tilespmem:$0x1FA20] =	vst v63  }
0x8b: {  	v6 =	vxor.u32 $0x80000000, v6;
	_ =	swait.ge [sflag:s13], $0xC40  }
0x8c: {  	(xrf0) =	vmax.scan.msk.u32 $0xffff, v6;
	_ =	sdelay $0x5  }
0x8d: {  	v6, _, _ =	vpop (xrf0)  }
0x8e: {  	(v2sf) =	vpush v6, $0xF;
	_ =	sdelay $0xb  }
0x8f: {  	[sflag:s13] =	ssyncset.done $0x0  }
0x90: {  	s12 =	rddreg [dreg:$0x8];
	[sflag:s13] =	ssyncadd.s32 $0xFFFFF3C0  }
0x91: {  	[spmem:s12] =	stream.linear.scatter [tilespmem:s30], [sflag:$0x5], $0x40, $0x38;
	[tilespmem:$0x1FA20] =	vst v63  }
0x92: {  	s6 =	spop (v2sf)  }
0x93: {  	_ =	swait.ge [sflag:s13], $0x40  }
0x94: {  	[sflag:s13] =	ssyncset.done $0x0  }
0x95: {  	s0 =	simm.s32 @!p0 $0x1EDE0;
	s5 =	rddreg [dreg:$0x9];
	[sflag:s13] =	ssyncadd.s32 $0xFFFFFFC0  }
0x96: {  	[spmem:s5] =	stream.linear.scatter @!p0 [tilespmem:s0], [sflag:$0x5], $0x400, $0x38;
	[tilespmem:$0x1FA20] =	vst v63  }
0x97: {  	s0 =	simm.s32 @!p0 $0x5  }
0x98: {  	_ =	swait.ge @!p0 [sflag:s0], $0x400  }
0x99: {  	[sflag:s0] =	ssyncset.done @!p0 $0x0  }
0x9a: {  	[sflag:s0] =	ssyncadd.s32 @!p0 $0xFFFFFC00  }
0x9b: {  	[bflag:$0x0] =	sbarrier.arrive $0xFFFF  }
0x9c: {  	[tilespmem:s1], [sflag:$0x2] =	stream.linear.gather [hbm4b:s10+s4], $0x200, $0x38;
	[tilespmem:$0x1FA20] =	vst v63  }
0x9d: {  	_ =	swait.ge [sflag:s8], $0x200  }
0x9e: {  	[sflag:s8] =	ssyncset.done $0x0  }
0x9f: {  	s16 =	rddreg [dreg:$0xd];
	[sflag:s8] =	ssyncadd.s32 $0xFFFFFE00  }
0xa0: {  	[tilespmem:s9], [sflag:$0x2] =	stream.linear.gather [hbm4b:s16+s4], $0x200, $0x38;
	[tilespmem:$0x1FA20] =	vst v63  }
0xa1: {  	_ = 	snop  }
0xa2: {  	[spmem:s2] =	stream.indirect.scatter.add.f32 [tilespmem:s31], [sflag:$0x4], $0x8, s1, s24, $0xb8;
	[tilespmem:$0x1FA20] =	vst v63  }
0xa3: {  	_ =	swait.ge [sflag:s8], $0x200  }
0xa4: {  	[sflag:s8] =	ssyncset.done $0x0  }
0xa5: {  	[sflag:s8] =	ssyncadd.s32 $0xFFFFFE00  }
0xa6: {  	_ =	swait.ge [sflag:s25], $0x1000  }
0xa7: {  	[sflag:s25] =	ssyncset.done $0x0;
	s17 =	rddreg [dreg:$0xe]  }
0xa8: {  	s23 =	sxor.u32 $0x80000000, s6;
	[smem:$0x7F6] =	sst s6;
	[sflag:s25] =	ssyncadd.s32 $0xFFFFF000  }
0xa9: {  	[tilespmem:s1], [sflag:$0x2] =	stream.linear.gather [hbm4b:s17+s4], $0x200, $0x38;
	[tilespmem:$0x1FA20] =	vst v63  }
0xaa: {  	s0 =	simm.s32 $0xFFFFD000;
	[smem:$0x7F7] =	sst s23  }
0xab: {  	[spmem:s2] =	stream.indirect.scatter.add.f32 [tilespmem:s31], [sflag:$0x4], $0x8, s9, s24, $0xb8;
	[tilespmem:$0x1FA20] =	vst v63  }
.LBB2_6:
0xac: {  	_ =	swait.ge [sflag:s8], $0x200  }
0xad: {  	[sflag:s8] =	ssyncset.done $0x0  }
0xae: {  	[sflag:s8] =	ssyncadd.s32 $0xFFFFFE00  }
0xaf: {  	_ =	swait.ge [sflag:s25], $0x1000  }
0xb0: {  	s5 =	sadd.s32 s0, s10;
	[sflag:s25] =	ssyncset.done $0x0  }
0xb1: {  	s6 =	sadd.s32 $0x30C0, s5;
	[sflag:s25] =	ssyncadd.s32 $0xFFFFF000  }
0xb2: {  	[tilespmem:s9], [sflag:$0x2] =	stream.linear.gather [hbm4b:s6+s4], $0x200, $0x38;
	[tilespmem:$0x1FA20] =	vst v63  }
0xb3: {  	_ = 	snop  }
0xb4: {  	[spmem:s2] =	stream.indirect.scatter.add.f32 [tilespmem:s31], [sflag:$0x4], $0x8, s1, s24, $0xb8;
	[tilespmem:$0x1FA20] =	vst v63  }
0xb5: {  	p1 =	seq.s32 s0, $0x0;
	_ =	swait.ge [sflag:s8], $0x200  }
.Ltmp4:
0xb6: {  	[sflag:s8] =	ssyncset.done $0x0;
	(pc) =	sbr.rel @p1 .LBB2_8-.Ltmp4, $4  }
0xb7: {  	[sflag:s8] =	ssyncadd.s32 $0xFFFFFE00  }
0xb8: {  	_ =	swait.ge [sflag:s25], $0x1000  }
0xb9: {  	[sflag:s25] =	ssyncset.done $0x0  }
0xba: {  	[sflag:s25] =	ssyncadd.s32 $0xFFFFF000  }
.Ltmp5:
0xbb: {  	(pc) =	sbr.rel .LBB2_6-.Ltmp5, $4  }
0xbc: {  	s5 =	sadd.s32 $0x3100, s5  }
0xbd: {  	[tilespmem:s1], [sflag:$0x2] =	stream.linear.gather [hbm4b:s5+s4], $0x200, $0x38;
	[tilespmem:$0x1FA20] =	vst v63  }
0xbe: {  	s0 =	sadd.s32 $0x80, s0  }
0xbf: {  	[spmem:s2] =	stream.indirect.scatter.add.f32 [tilespmem:s31], [sflag:$0x4], $0x8, s9, s24, $0xb8;
	[tilespmem:$0x1FA20] =	vst v63  }
.LBB2_8:
0xc0: {  	[spmem:s2] =	stream.indirect.scatter.add.f32 [tilespmem:s31], [sflag:$0x4], $0x8, s9, s24, $0xb8;
	[tilespmem:$0x1FA20] =	vst v63  }
0xc1: {  	_ =	swait.ge [sflag:s25], $0x1000  }
0xc2: {  	[sflag:s25] =	ssyncset.done $0x0  }
0xc3: {  	[sflag:s25] =	ssyncadd.s32 $0xFFFFF000  }
0xc4: {  	s17 =	simm.s32 $0xD080;
	s12 =	simm.s32 $0x0;
	[bflag:$0x0] =	sbarrier.arrive $0xFFFF  }
.LBB2_9:
0xc5: {  	s0 =	smul.u32 $0x188, s12;
	_ =	sdelay $0x1  }
0xc6: {  	s5 =	sadd.s32 s11, s0  }
0xc7: {  	s16 =	sshll.u32 s5, $0x3  }
0xc8: {  	s23 =	simm.s32 $0x0;
	s6 =	sadd.s32 s16, s2  }
0xc9: {  	[tilespmem:s23], [sflag:$0x5] =	stream.linear.gather [spmem:s6], $0xC40, $0x38;
	[tilespmem:$0x1FA20] =	vst v63  }
0xca: {  	_ =	swait.ge [sflag:s13], $0xC40  }
0xcb: {  	[sflag:s13] =	ssyncset.done $0x0  }
0xcc: {  	[sflag:s13] =	ssyncadd.s32 $0xFFFFF3C0  }
0xcd: {  	[spmem:s6] =	stream.linear.scatter [tilespmem:s30], [sflag:$0x5], $0xC40, $0x38;
	[tilespmem:$0x1FA20] =	vst v63  }
0xce: {  	_ =	swait.ge [sflag:s13], $0xC40  }
0xcf: {  	[sflag:s13] =	ssyncset.done $0x0  }
0xd0: {  	s5 =	sadd.s32 s5, s22;
	[sflag:s13] =	ssyncadd.s32 $0xFFFFF3C0  }
0xd1: {  	[tilespmem:s26], [sflag:$0x5] =	stream.linear.gather [hbm4b:s5+s23], $0xC40, $0x38;
	[tilespmem:$0x1FA20] =	vst v63  }
0xd2: {  	s23 =	simm.s32 $0x0  }
0xd3: {  	v6 =	vmov s23  }
0xd4: {  	v6 =	vshll.u32 v6, $0x3  }
0xd5: {  	v6 =	vor.u32 v5, v6;
	_ =	sdelay $0x1  }
0xd6: {  	_ =	swait.ge [sflag:s13], $0xC40  }
0xd7: {  	[sflag:s13] =	ssyncset.done $0x0  }
0xd8: {  	[sflag:s13] =	ssyncadd.s32 $0xFFFFF3C0  }
0xd9: {  	v6 =	vld.idx.msk [tilespmem:v6+s4+$0x0], $0xffff;
	_ =	sdelay $0x4  }
0xda: {  	v6 =	vmax.f32 v6, $1.000000000e+00  }
0xdb: {  	v7 =	vshra.s32 v6, $0x1;
	v6 =	vmul.f32 $5.000000000e-01, v6  }
0xdc: {  	v7 =	vsub.s32 $0x5F3759DF, v7  }
0xdd: {  	v8 =	vmul.f32 v7, v6;
	_ =	sdelay $0x1  }
0xde: {  	v8 =	vmul.f32 v7, v8;
	_ =	sdelay $0x1  }
0xdf: {  	v8 =	vsub.f32 $1.500000000e+00, v8;
	_ =	sdelay $0x1  }
0xe0: {  	v7 =	vmul.f32 v7, v8;
	_ =	sdelay $0x1  }
0xe1: {  	v8 =	vmul.f32 v7, v6;
	_ =	sdelay $0x1  }
0xe2: {  	v8 =	vmul.f32 v8, v7;
	_ =	sdelay $0x1  }
0xe3: {  	v8 =	vsub.f32 $1.500000000e+00, v8;
	_ =	sdelay $0x1  }
0xe4: {  	v7 =	vmul.f32 v8, v7;
	_ =	sdelay $0x1  }
0xe5: {  	v6 =	vmul.f32 v7, v6  }
0xe6: {  	s6 =	simm.s32 $0x10  }
0xe7: {  	v8 =	vmov s6;
	v6 =	vmul.f32 v6, v7  }
0xe8: {  	v8 =	vshll.u32 v8, $0x3  }
0xe9: {  	v8 =	vor.u32 v5, v8;
	v6 =	vsub.f32 $1.500000000e+00, v6;
	_ =	sdelay $0x1  }
0xea: {  	v6 =	vmul.f32 v6, v7;
	_ =	sdelay $0x1  }
0xeb: {  	[tilespmem:s17+$0x0] =	vst v6  }
0xec: {  	v6 =	vld.idx.msk [tilespmem:v8+s4+$0x0], $0xffff;
	_ =	sdelay $0x4  }
0xed: {  	v6 =	vmax.f32 v6, $1.000000000e+00  }
0xee: {  	v7 =	vshra.s32 v6, $0x1;
	v8 =	vmul.f32 $5.000000000e-01, v6  }
0xef: {  	v6 =	vsub.s32 $0x5F3759DF, v7  }
0xf0: {  	v7 =	vmul.f32 v6, v8;
	_ =	sdelay $0x1  }
0xf1: {  	v7 =	vmul.f32 v6, v7;
	_ =	sdelay $0x1  }
0xf2: {  	v7 =	vsub.f32 $1.500000000e+00, v7;
	_ =	sdelay $0x1  }
0xf3: {  	v6 =	vmul.f32 v6, v7;
	_ =	sdelay $0x1  }
0xf4: {  	v7 =	vmul.f32 v6, v8;
	_ =	sdelay $0x1  }
0xf5: {  	v7 =	vmul.f32 v7, v6;
	_ =	sdelay $0x1  }
0xf6: {  	v7 =	vsub.f32 $1.500000000e+00, v7;
	_ =	sdelay $0x1  }
0xf7: {  	v6 =	vmul.f32 v7, v6;
	_ =	sdelay $0x1  }
0xf8: {  	v7 =	vmul.f32 v6, v8  }
0xf9: {  	s23 =	simm.s32 $0x20  }
0xfa: {  	s5 =	smov.u32 s17;
	s6 =	simm.s32 $0x30;
	v8 =	vmov s23;
	v7 =	vmul.f32 v7, v6  }
.LBB2_10:
0xfb: {  	p1 =	seq.s32 s6, $0x180;
	v8 =	vshll.u32 v8, $0x3  }
0xfc: {  	v8 =	vor.u32 v5, v8;
	v7 =	vsub.f32 $1.500000000e+00, v7;
	_ =	sdelay $0x1  }
0xfd: {  	v6 =	vmul.f32 v7, v6  }
0xfe: {  	s5 =	sadd.s32 $0x10, s5  }
0xff: {  	[tilespmem:s5+$0x0] =	vst v6  }
0x100: {  	v6 =	vld.idx.msk [tilespmem:v8+s4+$0x0], $0xffff;
	_ =	sdelay $0x5  }
0x101: {  	v6 =	vmax.f32 v6, $1.000000000e+00  }
0x102: {  	v7 =	vshra.s32 v6, $0x1;
	v8 =	vmul.f32 $5.000000000e-01, v6  }
0x103: {  	v6 =	vsub.s32 $0x5F3759DF, v7  }
0x104: {  	v7 =	vmul.f32 v6, v8;
	_ =	sdelay $0x1  }
0x105: {  	v7 =	vmul.f32 v6, v7;
	_ =	sdelay $0x1  }
0x106: {  	v7 =	vsub.f32 $1.500000000e+00, v7;
	_ =	sdelay $0x1  }
0x107: {  	v6 =	vmul.f32 v6, v7;
	_ =	sdelay $0x1  }
0x108: {  	v7 =	vmul.f32 v6, v8;
	_ =	sdelay $0x1  }
0x109: {  	v7 =	vmul.f32 v7, v6;
	_ =	sdelay $0x1  }
0x10a: {  	v7 =	vsub.f32 $1.500000000e+00, v7;
	_ =	sdelay $0x1  }
.Ltmp6:
0x10b: {  	v6 =	vmul.f32 v7, v6;
	(pc) =	sbr.rel @!p1 .LBB2_10-.Ltmp6, $3  }
0x10c: {  	_ = 	snop  }
0x10d: {  	v7 =	vmul.f32 v6, v8;
	_ =	sdelay $0x1  }
0x10e: {  	v8 =	vmov s6;
	s6 =	sadd.s32 $0x10, s6;
	v7 =	vmul.f32 v7, v6  }
0x10f: {  	v8 =	vshll.u32 v8, $0x3  }
0x110: {  	v8 =	vor.u32 v5, v8;
	v7 =	vsub.f32 $1.500000000e+00, v7;
	_ =	sdelay $0x1  }
0x111: {  	v6 =	vmul.f32 v7, v6  }
0x112: {  	s5 =	sadd.s32 $0x10, s5  }
0x113: {  	[tilespmem:s5+$0x0] =	vst v6  }
0x114: {  	v6 =	vld.idx.msk [tilespmem:v8+s4+$0x0], $0xffff;
	_ =	sdelay $0x4  }
0x115: {  	v6 =	vmax.f32 v6, $1.000000000e+00  }
0x116: {  	v7 =	vshra.s32 v6, $0x1;
	v6 =	vmul.f32 $5.000000000e-01, v6  }
0x117: {  	v7 =	vsub.s32 $0x5F3759DF, v7  }
0x118: {  	v8 =	vmul.f32 v7, v6;
	_ =	sdelay $0x1  }
0x119: {  	v8 =	vmul.f32 v7, v8;
	_ =	sdelay $0x1  }
0x11a: {  	v8 =	vsub.f32 $1.500000000e+00, v8;
	_ =	sdelay $0x1  }
0x11b: {  	v7 =	vmul.f32 v7, v8;
	_ =	sdelay $0x1  }
0x11c: {  	v8 =	vmul.f32 v7, v6;
	_ =	sdelay $0x1  }
0x11d: {  	v8 =	vmul.f32 v8, v7;
	_ =	sdelay $0x1  }
0x11e: {  	v8 =	vsub.f32 $1.500000000e+00, v8;
	_ =	sdelay $0x1  }
0x11f: {  	v7 =	vmul.f32 v8, v7;
	_ =	sdelay $0x1  }
0x120: {  	v6 =	vmul.f32 v7, v6;
	_ =	sdelay $0x1  }
0x121: {  	v6 =	vmul.f32 v6, v7;
	_ =	sdelay $0x1  }
0x122: {  	v6 =	vsub.f32 $1.500000000e+00, v6  }
0x123: {  	s6 =	simm.s32 $0x0  }
0x124: {  	v8 =	vor.u32 s6, v0;
	v6 =	vmul.f32 v6, v7  }
0x125: {  	s5 =	sadd.s32 $0x10, s5;
	v7 =	vshll.u32 v8, $0x3  }
0x126: {  	v7 =	vor.u32 v2, v7;
	[tilespmem:s5+$0x0] =	vst v6;
	v6 =	vmov s0  }
0x127: {  	v9 =	vadd.s32 v6, v8;
	_ =	sdelay $0x3  }
0x128: {  	v8 =	vld.idx.msk [tilespmem:v7+s26+$0x0], $0xffff  }
0x129: {  	s23 =	simm.s32 $0x2;
	v9 =	vld.idx.msk [tilespmem:v9+s28+$0x0], $0xffff  }
0x12a: {  	v10 =	vor.u32 s23, v0  }
0x12b: {  	v11 =	vshll.u32 v10, $0x3;
	s0 =	simm.s32 $0x4  }
.LBB2_12:
0x12c: {  	p1 =	sne.s32 s0, $0x186;
	v11 =	vor.u32 v2, v11  }
0x12d: {  	v10 =	vadd.s32 v6, v10  }
0x12e: {  	v8 =	vmul.f32 v8, v9;
	_ =	sdelay $0x1  }
0x12f: {  	[tilespmem:v7+s26+$0x0] =	vst.idx.msk $0xffff, v8;
	v7 =	vmov v11  }
.Ltmp7:
0x130: {  	v8 =	vld.idx.msk [tilespmem:v11+s26+$0x0], $0xffff;
	(pc) =	sbr.rel @p1 .LBB2_12-.Ltmp7, $3  }
0x131: {  	v9 =	vld.idx.msk [tilespmem:v10+s28+$0x0], $0xffff;
	_ =	sdelay $0x1  }
0x132: {  	v10 =	vor.u32 s0, v0  }
0x133: {  	s0 =	sadd.s32 $0x2, s0;
	v11 =	vshll.u32 v10, $0x3  }
0x134: {  	v11 =	vor.u32 v2, v11  }
0x135: {  	v6 =	vadd.s32 v6, v10  }
0x136: {  	v8 =	vmul.f32 v8, v9;
	_ =	sdelay $0x1  }
0x137: {  	[tilespmem:v7+s26+$0x0] =	vst.idx.msk $0xffff, v8  }
0x138: {  	v7 =	vld.idx.msk [tilespmem:v11+s26+$0x0], $0xffff  }
0x139: {  	v6 =	vld.idx.msk [tilespmem:v6+s28+$0x0], $0xffff;
	_ =	sdelay $0x4  }
0x13a: {  	s12 =	sadd.s32 $0x1, s12;
	v6 =	vmul.f32 v7, v6  }
0x13b: {  	p1 =	sne.s32 s12, $0x10  }
.Ltmp8:
0x13c: {  	s0 =	sadd.s32 s16, s3;
	[tilespmem:v11+s26+$0x0] =	vst.idx.msk $0xffff, v6;
	(pc) =	sbr.rel @p1 .LBB2_9-.Ltmp8, $4  }
0x13d: {  	[spmem:s0] =	stream.linear.scatter [tilespmem:s26], [sflag:$0x5], $0xC40, $0x38;
	[tilespmem:$0x1FA20] =	vst v63  }
0x13e: {  	_ =	swait.ge [sflag:s13], $0xC40  }
0x13f: {  	[sflag:s13] =	ssyncset.done $0x0  }
0x140: {  	s17 =	sadd.s32 $0x188, s17;
	[sflag:s13] =	ssyncadd.s32 $0xFFFFF3C0  }
0x141: {  	s0 =	sld [smem:$0x7F7];
	_ =	sdelay $0x2  }
0x142: {  	p1 =	slt.s32 s0, $0x1  }
.Ltmp9:
0x143: {  	_ = 	snop;
	(pc) =	sbr.rel @p1 .LBB2_25-.Ltmp9, $2  }
0x144: {  	_ =	sdelay $0x1  }
0x145: {  	[bflag:$0x0] =	sbarrier.arrive $0xFFFF;
	_ =	sdelay $0x1  }
0x146: {  	s0 =	sld [smem:$0x7F6];
	_ =	sdelay $0x2  }
0x147: {  	s0 =	sadd.s32 $0x7FFFFFFF, s0  }
0x148: {  	s13 =	simm.s32 $0x0;
	[smem:$0x7F5] =	sst s0  }
.LBB2_16:
0x149: {  	[tilespmem:s29], [sflag:$0x2] =	stream.linear.gather [hbm4b:s14+s4], $0x200, $0x38;
	[tilespmem:$0x1FA20] =	vst v63  }
0x14a: {  	_ = 	snop  }
0x14b: {  	[tilespmem:s1], [sflag:$0x2] =	stream.linear.gather [hbm4b:s10+s4], $0x200, $0x38;
	[tilespmem:$0x1FA20] =	vst v63  }
0x14c: {  	_ =	swait.ge [sflag:s8], $0x200  }
0x14d: {  	[sflag:s8] =	ssyncset.done $0x0  }
0x14e: {  	[sflag:s8] =	ssyncadd.s32 $0xFFFFFE00  }
0x14f: {  	_ =	swait.ge [sflag:s8], $0x200  }
0x150: {  	[sflag:s8] =	ssyncset.done $0x0  }
0x151: {  	[sflag:s8] =	ssyncadd.s32 $0xFFFFFE00  }
0x152: {  	[tilespmem:s31], [sflag:$0x1] =	stream.indirect.gather [spmem:s3], $0x8, s29, s24, $0xb8;
	[tilespmem:$0x1FA20] =	vst v63  }
0x153: {  	s0 =	rddreg [dreg:$0xf]  }
0x154: {  	[tilespmem:s7], [sflag:$0x2] =	stream.linear.gather [hbm4b:s0+s4], $0x200, $0x38;
	[tilespmem:$0x1FA20] =	vst v63  }
0x155: {  	s6 =	rddreg [dreg:$0xd]  }
0x156: {  	[tilespmem:s9], [sflag:$0x2] =	stream.linear.gather [hbm4b:s6+s4], $0x200, $0x38;
	[tilespmem:$0x1FA20] =	vst v63  }
0x157: {  	_ =	swait.ge [sflag:s15], $0x1000  }
0x158: {  	[sflag:s15] =	ssyncset.done $0x0  }
0x159: {  	[sflag:s15] =	ssyncadd.s32 $0xFFFFF000  }
0x15a: {  	[spmem:s2] =	stream.indirect.scatter.add.f32 [tilespmem:s31], [sflag:$0x4], $0x8, s1, s24, $0xb8;
	[tilespmem:$0x1FA20] =	vst v63  }
0x15b: {  	_ =	swait.ge [sflag:s8], $0x200  }
0x15c: {  	[sflag:s8] =	ssyncset.done $0x0  }
0x15d: {  	[sflag:s8] =	ssyncadd.s32 $0xFFFFFE00  }
0x15e: {  	_ =	swait.ge [sflag:s8], $0x200  }
0x15f: {  	[sflag:s8] =	ssyncset.done $0x0  }
0x160: {  	[sflag:s8] =	ssyncadd.s32 $0xFFFFFE00  }
0x161: {  	[tilespmem:s18], [sflag:$0x1] =	stream.indirect.gather [spmem:s3], $0x8, s7, s24, $0xb8;
	[tilespmem:$0x1FA20] =	vst v63  }
0x162: {  	_ =	swait.ge [sflag:s25], $0x1000  }
0x163: {  	[sflag:s25] =	ssyncset.done $0x0  }
0x164: {  	s12 =	rddreg [dreg:$0x10];
	[sflag:s25] =	ssyncadd.s32 $0xFFFFF000  }
0x165: {  	[tilespmem:s29], [sflag:$0x2] =	stream.linear.gather [hbm4b:s12+s4], $0x200, $0x38;
	[tilespmem:$0x1FA20] =	vst v63  }
0x166: {  	s16 =	rddreg [dreg:$0xe]  }
0x167: {  	[tilespmem:s1], [sflag:$0x2] =	stream.linear.gather [hbm4b:s16+s4], $0x200, $0x38;
	[tilespmem:$0x1FA20] =	vst v63  }
0x168: {  	_ =	swait.ge [sflag:s15], $0x1000  }
0x169: {  	[sflag:s15] =	ssyncset.done $0x0  }
0x16a: {  	[sflag:s15] =	ssyncadd.s32 $0xFFFFF000  }
0x16b: {  	[spmem:s2] =	stream.indirect.scatter.add.f32 [tilespmem:s18], [sflag:$0x4], $0x8, s9, s24, $0xb8;
	[tilespmem:$0x1FA20] =	vst v63  }
0x16c: {  	_ =	swait.ge [sflag:s8], $0x200  }
0x16d: {  	[sflag:s8] =	ssyncset.done $0x0  }
0x16e: {  	[sflag:s8] =	ssyncadd.s32 $0xFFFFFE00  }
0x16f: {  	_ =	swait.ge [sflag:s8], $0x200  }
0x170: {  	[sflag:s8] =	ssyncset.done $0x0  }
0x171: {  	[sflag:s8] =	ssyncadd.s32 $0xFFFFFE00  }
0x172: {  	[tilespmem:s31], [sflag:$0x1] =	stream.indirect.gather [spmem:s3], $0x8, s29, s24, $0xb8;
	[tilespmem:$0x1FA20] =	vst v63  }
0x173: {  	_ =	swait.ge [sflag:s25], $0x1000  }
0x174: {  	s17 =	sadd.s32 $0xFFFFD000, s14;
	[sflag:s25] =	ssyncset.done $0x0  }
0x175: {  	s5 =	sadd.s32 $0x30C0, s17;
	s6 =	sadd.s32 $0xFFFFD000, s10;
	[sflag:s25] =	ssyncadd.s32 $0xFFFFF000  }
0x176: {  	[tilespmem:s7], [sflag:$0x2] =	stream.linear.gather [hbm4b:s5+s4], $0x200, $0x38;
	[tilespmem:$0x1FA20] =	vst v63  }
0x177: {  	s22 =	sadd.s32 $0x30C0, s6  }
0x178: {  	[tilespmem:s9], [sflag:$0x2] =	stream.linear.gather [hbm4b:s22+s4], $0x200, $0x38;
	[tilespmem:$0x1FA20] =	vst v63  }
0x179: {  	_ =	swait.ge [sflag:s15], $0x1000  }
0x17a: {  	[sflag:s15] =	ssyncset.done $0x0  }
0x17b: {  	[sflag:s15] =	ssyncadd.s32 $0xFFFFF000  }
0x17c: {  	[spmem:s2] =	stream.indirect.scatter.add.f32 [tilespmem:s31], [sflag:$0x4], $0x8, s1, s24, $0xb8;
	[tilespmem:$0x1FA20] =	vst v63  }
0x17d: {  	_ =	swait.ge [sflag:s8], $0x200  }
0x17e: {  	[sflag:s8] =	ssyncset.done $0x0  }
0x17f: {  	[sflag:s8] =	ssyncadd.s32 $0xFFFFFE00  }
0x180: {  	_ =	swait.ge [sflag:s8], $0x200  }
0x181: {  	[sflag:s8] =	ssyncset.done $0x0  }
0x182: {  	[sflag:s8] =	ssyncadd.s32 $0xFFFFFE00  }
0x183: {  	[tilespmem:s18], [sflag:$0x1] =	stream.indirect.gather [spmem:s3], $0x8, s7, s24, $0xb8;
	[tilespmem:$0x1FA20] =	vst v63  }
0x184: {  	_ =	swait.ge [sflag:s25], $0x1000  }
0x185: {  	[sflag:s25] =	ssyncset.done $0x0  }
0x186: {  	s0 =	sadd.s32 $0x3100, s17;
	[sflag:s25] =	ssyncadd.s32 $0xFFFFF000  }
0x187: {  	[tilespmem:s29], [sflag:$0x2] =	stream.linear.gather [hbm4b:s0+s4], $0x200, $0x38;
	[tilespmem:$0x1FA20] =	vst v63  }
0x188: {  	s23 =	sadd.s32 $0x3100, s6  }
0x189: {  	[tilespmem:s1], [sflag:$0x2] =	stream.linear.gather [hbm4b:s23+s4], $0x200, $0x38;
	[tilespmem:$0x1FA20] =	vst v63  }
0x18a: {  	_ =	swait.ge [sflag:s15], $0x1000  }
0x18b: {  	[sflag:s15] =	ssyncset.done $0x0  }
0x18c: {  	s0 =	simm.s32 $0xFFFFD080;
	[sflag:s15] =	ssyncadd.s32 $0xFFFFF000  }
.LBB2_17:
0x18d: {  	[spmem:s2] =	stream.indirect.scatter.add.f32 [tilespmem:s18], [sflag:$0x4], $0x8, s9, s24, $0xb8;
	[tilespmem:$0x1FA20] =	vst v63  }
0x18e: {  	s5 =	smov.u32 s0  }
0x18f: {  	p1 =	sne.s32 s0, $0xFFFFFF80;
	s0 =	sadd.s32 $0x80, s0;
	_ =	swait.ge [sflag:s8], $0x200  }
0x190: {  	[sflag:s8] =	ssyncset.done $0x0  }
0x191: {  	[sflag:s8] =	ssyncadd.s32 $0xFFFFFE00  }
0x192: {  	_ =	swait.ge [sflag:s8], $0x200  }
0x193: {  	[sflag:s8] =	ssyncset.done $0x0  }
0x194: {  	[sflag:s8] =	ssyncadd.s32 $0xFFFFFE00  }
0x195: {  	[tilespmem:s31], [sflag:$0x1] =	stream.indirect.gather [spmem:s3], $0x8, s29, s24, $0xb8;
	[tilespmem:$0x1FA20] =	vst v63  }
0x196: {  	_ =	swait.ge [sflag:s25], $0x1000  }
0x197: {  	s6 =	sadd.s32 s5, s14;
	[sflag:s25] =	ssyncset.done $0x0  }
0x198: {  	s5 =	sadd.s32 s5, s10;
	s12 =	sadd.s32 $0x30C0, s6;
	[sflag:s25] =	ssyncadd.s32 $0xFFFFF000  }
0x199: {  	[tilespmem:s7], [sflag:$0x2] =	stream.linear.gather [hbm4b:s12+s4], $0x200, $0x38;
	[tilespmem:$0x1FA20] =	vst v63  }
0x19a: {  	s12 =	sadd.s32 $0x30C0, s5  }
0x19b: {  	[tilespmem:s9], [sflag:$0x2] =	stream.linear.gather [hbm4b:s12+s4], $0x200, $0x38;
	[tilespmem:$0x1FA20] =	vst v63  }
0x19c: {  	_ =	swait.ge [sflag:s15], $0x1000  }
0x19d: {  	[sflag:s15] =	ssyncset.done $0x0  }
0x19e: {  	[sflag:s15] =	ssyncadd.s32 $0xFFFFF000  }
0x19f: {  	[spmem:s2] =	stream.indirect.scatter.add.f32 [tilespmem:s31], [sflag:$0x4], $0x8, s1, s24, $0xb8;
	[tilespmem:$0x1FA20] =	vst v63  }
0x1a0: {  	_ =	swait.ge [sflag:s8], $0x200  }
0x1a1: {  	[sflag:s8] =	ssyncset.done $0x0  }
0x1a2: {  	[sflag:s8] =	ssyncadd.s32 $0xFFFFFE00  }
0x1a3: {  	_ =	swait.ge [sflag:s8], $0x200  }
0x1a4: {  	[sflag:s8] =	ssyncset.done $0x0  }
0x1a5: {  	[sflag:s8] =	ssyncadd.s32 $0xFFFFFE00  }
0x1a6: {  	[tilespmem:s18], [sflag:$0x1] =	stream.indirect.gather [spmem:s3], $0x8, s7, s24, $0xb8;
	[tilespmem:$0x1FA20] =	vst v63  }
0x1a7: {  	_ =	swait.ge [sflag:s25], $0x1000  }
0x1a8: {  	[sflag:s25] =	ssyncset.done $0x0  }
0x1a9: {  	s6 =	sadd.s32 $0x3100, s6;
	[sflag:s25] =	ssyncadd.s32 $0xFFFFF000  }
0x1aa: {  	[tilespmem:s29], [sflag:$0x2] =	stream.linear.gather [hbm4b:s6+s4], $0x200, $0x38;
	[tilespmem:$0x1FA20] =	vst v63  }
.Ltmp10:
0x1ab: {  	s5 =	sadd.s32 $0x3100, s5;
	(pc) =	sbr.rel @p1 .LBB2_17-.Ltmp10, $4  }
0x1ac: {  	[tilespmem:s1], [sflag:$0x2] =	stream.linear.gather [hbm4b:s5+s4], $0x200, $0x38;
	[tilespmem:$0x1FA20] =	vst v63  }
0x1ad: {  	_ =	swait.ge [sflag:s15], $0x1000  }
0x1ae: {  	[sflag:s15] =	ssyncset.done $0x0  }
0x1af: {  	[sflag:s15] =	ssyncadd.s32 $0xFFFFF000  }
0x1b0: {  	[spmem:s2] =	stream.indirect.scatter.add.f32 [tilespmem:s18], [sflag:$0x4], $0x8, s9, s24, $0xb8;
	[tilespmem:$0x1FA20] =	vst v63  }
0x1b1: {  	_ =	swait.ge [sflag:s8], $0x200  }
0x1b2: {  	[sflag:s8] =	ssyncset.done $0x0  }
0x1b3: {  	[sflag:s8] =	ssyncadd.s32 $0xFFFFFE00  }
0x1b4: {  	_ =	swait.ge [sflag:s8], $0x200  }
0x1b5: {  	[sflag:s8] =	ssyncset.done $0x0  }
0x1b6: {  	[sflag:s8] =	ssyncadd.s32 $0xFFFFFE00  }
0x1b7: {  	[tilespmem:s31], [sflag:$0x1] =	stream.indirect.gather [spmem:s3], $0x8, s29, s24, $0xb8;
	[tilespmem:$0x1FA20] =	vst v63  }
0x1b8: {  	_ =	swait.ge [sflag:s25], $0x1000  }
0x1b9: {  	[sflag:s25] =	ssyncset.done $0x0  }
0x1ba: {  	s12 =	simm.s32 $0x0;
	s0 =	rddreg [dreg:$0x11];
	[sflag:s25] =	ssyncadd.s32 $0xFFFFF000  }
0x1bb: {  	[tilespmem:s7], [sflag:$0x2] =	stream.linear.gather [hbm4b:s0+s12], $0x200, $0x38;
	[tilespmem:$0x1FA20] =	vst v63  }
0x1bc: {  	s17 =	rddreg [dreg:$0x12]  }
0x1bd: {  	[tilespmem:s9], [sflag:$0x2] =	stream.linear.gather [hbm4b:s17+s12], $0x200, $0x38;
	[tilespmem:$0x1FA20] =	vst v63  }
0x1be: {  	_ =	swait.ge [sflag:s15], $0x1000  }
0x1bf: {  	[sflag:s15] =	ssyncset.done $0x0  }
0x1c0: {  	[sflag:s15] =	ssyncadd.s32 $0xFFFFF000  }
0x1c1: {  	[spmem:s2] =	stream.indirect.scatter.add.f32 [tilespmem:s31], [sflag:$0x4], $0x8, s1, s24, $0xb8;
	[tilespmem:$0x1FA20] =	vst v63  }
0x1c2: {  	_ =	swait.ge [sflag:s8], $0x200  }
0x1c3: {  	[sflag:s8] =	ssyncset.done $0x0  }
0x1c4: {  	[sflag:s8] =	ssyncadd.s32 $0xFFFFFE00  }
0x1c5: {  	_ =	swait.ge [sflag:s8], $0x200  }
0x1c6: {  	[sflag:s8] =	ssyncset.done $0x0  }
0x1c7: {  	[sflag:s8] =	ssyncadd.s32 $0xFFFFFE00  }
0x1c8: {  	[tilespmem:s18], [sflag:$0x1] =	stream.indirect.gather [spmem:s3], $0x8, s7, s24, $0xb8;
	[tilespmem:$0x1FA20] =	vst v63  }
0x1c9: {  	_ =	swait.ge [sflag:s25], $0x1000  }
0x1ca: {  	[sflag:s25] =	ssyncset.done $0x0  }
0x1cb: {  	[sflag:s25] =	ssyncadd.s32 $0xFFFFF000  }
0x1cc: {  	_ =	swait.ge [sflag:s15], $0x1000  }
0x1cd: {  	[sflag:s15] =	ssyncset.done $0x0  }
0x1ce: {  	[sflag:s15] =	ssyncadd.s32 $0xFFFFF000  }
0x1cf: {  	[spmem:s2] =	stream.indirect.scatter.add.f32 [tilespmem:s18], [sflag:$0x4], $0x8, s9, s24, $0xb8;
	[tilespmem:$0x1FA20] =	vst v63  }
0x1d0: {  	_ =	swait.ge [sflag:s25], $0x1000  }
0x1d1: {  	[sflag:s25] =	ssyncset.done $0x0  }
0x1d2: {  	[sflag:s25] =	ssyncadd.s32 $0xFFFFF000  }
0x1d3: {  	[bflag:$0x0] =	sbarrier.arrive $0xFFFF  }
0x1d4: {  	s23 =	sld [smem:$0x7F5]  }
0x1d5: {  	s22 =	rddreg [dreg:$0xc]  }
0x1d6: {  	[tilespmem:s26], [sflag:$0x3] =	stream.linear.gather [hbm4b:s22+s12], $0xC40, $0x38;
	[tilespmem:$0x1FA20] =	vst v63  }
0x1d7: {  	[smem:$0x7F4] =	sst s13;
	p1 =	sne.s32 s13, s23  }
.LBB2_19:
0x1d8: {  	s5 =	smul.u32 $0x310, s12;
	_ =	sdelay $0x1  }
0x1d9: {  	s0 =	sadd.s32 $0x188, s5  }
0x1da: {  	s6 =	rddreg [dreg:$0xb];
	s16 =	sadd.s32 s11, s0  }
0x1db: {  	s13 =	rddreg [dreg:$0x5];
	s17 =	sadd.s32 s6, s16  }
0x1dc: {  	s6 =	sadd.s32 s11, s5;
	s13 =	sadd.s32 s13, s17  }
0x1dd: {  	[tilespmem:s19], [sflag:$0x3] =	stream.linear.gather [hbm4b:s13+s4], $0xC40, $0x38;
	[tilespmem:$0x1FA20] =	vst v63  }
0x1de: {  	s13 =	sshll.u32 s6, $0x3  }
0x1df: {  	s22 =	sadd.s32 s13, s2  }
0x1e0: {  	[tilespmem:s4], [sflag:$0x6] =	stream.linear.gather [spmem:s22], $0xC40, $0x38;
	[tilespmem:$0x1FA20] =	vst v63  }
0x1e1: {  	_ =	swait.ge [sflag:s20], $0xC40  }
0x1e2: {  	[sflag:s20] =	ssyncset.done $0x0  }
0x1e3: {  	s23 =	simm.s32 $0x0;
	v6 =	vmov s5;
	[sflag:s20] =	ssyncadd.s32 $0xFFFFF3C0  }
0x1e4: {  	v7 =	vor.u32 s23, v0;
	v8 =	vadd.s32 s23, v6;
	[spmem:s22] =	stream.linear.scatter [tilespmem:s30], [sflag:$0x6], $0xC40, $0x38;
	[tilespmem:$0x1FA20] =	vst v63  }
0x1e5: {  	v9 =	vand.u32 $0x5, v7;
	v8 =	vand.u32 $0x3FF8, v8;
	_ =	swait.ge [sflag:s20], $0xC40  }
0x1e6: {  	v7 =	vshll.u32 v7, $0x3;
	v8 =	vor.u32 v9, v8;
	[sflag:s20] =	ssyncset.done $0x0  }
0x1e7: {  	v9 =	vor.u32 v2, v7;
	[sflag:s20] =	ssyncadd.s32 $0xFFFFF3C0  }
0x1e8: {  	_ =	swait.ge [sflag:s21], $0xC40  }
0x1e9: {  	[sflag:s21] =	ssyncset.done $0x0  }
0x1ea: {  	[sflag:s21] =	ssyncadd.s32 $0xFFFFF3C0  }
0x1eb: {  	v8 =	vld.idx.msk [tilespmem:v8+s28+$0x0], $0xffff  }
0x1ec: {  	v7 =	vld.idx.msk [tilespmem:v9+s4+$0x0], $0xffff  }
0x1ed: {  	v10 =	vld.idx.msk [tilespmem:v9+s26+$0x0], $0xffff;
	_ =	sdelay $0x2  }
0x1ee: {  	v11 =	vmul.f32 $8.999999760e-01, v8;
	_ =	sdelay $0x1  }
0x1ef: {  	v10 =	vmul.f32 $1.000000010e-01, v10;
	v7 =	vmul.f32 v7, v11;
	_ =	sdelay $0x1  }
0x1f0: {  	s23 =	simm.s32 $0x2;
	v7 =	vadd.f32 v10, v7  }
0x1f1: {  	v10 =	vor.u32 s23, v0  }
0x1f2: {  	v11 =	vadd.s32 v6, v10;
	v10 =	vshll.u32 v10, $0x3;
	v7 =	vmax.f32 v7, $0.0e+00  }
0x1f3: {  	v12 =	vmin.f32 v7, $1.000000000e+00;
	v7 =	vor.u32 v2, v10  }
0x1f4: {  	v8 =	vmul.f32 v12, v8  }
0x1f5: {  	[tilespmem:v9+s4+$0x0] =	vst.idx.msk $0xffff, v12  }
0x1f6: {  	[tilespmem:v9+s26+$0x0] =	vst.idx.msk $0xffff, v8  }
0x1f7: {  	v8 =	vld.idx.msk [tilespmem:v11+s28+$0x0], $0xffff  }
0x1f8: {  	v10 =	vld.idx.msk [tilespmem:v7+s4+$0x0], $0xffff  }
0x1f9: {  	v9 =	vld.idx.msk [tilespmem:v7+s26+$0x0], $0xffff;
	_ =	sdelay $0x2  }
0x1fa: {  	v11 =	vmul.f32 $8.999999760e-01, v8;
	_ =	sdelay $0x1  }
0x1fb: {  	v9 =	vmul.f32 $1.000000010e-01, v9;
	v10 =	vmul.f32 v10, v11  }
0x1fc: {  	s22 =	simm.s32 $0x6;
	s30 =	simm.s32 $0x4;
	s23 =	simm.s32 $0xA  }
.LBB2_20:
0x1fd: {  	p2 =	sne.s32 s23, $0x186;
	v11 =	vor.u32 s30, v0;
	v12 =	vadd.s32 s30, v6;
	v9 =	vadd.f32 v9, v10  }
0x1fe: {  	v10 =	vand.u32 $0x3FF8, v12;
	v12 =	vand.u32 $0x5, v11  }
0x1ff: {  	v11 =	vshll.u32 v11, $0x3;
	v10 =	vor.u32 v12, v10;
	v9 =	vmax.f32 v9, $0.0e+00  }
0x200: {  	v11 =	vor.u32 v2, v11;
	v9 =	vmin.f32 v9, $1.000000000e+00  }
0x201: {  	[tilespmem:v7+s4+$0x0] =	vst.idx.msk $0xffff, v9;
	v8 =	vmul.f32 v9, v8;
	_ =	sdelay $0x1  }
0x202: {  	[tilespmem:v7+s26+$0x0] =	vst.idx.msk $0xffff, v8  }
0x203: {  	v8 =	vld.idx.msk [tilespmem:v10+s28+$0x0], $0xffff  }
0x204: {  	v7 =	vld.idx.msk [tilespmem:v11+s4+$0x0], $0xffff  }
0x205: {  	v9 =	vld.idx.msk [tilespmem:v11+s26+$0x0], $0xffff;
	_ =	sdelay $0x3  }
0x206: {  	v10 =	vmul.f32 $8.999999760e-01, v8;
	_ =	sdelay $0x1  }
0x207: {  	v9 =	vmul.f32 $1.000000010e-01, v9;
	v7 =	vmul.f32 v7, v10;
	_ =	sdelay $0x1  }
0x208: {  	v7 =	vadd.f32 v9, v7  }
0x209: {  	v9 =	vor.u32 s22, v0;
	s22 =	smov.u32 s23  }
0x20a: {  	v10 =	vadd.s32 v6, v9;
	v9 =	vshll.u32 v9, $0x3;
	v7 =	vmax.f32 v7, $0.0e+00  }
0x20b: {  	v12 =	vmin.f32 v7, $1.000000000e+00;
	v7 =	vor.u32 v2, v9  }
0x20c: {  	v8 =	vmul.f32 v12, v8;
	[tilespmem:v11+s4+$0x0] =	vst.idx.msk $0xffff, v12;
	_ =	sdelay $0x1  }
0x20d: {  	[tilespmem:v11+s26+$0x0] =	vst.idx.msk $0xffff, v8  }
0x20e: {  	v8 =	vld.idx.msk [tilespmem:v10+s28+$0x0], $0xffff  }
0x20f: {  	v10 =	vld.idx.msk [tilespmem:v7+s4+$0x0], $0xffff  }
0x210: {  	v9 =	vld.idx.msk [tilespmem:v7+s26+$0x0], $0xffff;
	_ =	sdelay $0x2  }
.Ltmp11:
0x211: {  	(pc) =	sbr.rel @p2 .LBB2_20-.Ltmp11, $3  }
0x212: {  	v11 =	vmul.f32 $8.999999760e-01, v8;
	_ =	sdelay $0x1  }
0x213: {  	v9 =	vmul.f32 $1.000000010e-01, v9;
	v10 =	vmul.f32 v10, v11  }
0x214: {  	s23 =	sadd.s32 $0x4, s23;
	s30 =	sadd.s32 $0xFFFFFFFE, s22  }
0x215: {  	v11 =	vor.u32 s30, v0;
	v12 =	vadd.s32 s30, v6;
	v9 =	vadd.f32 v9, v10  }
0x216: {  	v10 =	vand.u32 $0x3FF8, v12;
	v62 =	vand.u32 $0x5, v11  }
0x217: {  	v11 =	vshll.u32 v11, $0x3;
	v10 =	vor.u32 v62, v10;
	v9 =	vmax.f32 v9, $0.0e+00  }
0x218: {  	v11 =	vor.u32 v2, v11;
	v9 =	vmin.f32 v9, $1.000000000e+00  }
0x219: {  	v8 =	vmul.f32 v9, v8  }
0x21a: {  	[tilespmem:v7+s4+$0x0] =	vst.idx.msk $0xffff, v9  }
0x21b: {  	[tilespmem:v7+s26+$0x0] =	vst.idx.msk $0xffff, v8  }
0x21c: {  	v7 =	vld.idx.msk [tilespmem:v10+s28+$0x0], $0xffff  }
0x21d: {  	v8 =	vld.idx.msk [tilespmem:v11+s4+$0x0], $0xffff  }
0x21e: {  	v9 =	vld.idx.msk [tilespmem:v11+s26+$0x0], $0xffff;
	_ =	sdelay $0x2  }
0x21f: {  	v10 =	vmul.f32 $8.999999760e-01, v7;
	_ =	sdelay $0x1  }
0x220: {  	v9 =	vmul.f32 $1.000000010e-01, v9;
	v8 =	vmul.f32 v8, v10;
	_ =	sdelay $0x1  }
0x221: {  	v8 =	vadd.f32 v9, v8  }
0x222: {  	v9 =	vor.u32 s22, v0  }
0x223: {  	v6 =	vadd.s32 v6, v9;
	v9 =	vshll.u32 v9, $0x3;
	v8 =	vmax.f32 v8, $0.0e+00  }
0x224: {  	v9 =	vor.u32 v2, v9;
	v8 =	vmin.f32 v8, $1.000000000e+00  }
0x225: {  	v7 =	vmul.f32 v8, v7  }
0x226: {  	[tilespmem:v11+s4+$0x0] =	vst.idx.msk $0xffff, v8  }
0x227: {  	[tilespmem:v11+s26+$0x0] =	vst.idx.msk $0xffff, v7  }
0x228: {  	v6 =	vld.idx.msk [tilespmem:v6+s28+$0x0], $0xffff  }
0x229: {  	v7 =	vld.idx.msk [tilespmem:v9+s4+$0x0], $0xffff  }
0x22a: {  	v8 =	vld.idx.msk [tilespmem:v9+s26+$0x0], $0xffff;
	_ =	sdelay $0x2  }
0x22b: {  	v10 =	vmul.f32 $8.999999760e-01, v6;
	_ =	sdelay $0x1  }
0x22c: {  	v8 =	vmul.f32 $1.000000010e-01, v8;
	v7 =	vmul.f32 v7, v10;
	_ =	sdelay $0x1  }
0x22d: {  	v7 =	vadd.f32 v8, v7;
	_ =	sdelay $0x1  }
0x22e: {  	v7 =	vmax.f32 v7, $0.0e+00  }
0x22f: {  	v7 =	vmin.f32 v7, $1.000000000e+00  }
0x230: {  	v6 =	vmul.f32 v7, v6  }
0x231: {  	[tilespmem:v9+s4+$0x0] =	vst.idx.msk $0xffff, v7  }
0x232: {  	s13 =	sadd.s32 s13, s3;
	[tilespmem:v9+s26+$0x0] =	vst.idx.msk $0xffff, v6  }
0x233: {  	[spmem:s13] =	stream.linear.scatter [tilespmem:s26], [sflag:$0x6], $0xC40, $0x38;
	[tilespmem:$0x1FA20] =	vst v63  }
0x234: {  	_ =	swait.ge [sflag:s20], $0xC40  }
0x235: {  	[sflag:s20] =	ssyncset.done $0x0;
	s13 =	rddreg [dreg:$0x13]  }
0x236: {  	[sflag:s20] =	ssyncadd.s32 $0xFFFFF3C0;
	s6 =	sadd.s32 @!p1 s6, s13;
	s13 =	simm.s32 @!p1 $0x0  }
0x237: {  	[hbm4b:s6+s13] =	stream.linear.scatter @!p1 [tilespmem:s13], [sflag:$0x6], $0xC40, $0x38;
	[tilespmem:$0x1FA20] =	vst v63  }
0x238: {  	s6 =	simm.s32 @!p1 $0x6  }
0x239: {  	_ =	swait.ge @!p1 [sflag:s6], $0xC40  }
0x23a: {  	[sflag:s6] =	ssyncset.done @!p1 $0x0  }
0x23b: {  	p2 =	seq.s32 s12, $0x7;
	[sflag:s6] =	ssyncadd.s32 @!p1 $0xFFFFF3C0;
	s6 =	rddreg [dreg:$0x14]  }
0x23c: {  	s13 =	simm.s32 @!p2 $0xF110;
	s5 =	sadd.s32 @!p2 s5, s6;
	s6 =	simm.s32 @!p2 $0x0  }
0x23d: {  	[tilespmem:s13], [sflag:$0x3] =	stream.linear.gather @!p2 [hbm4b:s5+s6], $0xC40, $0x38;
	[tilespmem:$0x1FA20] =	vst v63  }
0x23e: {  	s5 =	sshll.u32 s16, $0x3  }
0x23f: {  	s16 =	sadd.s32 s5, s2  }
0x240: {  	[tilespmem:s4], [sflag:$0x6] =	stream.linear.gather [spmem:s16], $0xC40, $0x38;
	[tilespmem:$0x1FA20] =	vst v63  }
0x241: {  	_ =	swait.ge [sflag:s20], $0xC40  }
0x242: {  	[sflag:s20] =	ssyncset.done $0x0  }
0x243: {  	s30 =	simm.s32 $0x1EDE0;
	s22 =	simm.s32 $0x0;
	v6 =	vmov s0;
	[sflag:s20] =	ssyncadd.s32 $0xFFFFF3C0  }
0x244: {  	v7 =	vor.u32 s22, v0;
	v8 =	vadd.s32 s22, v6;
	[spmem:s16] =	stream.linear.scatter [tilespmem:s30], [sflag:$0x6], $0xC40, $0x38;
	[tilespmem:$0x1FA20] =	vst v63  }
0x245: {  	v9 =	vand.u32 $0x5, v7;
	v8 =	vand.u32 $0x7FF8, v8;
	_ =	swait.ge [sflag:s20], $0xC40  }
0x246: {  	v7 =	vshll.u32 v7, $0x3;
	v8 =	vor.u32 v9, v8;
	[sflag:s20] =	ssyncset.done $0x0  }
0x247: {  	v9 =	vor.u32 v2, v7;
	[sflag:s20] =	ssyncadd.s32 $0xFFFFF3C0  }
0x248: {  	_ =	swait.ge [sflag:s21], $0xC40  }
0x249: {  	[sflag:s21] =	ssyncset.done $0x0  }
0x24a: {  	[sflag:s21] =	ssyncadd.s32 $0xFFFFF3C0  }
0x24b: {  	v8 =	vld.idx.msk [tilespmem:v8+s28+$0x0], $0xffff  }
0x24c: {  	v7 =	vld.idx.msk [tilespmem:v9+s4+$0x0], $0xffff  }
0x24d: {  	v10 =	vld.idx.msk [tilespmem:v9+s19+$0x0], $0xffff;
	_ =	sdelay $0x2  }
0x24e: {  	v11 =	vmul.f32 $8.999999760e-01, v8;
	_ =	sdelay $0x1  }
0x24f: {  	v10 =	vmul.f32 $1.000000010e-01, v10;
	v7 =	vmul.f32 v7, v11;
	_ =	sdelay $0x1  }
0x250: {  	s23 =	simm.s32 $0x2;
	v7 =	vadd.f32 v10, v7  }
0x251: {  	v10 =	vor.u32 s23, v0  }
0x252: {  	v11 =	vadd.s32 v6, v10;
	v10 =	vshll.u32 v10, $0x3;
	v7 =	vmax.f32 v7, $0.0e+00  }
0x253: {  	v63 =	vmin.f32 v7, $1.000000000e+00;
	v7 =	vor.u32 v2, v10  }
0x254: {  	v8 =	vmul.f32 v63, v8  }
0x255: {  	[tilespmem:v9+s4+$0x0] =	vst.idx.msk $0xffff, v63  }
0x256: {  	[tilespmem:v9+s19+$0x0] =	vst.idx.msk $0xffff, v8  }
0x257: {  	v8 =	vld.idx.msk [tilespmem:v11+s28+$0x0], $0xffff  }
0x258: {  	v10 =	vld.idx.msk [tilespmem:v7+s4+$0x0], $0xffff  }
0x259: {  	v9 =	vld.idx.msk [tilespmem:v7+s19+$0x0], $0xffff;
	_ =	sdelay $0x2  }
0x25a: {  	v11 =	vmul.f32 $8.999999760e-01, v8;
	_ =	sdelay $0x1  }
0x25b: {  	v9 =	vmul.f32 $1.000000010e-01, v9;
	v10 =	vmul.f32 v10, v11  }
0x25c: {  	s0 =	simm.s32 $0x6;
	s13 =	simm.s32 $0x4;
	s6 =	simm.s32 $0xA  }
.LBB2_22:
0x25d: {  	p2 =	sne.s32 s6, $0x186;
	v11 =	vor.u32 s13, v0;
	v12 =	vadd.s32 s13, v6;
	v9 =	vadd.f32 v9, v10  }
0x25e: {  	v10 =	vand.u32 $0x7FF8, v12;
	v12 =	vand.u32 $0x5, v11  }
0x25f: {  	v11 =	vshll.u32 v11, $0x3;
	v10 =	vor.u32 v12, v10;
	v9 =	vmax.f32 v9, $0.0e+00  }
0x260: {  	v11 =	vor.u32 v2, v11;
	v9 =	vmin.f32 v9, $1.000000000e+00  }
0x261: {  	[tilespmem:v7+s4+$0x0] =	vst.idx.msk $0xffff, v9;
	v8 =	vmul.f32 v9, v8;
	_ =	sdelay $0x1  }
0x262: {  	[tilespmem:v7+s19+$0x0] =	vst.idx.msk $0xffff, v8  }
0x263: {  	v8 =	vld.idx.msk [tilespmem:v10+s28+$0x0], $0xffff  }
0x264: {  	v7 =	vld.idx.msk [tilespmem:v11+s4+$0x0], $0xffff  }
0x265: {  	v9 =	vld.idx.msk [tilespmem:v11+s19+$0x0], $0xffff;
	_ =	sdelay $0x3  }
0x266: {  	v10 =	vmul.f32 $8.999999760e-01, v8;
	_ =	sdelay $0x1  }
0x267: {  	v9 =	vmul.f32 $1.000000010e-01, v9;
	v7 =	vmul.f32 v7, v10;
	_ =	sdelay $0x1  }
0x268: {  	v7 =	vadd.f32 v9, v7  }
0x269: {  	v9 =	vor.u32 s0, v0;
	s0 =	smov.u32 s6  }
0x26a: {  	v10 =	vadd.s32 v6, v9;
	v9 =	vshll.u32 v9, $0x3;
	v7 =	vmax.f32 v7, $0.0e+00  }
0x26b: {  	v12 =	vmin.f32 v7, $1.000000000e+00;
	v7 =	vor.u32 v2, v9  }
0x26c: {  	v8 =	vmul.f32 v12, v8;
	[tilespmem:v11+s4+$0x0] =	vst.idx.msk $0xffff, v12;
	_ =	sdelay $0x1  }
0x26d: {  	[tilespmem:v11+s19+$0x0] =	vst.idx.msk $0xffff, v8  }
0x26e: {  	v8 =	vld.idx.msk [tilespmem:v10+s28+$0x0], $0xffff  }
0x26f: {  	v10 =	vld.idx.msk [tilespmem:v7+s4+$0x0], $0xffff  }
0x270: {  	v9 =	vld.idx.msk [tilespmem:v7+s19+$0x0], $0xffff;
	_ =	sdelay $0x2  }
.Ltmp12:
0x271: {  	(pc) =	sbr.rel @p2 .LBB2_22-.Ltmp12, $3  }
0x272: {  	v11 =	vmul.f32 $8.999999760e-01, v8;
	_ =	sdelay $0x1  }
0x273: {  	v9 =	vmul.f32 $1.000000010e-01, v9;
	v10 =	vmul.f32 v10, v11  }
0x274: {  	s6 =	sadd.s32 $0x4, s6;
	s13 =	sadd.s32 $0xFFFFFFFE, s0  }
0x275: {  	v11 =	vor.u32 s13, v0;
	v12 =	vadd.s32 s13, v6;
	v9 =	vadd.f32 v9, v10  }
0x276: {  	v60 =	vand.u32 $0x7FF8, v12;
	v61 =	vand.u32 $0x5, v11  }
0x277: {  	v11 =	vshll.u32 v11, $0x3;
	v10 =	vor.u32 v61, v60;
	v9 =	vmax.f32 v9, $0.0e+00  }
0x278: {  	v11 =	vor.u32 v2, v11;
	v9 =	vmin.f32 v9, $1.000000000e+00  }
0x279: {  	v8 =	vmul.f32 v9, v8  }
0x27a: {  	[tilespmem:v7+s4+$0x0] =	vst.idx.msk $0xffff, v9  }
0x27b: {  	[tilespmem:v7+s19+$0x0] =	vst.idx.msk $0xffff, v8  }
0x27c: {  	v7 =	vld.idx.msk [tilespmem:v10+s28+$0x0], $0xffff  }
0x27d: {  	v8 =	vld.idx.msk [tilespmem:v11+s4+$0x0], $0xffff  }
0x27e: {  	v9 =	vld.idx.msk [tilespmem:v11+s19+$0x0], $0xffff;
	_ =	sdelay $0x2  }
0x27f: {  	v10 =	vmul.f32 $8.999999760e-01, v7;
	_ =	sdelay $0x1  }
0x280: {  	v9 =	vmul.f32 $1.000000010e-01, v9;
	v8 =	vmul.f32 v8, v10;
	_ =	sdelay $0x1  }
0x281: {  	v8 =	vadd.f32 v9, v8  }
0x282: {  	v62 =	vor.u32 s0, v0  }
0x283: {  	v6 =	vadd.s32 v6, v62;
	v9 =	vshll.u32 v62, $0x3;
	v8 =	vmax.f32 v8, $0.0e+00  }
0x284: {  	v9 =	vor.u32 v2, v9;
	v8 =	vmin.f32 v8, $1.000000000e+00  }
0x285: {  	v7 =	vmul.f32 v8, v7  }
0x286: {  	[tilespmem:v11+s4+$0x0] =	vst.idx.msk $0xffff, v8  }
0x287: {  	[tilespmem:v11+s19+$0x0] =	vst.idx.msk $0xffff, v7  }
0x288: {  	v6 =	vld.idx.msk [tilespmem:v6+s28+$0x0], $0xffff  }
0x289: {  	v7 =	vld.idx.msk [tilespmem:v9+s4+$0x0], $0xffff  }
0x28a: {  	v8 =	vld.idx.msk [tilespmem:v9+s19+$0x0], $0xffff;
	_ =	sdelay $0x2  }
0x28b: {  	v63 =	vmul.f32 $8.999999760e-01, v6;
	_ =	sdelay $0x1  }
0x28c: {  	v8 =	vmul.f32 $1.000000010e-01, v8;
	v7 =	vmul.f32 v7, v63;
	_ =	sdelay $0x1  }
0x28d: {  	v7 =	vadd.f32 v8, v7;
	_ =	sdelay $0x1  }
0x28e: {  	v7 =	vmax.f32 v7, $0.0e+00  }
0x28f: {  	v7 =	vmin.f32 v7, $1.000000000e+00  }
0x290: {  	v6 =	vmul.f32 v7, v6  }
0x291: {  	[tilespmem:v9+s4+$0x0] =	vst.idx.msk $0xffff, v7  }
0x292: {  	s23 =	sadd.s32 s5, s3;
	[tilespmem:v9+s19+$0x0] =	vst.idx.msk $0xffff, v6  }
0x293: {  	[spmem:s23] =	stream.linear.scatter [tilespmem:s19], [sflag:$0x6], $0xC40, $0x38;
	[tilespmem:$0x1FA20] =	vst v63  }
0x294: {  	s5 =	simm.s32 @!p1 $0x0;
	_ =	swait.ge [sflag:s20], $0xC40  }
0x295: {  	s12 =	sadd.s32 $0x1, s12;
	[sflag:s20] =	ssyncset.done $0x0;
	s0 =	rddreg [dreg:$0x6]  }
0x296: {  	p2 =	sne.s32 s12, $0x8;
	[sflag:s20] =	ssyncadd.s32 $0xFFFFF3C0;
	s0 =	sadd.s32 @!p1 s0, s17  }
0x297: {  	[hbm4b:s0+s5] =	stream.linear.scatter @!p1 [tilespmem:s5], [sflag:$0x5], $0xC40, $0x38;
	[tilespmem:$0x1FA20] =	vst v63  }
.Ltmp13:
0x298: {  	_ = 	snop;
	(pc) =	sbr.rel @p2 .LBB2_19-.Ltmp13, $4  }
0x299: {  	s0 =	simm.s32 @!p1 $0x5  }
0x29a: {  	_ =	swait.ge @!p1 [sflag:s0], $0xC40  }
0x29b: {  	[sflag:s0] =	ssyncset.done @!p1 $0x0  }
0x29c: {  	[sflag:s0] =	ssyncadd.s32 @!p1 $0xFFFFF3C0  }
0x29d: {  	s13 =	sld [smem:$0x7F4]  }
0x29e: {  	s0 =	sld [smem:$0x7F7];
	_ =	sdelay $0x1  }
0x29f: {  	s13 =	sadd.s32 $0x1, s13  }
0x2a0: {  	p1 =	sne.s32 s13, s0  }
.Ltmp14:
0x2a1: {  	_ = 	snop;
	(pc) =	sbr.rel @p1 .LBB2_16-.Ltmp14, $4  }
.Ltmp15:
0x2a2: {  	_ = 	snop;
	(pc) =	sbr.rel @!p1 .LBB2_25-.Ltmp15, $4  }
0x2a3: {  	_ = 	snop  }
0x2a4: {  	[bflag:$0x0] =	sbarrier.arrive $0xFFFF  }
0x2a5: {  	_ = 	snop  }
0x2a6: {  	_ = 	snop  }
.LBB2_26:
0x2a7: {  	_ =	sfence.sel $0x180000  }
0x2a8: {  	[bflag:$0x0] =	sbarrier.arrive $0xFFFF  }
0x2a9: {  	_ =	strace $0x90000047  }
0x2aa: {  	[bflag:$0x2] =	sbarrier.arrive $0xFFFF  }
0x2ab: {  	s0 =	rddreg [dreg:$0x4]  }
0x2ac: {  	s0 =	sadd.s32 @!p0 $0x100000, s0  }
0x2ad: {  	[sflag:s0] =	ssyncadd.tile.s32 @!p0 $0x1;
	_ =	shalt  }
.Lfunc_end2:
_tile_overlayer_lowered:
.L_overlay_start_2:
0x2ae: {  	(tag) =	ssettag $0x2  }
0x2af: {  	s0 =	rddreg [dreg:$0x0];
	s2 =	stileid.u32  }
0x2b0: {  	s1 =	rddreg [dreg:$0x1];
	p0 =	sne.s32 s2, $0x0  }
0x2b1: {  	s3 =	rddreg [dreg:$0x2];
	[bflag:$0x3] =	sbarrier.arrive $0xFFFF;
	s2 =	simm.s32 @!p0 $0x1C05  }
0x2b2: {  	[timem:s3], [sflag:s2] =	dma.local @!p0 [hbm:s0], s1  }
0x2b3: {  	s0 =	simm.s32 @!p0 $0x5  }
0x2b4: {  	_ =	swait.ge @!p0 [sflag:s0], s1  }
0x2b5: {  	s1 =	ssub.s32 @!p0 $0x0, s1;
	[sflag:s0] =	ssyncset.done @!p0 $0x0  }
0x2b6: {  	[sflag:s0] =	ssyncadd.s32 @!p0 s1  }
0x2b7: {  	[bflag:$0x3] =	sbarrier.arrive $0xFFFF  }
0x2b8: {  	_ =	shalt  }

</sc_bundles>
